<compile_context>
chip_gen: v7x
topology: tpu7x:2x2x1
jax: 0.10.2.dev20260603
libtpu: 0.0.44.dev20260713+nightly
codegen_flags: <defaults>
</compile_context>

<pallas_src>
import functools

import jax
import jax.numpy as jnp
from jax import lax
from jax.experimental import pallas as pl
from jax.experimental.pallas import tpu as pltpu
from jax.experimental.pallas import tpu_sc as plsc

ALPHA = 0.5
N = 10000
E = 160000
D = 256
DC = 128
NSUB = 16
NPAD = 10240
STRIPE = NPAD // NSUB
B = 128
NBS = -(--(-E // (NSUB * B)) // 8) * 8
ROWS = NSUB * NBS
EPAD = ROWS * B
CW = 16
NB = 5
IB = 16
BLK = 1000


def _sc_body(src_ref, dst_ref, x0, x1,
             s1_ref, s2_ref, cnt_ref,
             acc, cntacc, gidxs, sidxs, r0, r1, r2, r3, r4, onesb, zbc,
             gsems, ssems, csem):
    c = lax.axis_index("c")
    s = lax.axis_index("s")
    base = s * NBS
    st = s * STRIPE
    rows = (r0, r1, r2, r3, r4)

    def fill(j, carry):
        onesb[j, pl.ds(0, CW)] = jnp.ones((CW,), jnp.float32)
        zbc[j, pl.ds(0, CW)] = jnp.zeros((CW,), jnp.float32)
        return carry
    lax.fori_loop(0, B, fill, 0)

    def gwait(k):
        pltpu.make_async_copy(x0.at[pl.ds(0, B)], rows[k], gsems.at[k]).wait()

    def swait(k):
        pltpu.make_async_copy(rows[k], acc.at[pl.ds(0, B)], ssems.at[k]).wait()

    def cwait():
        pltpu.make_async_copy(onesb, cntacc.at[pl.ds(0, B)], csem).wait()

    def gissue(j, k):
        @pl.when(c == 0)
        def _():
            pltpu.async_copy(x0.at[gidxs.at[j]], rows[k], gsems.at[k])

        @pl.when(c == 1)
        def _():
            pltpu.async_copy(x1.at[gidxs.at[j]], rows[k], gsems.at[k])

    def run_pass(gat_hbm, sca_hbm, out_ref, pass_id):
        cntp = c == pass_id

        def zfill(j, carry):
            for kk in range(DC // 32):
                r0[j, pl.ds(32 * kk, 32)] = jnp.zeros((32,), jnp.bfloat16)
            return carry
        lax.fori_loop(0, B, zfill, 0)
        for r in range(STRIPE // B):
            pltpu.sync_copy(r0, acc.at[pl.ds(st + r * B, B)])

        @pl.when(cntp)
        def _():
            for r in range(STRIPE // B):
                pltpu.sync_copy(zbc, cntacc.at[pl.ds(st + r * B, B)])

        pltpu.sync_copy(gat_hbm.at[pl.ds(base, NBS)], gidxs)
        pltpu.sync_copy(sca_hbm.at[pl.ds(base, NBS)], sidxs)
        plsc.subcore_barrier()

        for k in range(3):
            gissue(k, k)

        def group(q, carry):
            for k in range(NB):
                j = NB * q + k
                pk = (k + 3) % NB

                @pl.when(j >= 2)
                def _():
                    swait(pk)

                @pl.when(j + 3 < NBS)
                def _():
                    gissue(j + 3, pk)

                gwait(k)
                pltpu.async_copy(rows[k], acc.at[sidxs.at[j]], ssems.at[k],
                                 add=True)

                @pl.when(cntp & (j >= 1))
                def _():
                    cwait()

                @pl.when(cntp)
                def _():
                    pltpu.async_copy(onesb, cntacc.at[sidxs.at[j]], csem,
                                     add=True)
            return carry

        lax.fori_loop(0, NBS // NB, group, 0)
        swait((NBS - 2) % NB)
        swait((NBS - 1) % NB)

        @pl.when(cntp)
        def _():
            cwait()

        plsc.subcore_barrier()

        @pl.when(c == 0)
        def _():
            pltpu.sync_copy(acc.at[pl.ds(st, STRIPE)],
                            out_ref.at[0, pl.ds(st, STRIPE)])

        @pl.when(c == 1)
        def _():
            pltpu.sync_copy(acc.at[pl.ds(st, STRIPE)],
                            out_ref.at[1, pl.ds(st, STRIPE)])

        @pl.when(cntp)
        def _():
            pltpu.sync_copy(cntacc.at[pl.ds(st, STRIPE)],
                            cnt_ref.at[pass_id, pl.ds(st, STRIPE)])

        plsc.subcore_barrier()

    run_pass(src_ref, dst_ref, s1_ref, 0)
    run_pass(dst_ref, src_ref, s2_ref, 1)


_sc_agg = pl.kernel(
    _sc_body,
    out_type=(
        jax.ShapeDtypeStruct((2, NPAD, DC), jnp.bfloat16),
        jax.ShapeDtypeStruct((2, NPAD, DC), jnp.bfloat16),
        jax.ShapeDtypeStruct((2, NPAD, CW), jnp.float32),
    ),
    mesh=plsc.VectorSubcoreMesh(core_axis_name="c", subcore_axis_name="s"),
    compiler_params=pltpu.CompilerParams(use_tc_tiling_on_sc=False),
    scratch_types=[
        pltpu.VMEM_SHARED((NPAD, DC), jnp.bfloat16),
        pltpu.VMEM_SHARED((NPAD, CW), jnp.float32),
        pltpu.VMEM((NBS, B), jnp.int32),
        pltpu.VMEM((NBS, B), jnp.int32),
        pltpu.VMEM((B, DC), jnp.bfloat16),
        pltpu.VMEM((B, DC), jnp.bfloat16),
        pltpu.VMEM((B, DC), jnp.bfloat16),
        pltpu.VMEM((B, DC), jnp.bfloat16),
        pltpu.VMEM((B, DC), jnp.bfloat16),
        pltpu.VMEM((B, CW), jnp.float32),
        pltpu.VMEM((B, CW), jnp.float32),
        pltpu.SemaphoreType.DMA((NB,)),
        pltpu.SemaphoreType.DMA((NB,)),
        pltpu.SemaphoreType.DMA,
    ],
)


def _self_body(x0_ref, x1_ref, wst_ref, b_ref, o_ref):
    out = b_ref[...]
    for t in range(2):
        out += jnp.dot((x0_ref, x1_ref)[t][...], wst_ref[t * DC:(t + 1) * DC, :],
                       preferred_element_type=jnp.float32)
    o_ref[...] = out


def _self_mm(x0, x1, wst, bias):
    return pl.pallas_call(
        _self_body,
        grid=(N // BLK,),
        in_specs=[
            pl.BlockSpec((BLK, DC), lambda i: (i, 0)),
            pl.BlockSpec((BLK, DC), lambda i: (i, 0)),
            pl.BlockSpec((D, D), lambda i: (0, 0)),
            pl.BlockSpec((1, D), lambda i: (0, 0)),
        ],
        out_specs=pl.BlockSpec((BLK, D), lambda i: (i, 0)),
        out_shape=jax.ShapeDtypeStruct((N, D), jnp.float32),
    )(x0, x1, wst, bias)


def _combine_body(self_ref, s1_ref, s2_ref, cnt_ref, w1t_ref, w2t_ref, o_ref):
    r1 = 1.0 / jnp.maximum(cnt_ref[0, :, 0:1], 1.0)
    r2 = 1.0 / jnp.maximum(cnt_ref[1, :, 0:1], 1.0)
    m1 = jnp.zeros_like(self_ref[...])
    m2 = jnp.zeros_like(m1)
    for t in range(2):
        w = slice(t * DC, (t + 1) * DC)
        m1 += jnp.dot(s1_ref[t], w1t_ref[w, :],
                      preferred_element_type=jnp.float32)
        m2 += jnp.dot(s2_ref[t], w2t_ref[w, :],
                      preferred_element_type=jnp.float32)
    o_ref[...] = self_ref[...] + (1.0 - ALPHA) * r1 * m1 + ALPHA * r2 * m2


def _combine(self_out, s1, s2, cnt, w1t, w2t):
    return pl.pallas_call(
        _combine_body,
        grid=(N // BLK,),
        in_specs=[
            pl.BlockSpec((BLK, D), lambda i: (i, 0)),
            pl.BlockSpec((2, BLK, DC), lambda i: (0, i, 0)),
            pl.BlockSpec((2, BLK, DC), lambda i: (0, i, 0)),
            pl.BlockSpec((2, BLK, CW), lambda i: (0, i, 0)),
            pl.BlockSpec((D, D), lambda i: (0, 0)),
            pl.BlockSpec((D, D), lambda i: (0, 0)),
        ],
        out_specs=pl.BlockSpec((BLK, D), lambda i: (i, 0)),
        out_shape=jax.ShapeDtypeStruct((N, D), jnp.float32),
    )(self_out, s1, s2, cnt, w1t, w2t)


def kernel(x, edge_index, W_self, b_self, W1, b1, W2, b2):
    src = edge_index[0].astype(jnp.int32)
    dst = edge_index[1].astype(jnp.int32)
    padi = jnp.full((EPAD - E,), N, jnp.int32)
    src2 = jnp.concatenate([src, padi]).reshape(ROWS, B)
    dst2 = jnp.concatenate([dst, padi]).reshape(ROWS, B)
    xp = jnp.pad(x.astype(jnp.bfloat16), ((0, NPAD - N), (0, 0)))
    xcs = [xp[:, t * DC:(t + 1) * DC] for t in range(2)]
    s1, s2, cnt = _sc_agg(src2, dst2, *xcs)
    bias = (b_self + (1.0 - ALPHA) * b1 + ALPHA * b2)[None, :]
    bf = jnp.bfloat16
    self_out = _self_mm(xcs[0], xcs[1], W_self.T.astype(bf), bias)
    return _combine(self_out, s1, s2, cnt, W1.T.astype(bf), W2.T.astype(bf))

# --- scband reference (transcript-rebuilt; emitter-appended) ---
"""Pipeline reference for scband-dir-sage-conv-5592047419482 (READ-ONLY COPY).

The authoritative reference and input builder live on the scoring server;
editing this copy changes nothing except your own understanding.
"""

import jax, jax.numpy as jnp
import numpy as np

N_NODES = 10000
N_EDGES = 160000
D_IN = 256
D_OUT = 256
ALPHA = 0.5


def setup_inputs(seed: int = 0) -> dict:
    key = jax.random.key(seed)
    ks = jax.random.split(key, 8)
    x = jax.random.normal(ks[0], (N_NODES, D_IN), dtype=jnp.float32)
    edge_index = jax.random.randint(ks[1], (2, N_EDGES), 0, N_NODES, dtype=jnp.int64)
    # learned parameters
    W_self = jax.random.normal(ks[2], (D_OUT, D_IN), dtype=jnp.float32) * 0.05
    b_self = jnp.zeros((D_OUT,), dtype=jnp.float32)
    W1 = jax.random.normal(ks[3], (D_OUT, D_IN), dtype=jnp.float32) * 0.05
    b1 = jnp.zeros((D_OUT,), dtype=jnp.float32)
    W2 = jax.random.normal(ks[4], (D_OUT, D_IN), dtype=jnp.float32) * 0.05
    b2 = jnp.zeros((D_OUT,), dtype=jnp.float32)
    return {"x": x, "edge_index": edge_index, "W_self": W_self, "b_self": b_self,
            "W1": W1, "b1": b1, "W2": W2, "b2": b2}


def _mean_aggr(msgs, seg_ids, n_nodes):
    s = jax.ops.segment_sum(msgs, seg_ids, num_segments=n_nodes)
    cnt = jax.ops.segment_sum(jnp.ones((msgs.shape[0],), msgs.dtype), seg_ids, num_segments=n_nodes)
    return s / jnp.maximum(cnt, 1.0)[:, None]


def reference(x, edge_index, W_self, b_self, W1, b1, W2, b2):
    src = edge_index[0]
    dst = edge_index[1]
    n = x.shape[0]
    # SAGEConv(flow='source_to_target', root_weight=False, aggr='mean'):
    # aggregate x[src] at dst, then linear
    agg1 = _mean_aggr(jnp.take(x, src, axis=0), dst, n)
    out1 = agg1 @ W1.T + b1
    # SAGEConv(flow='target_to_source', root_weight=False, aggr='mean'):
    # aggregate x[dst] at src, then linear
    agg2 = _mean_aggr(jnp.take(x, dst, axis=0), src, n)
    out2 = agg2 @ W2.T + b2
    self_out = x @ W_self.T + b_self
    return self_out + (1.0 - ALPHA) * out1 + ALPHA * out2

if __name__ == "__main__":
    import jax
    _d = setup_inputs()
    print(jax.jit(kernel)(*tuple(_d.values())))

</pallas_src>

<mosaic_0001>
#map = affine_map<(d0, d1) -> (0, 0)>
#map1 = affine_map<(d0, d1) -> (0, 0, 0)>
module attributes {stable_mosaic.version = 14 : i64} {
  func.func @_sc_body(%arg0: i32, %arg1: i32, %arg2: memref<1280x128xi32, #tpu.memory_space<hbm>>, %arg3: memref<1280x128xi32, #tpu.memory_space<hbm>>, %arg4: memref<10240x128xbf16, #tpu.memory_space<hbm>>, %arg5: memref<10240x128xbf16, #tpu.memory_space<hbm>>, %arg6: memref<2x10240x128xbf16, #tpu.memory_space<hbm>>, %arg7: memref<2x10240x128xbf16, #tpu.memory_space<hbm>>, %arg8: memref<2x10240x16xf32, #tpu.memory_space<hbm>>, %arg9: memref<10240x128xbf16, #tpu.memory_space<vmem_shared>>, %arg10: memref<10240x16xf32, #tpu.memory_space<vmem_shared>>, %arg11: memref<80x128xi32, #tpu.memory_space<vmem>>, %arg12: memref<80x128xi32, #tpu.memory_space<vmem>>, %arg13: memref<128x128xbf16, #tpu.memory_space<vmem>>, %arg14: memref<128x128xbf16, #tpu.memory_space<vmem>>, %arg15: memref<128x128xbf16, #tpu.memory_space<vmem>>, %arg16: memref<128x128xbf16, #tpu.memory_space<vmem>>, %arg17: memref<128x128xbf16, #tpu.memory_space<vmem>>, %arg18: memref<128x16xf32, #tpu.memory_space<vmem>>, %arg19: memref<128x16xf32, #tpu.memory_space<vmem>>, %arg20: memref<5x!tpu.dma_semaphore, #tpu.memory_space<semaphore_mem>>, %arg21: memref<5x!tpu.dma_semaphore, #tpu.memory_space<semaphore_mem>>, %arg22: memref<!tpu.dma_semaphore, #tpu.memory_space<semaphore_mem>>) attributes {dimension_semantics = [#tpu.dimension_semantics<core_parallel>, #tpu.dimension_semantics<subcore_parallel>], iteration_bounds = array<i64: 2, 16>, scalar_prefetch = 0 : i64, scratch_operands = 14 : i64, tpu.core_type = #tpu.core_type<sc_vector_subcore>, window_params = [{transform_indices = #map}, {transform_indices = #map}, {transform_indices = #map}, {transform_indices = #map}, {transform_indices = #map1}, {transform_indices = #map1}, {transform_indices = #map1}]} {
    %mul3A = arith.constant 80 : i32
    %mul3A_0 = arith.muli %arg1, %mul3A : i32
    %mul3A_1 = arith.constant 640 : i32
    %mul3A_2 = arith.muli %arg1, %mul3A_1 : i32
    %scan3A = arith.constant 0 : i32
    %scan3A_3 = arith.constant 0 : i32
    %scan3A_4 = arith.constant 128 : i32
    %scan3A_5 = arith.addi %scan3A_3, %scan3A_4 : i32
    %scan3A_6 = arith.constant 1 : i32
    scf.for %scan3A_190 = %scan3A_3 to %scan3A_5 step %scan3A_6  : i32 {
      %broadcast_in_dim3A = arith.constant 1.000000e+00 : f32
      %broadcast_in_dim3A_191 = vector.broadcast %broadcast_in_dim3A : f32 to vector<16xf32>
      %swap3A = arith.index_cast %scan3A_190 : i32 to index
      %swap3A_192 = arith.constant 0 : index
      %swap3A_193 = tpu.vector_load %arg18[%swap3A, %swap3A_192] {strides = array<i32>} : memref<128x16xf32, #tpu.memory_space<vmem>>, vector<1x16xf32>,
      %swap3A_194 = vector.shape_cast %swap3A_193 : vector<1x16xf32> to vector<16xf32>
      %swap3A_195 = vector.shape_cast %broadcast_in_dim3A_191 : vector<16xf32> to vector<1x16xf32>
      tpu.vector_store %arg18[%swap3A, %swap3A_192], %swap3A_195 {strides = array<i32>} : memref<128x16xf32, #tpu.memory_space<vmem>>, vector<1x16xf32>,
      %broadcast_in_dim3A_196 = arith.constant 0.000000e+00 : f32
      %broadcast_in_dim3A_197 = vector.broadcast %broadcast_in_dim3A_196 : f32 to vector<16xf32>
      %swap3A_198 = arith.index_cast %scan3A_190 : i32 to index
      %swap3A_199 = arith.constant 0 : index
      %swap3A_200 = tpu.vector_load %arg19[%swap3A_198, %swap3A_199] {strides = array<i32>} : memref<128x16xf32, #tpu.memory_space<vmem>>, vector<1x16xf32>,
      %swap3A_201 = vector.shape_cast %swap3A_200 : vector<1x16xf32> to vector<16xf32>
      %swap3A_202 = vector.shape_cast %broadcast_in_dim3A_197 : vector<16xf32> to vector<1x16xf32>
      tpu.vector_store %arg19[%swap3A_198, %swap3A_199], %swap3A_202 {strides = array<i32>} : memref<128x16xf32, #tpu.memory_space<vmem>>, vector<1x16xf32>,
    }
    %scan3A_7 = arith.constant 128 : i32
    %eq3A = arith.constant 0 : i32
    %eq3A_8 = arith.cmpi eq, %arg0, %eq3A : i32
    %scan3A_9 = arith.constant 0 : i32
    %scan3A_10 = arith.constant 0 : i32
    %scan3A_11 = arith.constant 128 : i32
    %scan3A_12 = arith.addi %scan3A_10, %scan3A_11 : i32
    %scan3A_13 = arith.constant 1 : i32
    scf.for %scan3A_190 = %scan3A_10 to %scan3A_12 step %scan3A_13  : i32 {
      %broadcast_in_dim3A = arith.constant 0.000000e+00 : bf16
      %broadcast_in_dim3A_191 = vector.broadcast %broadcast_in_dim3A : bf16 to vector<32xbf16>
      %swap3A = arith.index_cast %scan3A_190 : i32 to index
      %swap3A_192 = arith.constant 0 : index
      %swap3A_193 = tpu.vector_load %arg13[%swap3A, %swap3A_192] {strides = array<i32>} : memref<128x128xbf16, #tpu.memory_space<vmem>>, vector<1x32xbf16>,
      %swap3A_194 = vector.shape_cast %swap3A_193 : vector<1x32xbf16> to vector<32xbf16>
      %swap3A_195 = vector.shape_cast %broadcast_in_dim3A_191 : vector<32xbf16> to vector<1x32xbf16>
      tpu.vector_store %arg13[%swap3A, %swap3A_192], %swap3A_195 {strides = array<i32>} : memref<128x128xbf16, #tpu.memory_space<vmem>>, vector<1x32xbf16>,
      %broadcast_in_dim3A_196 = arith.constant 0.000000e+00 : bf16
      %broadcast_in_dim3A_197 = vector.broadcast %broadcast_in_dim3A_196 : bf16 to vector<32xbf16>
      %swap3A_198 = arith.index_cast %scan3A_190 : i32 to index
      %swap3A_199 = arith.constant 32 : index
      %swap3A_200 = tpu.vector_load %arg13[%swap3A_198, %swap3A_199] {strides = array<i32>} : memref<128x128xbf16, #tpu.memory_space<vmem>>, vector<1x32xbf16>,
      %swap3A_201 = vector.shape_cast %swap3A_200 : vector<1x32xbf16> to vector<32xbf16>
      %swap3A_202 = vector.shape_cast %broadcast_in_dim3A_197 : vector<32xbf16> to vector<1x32xbf16>
      tpu.vector_store %arg13[%swap3A_198, %swap3A_199], %swap3A_202 {strides = array<i32>} : memref<128x128xbf16, #tpu.memory_space<vmem>>, vector<1x32xbf16>,
      %broadcast_in_dim3A_203 = arith.constant 0.000000e+00 : bf16
      %broadcast_in_dim3A_204 = vector.broadcast %broadcast_in_dim3A_203 : bf16 to vector<32xbf16>
      %swap3A_205 = arith.index_cast %scan3A_190 : i32 to index
      %swap3A_206 = arith.constant 64 : index
      %swap3A_207 = tpu.vector_load %arg13[%swap3A_205, %swap3A_206] {strides = array<i32>} : memref<128x128xbf16, #tpu.memory_space<vmem>>, vector<1x32xbf16>,
      %swap3A_208 = vector.shape_cast %swap3A_207 : vector<1x32xbf16> to vector<32xbf16>
      %swap3A_209 = vector.shape_cast %broadcast_in_dim3A_204 : vector<32xbf16> to vector<1x32xbf16>
      tpu.vector_store %arg13[%swap3A_205, %swap3A_206], %swap3A_209 {strides = array<i32>} : memref<128x128xbf16, #tpu.memory_space<vmem>>, vector<1x32xbf16>,
      %broadcast_in_dim3A_210 = arith.constant 0.000000e+00 : bf16
      %broadcast_in_dim3A_211 = vector.broadcast %broadcast_in_dim3A_210 : bf16 to vector<32xbf16>
      %swap3A_212 = arith.index_cast %scan3A_190 : i32 to index
      %swap3A_213 = arith.constant 96 : index
      %swap3A_214 = tpu.vector_load %arg13[%swap3A_212, %swap3A_213] {strides = array<i32>} : memref<128x128xbf16, #tpu.memory_space<vmem>>, vector<1x32xbf16>,
      %swap3A_215 = vector.shape_cast %swap3A_214 : vector<1x32xbf16> to vector<32xbf16>
      %swap3A_216 = vector.shape_cast %broadcast_in_dim3A_211 : vector<32xbf16> to vector<1x32xbf16>
      tpu.vector_store %arg13[%swap3A_212, %swap3A_213], %swap3A_216 {strides = array<i32>} : memref<128x128xbf16, #tpu.memory_space<vmem>>, vector<1x32xbf16>,
    }
    %scan3A_14 = arith.constant 128 : i32
    %add3A = arith.constant 0 : i32
    %add3A_15 = arith.addi %mul3A_2, %add3A : i32
    "tpu.region"() ({
      %run_scoped3A = tpu.sem_alloc : memref<!tpu.dma_semaphore, #tpu.memory_space<semaphore_mem>>
      %dma_start3A = arith.constant 0 : i32
      %dma_start3A_190 = tpu.memref_slice %arg9[%add3A_15, %dma_start3A] : memref<10240x128xbf16, #tpu.memory_space<vmem_shared>> -> memref<128x128xbf16, #tpu.memory_space<vmem_shared>>
      %dma_start3A_191 = arith.constant 0 : i32
      %dma_start3A_192 = tpu.memref_slice %arg9[%add3A_15, %dma_start3A_191] : memref<10240x128xbf16, #tpu.memory_space<vmem_shared>> -> memref<128x128xbf16, #tpu.memory_space<vmem_shared>>
      tpu.enqueue_dma source(%arg13 : memref<128x128xbf16, #tpu.memory_space<vmem>>) target(%dma_start3A_192 : memref<128x128xbf16, #tpu.memory_space<vmem_shared>>) target_semaphore(%run_scoped3A : memref<!tpu.dma_semaphore, #tpu.memory_space<semaphore_mem>>)
      %dma_wait3A_193 = arith.constant 0 : i32
      %dma_wait3A_194 = tpu.memref_slice %arg9[%add3A_15, %dma_wait3A_193] : memref<10240x128xbf16, #tpu.memory_space<vmem_shared>> -> memref<128x128xbf16, #tpu.memory_space<vmem_shared>>
      %dma_wait3A_195 = arith.constant 0 : i32
      %dma_wait3A_196 = tpu.memref_slice %arg9[%add3A_15, %dma_wait3A_195] : memref<10240x128xbf16, #tpu.memory_space<vmem_shared>> -> memref<128x128xbf16, #tpu.memory_space<vmem_shared>>
      tpu.wait_dma2 semaphore(%run_scoped3A : memref<!tpu.dma_semaphore, #tpu.memory_space<semaphore_mem>>) src(%arg13 : memref<128x128xbf16, #tpu.memory_space<vmem>>) dst(%dma_wait3A_196 : memref<128x128xbf16, #tpu.memory_space<vmem_shared>>)
      tpu.yield
    }) : () -> ()
    %add3A_16 = arith.constant 128 : i32
    %add3A_17 = arith.addi %mul3A_2, %add3A_16 : i32
    "tpu.region"() ({
      %run_scoped3A = tpu.sem_alloc : memref<!tpu.dma_semaphore, #tpu.memory_space<semaphore_mem>>
      %dma_start3A = arith.constant 0 : i32
      %dma_start3A_190 = tpu.memref_slice %arg9[%add3A_17, %dma_start3A] : memref<10240x128xbf16, #tpu.memory_space<vmem_shared>> -> memref<128x128xbf16, #tpu.memory_space<vmem_shared>>
      %dma_start3A_191 = arith.constant 0 : i32
      %dma_start3A_192 = tpu.memref_slice %arg9[%add3A_17, %dma_start3A_191] : memref<10240x128xbf16, #tpu.memory_space<vmem_shared>> -> memref<128x128xbf16, #tpu.memory_space<vmem_shared>>
      tpu.enqueue_dma source(%arg13 : memref<128x128xbf16, #tpu.memory_space<vmem>>) target(%dma_start3A_192 : memref<128x128xbf16, #tpu.memory_space<vmem_shared>>) target_semaphore(%run_scoped3A : memref<!tpu.dma_semaphore, #tpu.memory_space<semaphore_mem>>)
      %dma_wait3A_193 = arith.constant 0 : i32
      %dma_wait3A_194 = tpu.memref_slice %arg9[%add3A_17, %dma_wait3A_193] : memref<10240x128xbf16, #tpu.memory_space<vmem_shared>> -> memref<128x128xbf16, #tpu.memory_space<vmem_shared>>
      %dma_wait3A_195 = arith.constant 0 : i32
      %dma_wait3A_196 = tpu.memref_slice %arg9[%add3A_17, %dma_wait3A_195] : memref<10240x128xbf16, #tpu.memory_space<vmem_shared>> -> memref<128x128xbf16, #tpu.memory_space<vmem_shared>>
      tpu.wait_dma2 semaphore(%run_scoped3A : memref<!tpu.dma_semaphore, #tpu.memory_space<semaphore_mem>>) src(%arg13 : memref<128x128xbf16, #tpu.memory_space<vmem>>) dst(%dma_wait3A_196 : memref<128x128xbf16, #tpu.memory_space<vmem_shared>>)
      tpu.yield
    }) : () -> ()
    %add3A_18 = arith.constant 256 : i32
    %add3A_19 = arith.addi %mul3A_2, %add3A_18 : i32
    "tpu.region"() ({
      %run_scoped3A = tpu.sem_alloc : memref<!tpu.dma_semaphore, #tpu.memory_space<semaphore_mem>>
      %dma_start3A = arith.constant 0 : i32
      %dma_start3A_190 = tpu.memref_slice %arg9[%add3A_19, %dma_start3A] : memref<10240x128xbf16, #tpu.memory_space<vmem_shared>> -> memref<128x128xbf16, #tpu.memory_space<vmem_shared>>
      %dma_start3A_191 = arith.constant 0 : i32
      %dma_start3A_192 = tpu.memref_slice %arg9[%add3A_19, %dma_start3A_191] : memref<10240x128xbf16, #tpu.memory_space<vmem_shared>> -> memref<128x128xbf16, #tpu.memory_space<vmem_shared>>
      tpu.enqueue_dma source(%arg13 : memref<128x128xbf16, #tpu.memory_space<vmem>>) target(%dma_start3A_192 : memref<128x128xbf16, #tpu.memory_space<vmem_shared>>) target_semaphore(%run_scoped3A : memref<!tpu.dma_semaphore, #tpu.memory_space<semaphore_mem>>)
      %dma_wait3A_193 = arith.constant 0 : i32
      %dma_wait3A_194 = tpu.memref_slice %arg9[%add3A_19, %dma_wait3A_193] : memref<10240x128xbf16, #tpu.memory_space<vmem_shared>> -> memref<128x128xbf16, #tpu.memory_space<vmem_shared>>
      %dma_wait3A_195 = arith.constant 0 : i32
      %dma_wait3A_196 = tpu.memref_slice %arg9[%add3A_19, %dma_wait3A_195] : memref<10240x128xbf16, #tpu.memory_space<vmem_shared>> -> memref<128x128xbf16, #tpu.memory_space<vmem_shared>>
      tpu.wait_dma2 semaphore(%run_scoped3A : memref<!tpu.dma_semaphore, #tpu.memory_space<semaphore_mem>>) src(%arg13 : memref<128x128xbf16, #tpu.memory_space<vmem>>) dst(%dma_wait3A_196 : memref<128x128xbf16, #tpu.memory_space<vmem_shared>>)
      tpu.yield
    }) : () -> ()
    %add3A_20 = arith.constant 384 : i32
    %add3A_21 = arith.addi %mul3A_2, %add3A_20 : i32
    "tpu.region"() ({
      %run_scoped3A = tpu.sem_alloc : memref<!tpu.dma_semaphore, #tpu.memory_space<semaphore_mem>>
      %dma_start3A = arith.constant 0 : i32
      %dma_start3A_190 = tpu.memref_slice %arg9[%add3A_21, %dma_start3A] : memref<10240x128xbf16, #tpu.memory_space<vmem_shared>> -> memref<128x128xbf16, #tpu.memory_space<vmem_shared>>
      %dma_start3A_191 = arith.constant 0 : i32
      %dma_start3A_192 = tpu.memref_slice %arg9[%add3A_21, %dma_start3A_191] : memref<10240x128xbf16, #tpu.memory_space<vmem_shared>> -> memref<128x128xbf16, #tpu.memory_space<vmem_shared>>
      tpu.enqueue_dma source(%arg13 : memref<128x128xbf16, #tpu.memory_space<vmem>>) target(%dma_start3A_192 : memref<128x128xbf16, #tpu.memory_space<vmem_shared>>) target_semaphore(%run_scoped3A : memref<!tpu.dma_semaphore, #tpu.memory_space<semaphore_mem>>)
      %dma_wait3A_193 = arith.constant 0 : i32
      %dma_wait3A_194 = tpu.memref_slice %arg9[%add3A_21, %dma_wait3A_193] : memref<10240x128xbf16, #tpu.memory_space<vmem_shared>> -> memref<128x128xbf16, #tpu.memory_space<vmem_shared>>
      %dma_wait3A_195 = arith.constant 0 : i32
      %dma_wait3A_196 = tpu.memref_slice %arg9[%add3A_21, %dma_wait3A_195] : memref<10240x128xbf16, #tpu.memory_space<vmem_shared>> -> memref<128x128xbf16, #tpu.memory_space<vmem_shared>>
      tpu.wait_dma2 semaphore(%run_scoped3A : memref<!tpu.dma_semaphore, #tpu.memory_space<semaphore_mem>>) src(%arg13 : memref<128x128xbf16, #tpu.memory_space<vmem>>) dst(%dma_wait3A_196 : memref<128x128xbf16, #tpu.memory_space<vmem_shared>>)
      tpu.yield
    }) : () -> ()
    %add3A_22 = arith.constant 512 : i32
    %add3A_23 = arith.addi %mul3A_2, %add3A_22 : i32
    "tpu.region"() ({
      %run_scoped3A = tpu.sem_alloc : memref<!tpu.dma_semaphore, #tpu.memory_space<semaphore_mem>>
      %dma_start3A = arith.constant 0 : i32
      %dma_start3A_190 = tpu.memref_slice %arg9[%add3A_23, %dma_start3A] : memref<10240x128xbf16, #tpu.memory_space<vmem_shared>> -> memref<128x128xbf16, #tpu.memory_space<vmem_shared>>
      %dma_start3A_191 = arith.constant 0 : i32
      %dma_start3A_192 = tpu.memref_slice %arg9[%add3A_23, %dma_start3A_191] : memref<10240x128xbf16, #tpu.memory_space<vmem_shared>> -> memref<128x128xbf16, #tpu.memory_space<vmem_shared>>
      tpu.enqueue_dma source(%arg13 : memref<128x128xbf16, #tpu.memory_space<vmem>>) target(%dma_start3A_192 : memref<128x128xbf16, #tpu.memory_space<vmem_shared>>) target_semaphore(%run_scoped3A : memref<!tpu.dma_semaphore, #tpu.memory_space<semaphore_mem>>)
      %dma_wait3A_193 = arith.constant 0 : i32
      %dma_wait3A_194 = tpu.memref_slice %arg9[%add3A_23, %dma_wait3A_193] : memref<10240x128xbf16, #tpu.memory_space<vmem_shared>> -> memref<128x128xbf16, #tpu.memory_space<vmem_shared>>
      %dma_wait3A_195 = arith.constant 0 : i32
      %dma_wait3A_196 = tpu.memref_slice %arg9[%add3A_23, %dma_wait3A_195] : memref<10240x128xbf16, #tpu.memory_space<vmem_shared>> -> memref<128x128xbf16, #tpu.memory_space<vmem_shared>>
      tpu.wait_dma2 semaphore(%run_scoped3A : memref<!tpu.dma_semaphore, #tpu.memory_space<semaphore_mem>>) src(%arg13 : memref<128x128xbf16, #tpu.memory_space<vmem>>) dst(%dma_wait3A_196 : memref<128x128xbf16, #tpu.memory_space<vmem_shared>>)
      tpu.yield
    }) : () -> ()
    %convert_element_type3A = arith.extui %eq3A_8 : i1 to i32
    %cond3A = arith.constant 0 : i32
    %cond3A_24 = arith.cmpi ne, %convert_element_type3A, %cond3A : i32
    scf.if %cond3A_24 {
      %add3A_190 = arith.constant 0 : i32
      %add3A_191 = arith.addi %mul3A_2, %add3A_190 : i32
      "tpu.region"() ({
        %run_scoped3A = tpu.sem_alloc : memref<!tpu.dma_semaphore, #tpu.memory_space<semaphore_mem>>
        %dma_start3A = arith.constant 0 : i32
        %dma_start3A_200 = tpu.memref_slice %arg10[%add3A_191, %dma_start3A] : memref<10240x16xf32, #tpu.memory_space<vmem_shared>> -> memref<128x16xf32, #tpu.memory_space<vmem_shared>>
        %dma_start3A_201 = arith.constant 0 : i32
        %dma_start3A_202 = tpu.memref_slice %arg10[%add3A_191, %dma_start3A_201] : memref<10240x16xf32, #tpu.memory_space<vmem_shared>> -> memref<128x16xf32, #tpu.memory_space<vmem_shared>>
        tpu.enqueue_dma source(%arg19 : memref<128x16xf32, #tpu.memory_space<vmem>>) target(%dma_start3A_202 : memref<128x16xf32, #tpu.memory_space<vmem_shared>>) target_semaphore(%run_scoped3A : memref<!tpu.dma_semaphore, #tpu.memory_space<semaphore_mem>>)
        %dma_wait3A_203 = arith.constant 0 : i32
        %dma_wait3A_204 = tpu.memref_slice %arg10[%add3A_191, %dma_wait3A_203] : memref<10240x16xf32, #tpu.memory_space<vmem_shared>> -> memref<128x16xf32, #tpu.memory_space<vmem_shared>>
        %dma_wait3A_205 = arith.constant 0 : i32
        %dma_wait3A_206 = tpu.memref_slice %arg10[%add3A_191, %dma_wait3A_205] : memref<10240x16xf32, #tpu.memory_space<vmem_shared>> -> memref<128x16xf32, #tpu.memory_space<vmem_shared>>
        tpu.wait_dma2 semaphore(%run_scoped3A : memref<!tpu.dma_semaphore, #tpu.memory_space<semaphore_mem>>) src(%arg19 : memref<128x16xf32, #tpu.memory_space<vmem>>) dst(%dma_wait3A_206 : memref<128x16xf32, #tpu.memory_space<vmem_shared>>)
        tpu.yield
      }) : () -> ()
      %add3A_192 = arith.constant 128 : i32
      %add3A_193 = arith.addi %mul3A_2, %add3A_192 : i32
      "tpu.region"() ({
        %run_scoped3A = tpu.sem_alloc : memref<!tpu.dma_semaphore, #tpu.memory_space<semaphore_mem>>
        %dma_start3A = arith.constant 0 : i32
        %dma_start3A_200 = tpu.memref_slice %arg10[%add3A_193, %dma_start3A] : memref<10240x16xf32, #tpu.memory_space<vmem_shared>> -> memref<128x16xf32, #tpu.memory_space<vmem_shared>>
        %dma_start3A_201 = arith.constant 0 : i32
        %dma_start3A_202 = tpu.memref_slice %arg10[%add3A_193, %dma_start3A_201] : memref<10240x16xf32, #tpu.memory_space<vmem_shared>> -> memref<128x16xf32, #tpu.memory_space<vmem_shared>>
        tpu.enqueue_dma source(%arg19 : memref<128x16xf32, #tpu.memory_space<vmem>>) target(%dma_start3A_202 : memref<128x16xf32, #tpu.memory_space<vmem_shared>>) target_semaphore(%run_scoped3A : memref<!tpu.dma_semaphore, #tpu.memory_space<semaphore_mem>>)
        %dma_wait3A_203 = arith.constant 0 : i32
        %dma_wait3A_204 = tpu.memref_slice %arg10[%add3A_193, %dma_wait3A_203] : memref<10240x16xf32, #tpu.memory_space<vmem_shared>> -> memref<128x16xf32, #tpu.memory_space<vmem_shared>>
        %dma_wait3A_205 = arith.constant 0 : i32
        %dma_wait3A_206 = tpu.memref_slice %arg10[%add3A_193, %dma_wait3A_205] : memref<10240x16xf32, #tpu.memory_space<vmem_shared>> -> memref<128x16xf32, #tpu.memory_space<vmem_shared>>
        tpu.wait_dma2 semaphore(%run_scoped3A : memref<!tpu.dma_semaphore, #tpu.memory_space<semaphore_mem>>) src(%arg19 : memref<128x16xf32, #tpu.memory_space<vmem>>) dst(%dma_wait3A_206 : memref<128x16xf32, #tpu.memory_space<vmem_shared>>)
        tpu.yield
      }) : () -> ()
      %add3A_194 = arith.constant 256 : i32
      %add3A_195 = arith.addi %mul3A_2, %add3A_194 : i32
      "tpu.region"() ({
        %run_scoped3A = tpu.sem_alloc : memref<!tpu.dma_semaphore, #tpu.memory_space<semaphore_mem>>
        %dma_start3A = arith.constant 0 : i32
        %dma_start3A_200 = tpu.memref_slice %arg10[%add3A_195, %dma_start3A] : memref<10240x16xf32, #tpu.memory_space<vmem_shared>> -> memref<128x16xf32, #tpu.memory_space<vmem_shared>>
        %dma_start3A_201 = arith.constant 0 : i32
        %dma_start3A_202 = tpu.memref_slice %arg10[%add3A_195, %dma_start3A_201] : memref<10240x16xf32, #tpu.memory_space<vmem_shared>> -> memref<128x16xf32, #tpu.memory_space<vmem_shared>>
        tpu.enqueue_dma source(%arg19 : memref<128x16xf32, #tpu.memory_space<vmem>>) target(%dma_start3A_202 : memref<128x16xf32, #tpu.memory_space<vmem_shared>>) target_semaphore(%run_scoped3A : memref<!tpu.dma_semaphore, #tpu.memory_space<semaphore_mem>>)
        %dma_wait3A_203 = arith.constant 0 : i32
        %dma_wait3A_204 = tpu.memref_slice %arg10[%add3A_195, %dma_wait3A_203] : memref<10240x16xf32, #tpu.memory_space<vmem_shared>> -> memref<128x16xf32, #tpu.memory_space<vmem_shared>>
        %dma_wait3A_205 = arith.constant 0 : i32
        %dma_wait3A_206 = tpu.memref_slice %arg10[%add3A_195, %dma_wait3A_205] : memref<10240x16xf32, #tpu.memory_space<vmem_shared>> -> memref<128x16xf32, #tpu.memory_space<vmem_shared>>
        tpu.wait_dma2 semaphore(%run_scoped3A : memref<!tpu.dma_semaphore, #tpu.memory_space<semaphore_mem>>) src(%arg19 : memref<128x16xf32, #tpu.memory_space<vmem>>) dst(%dma_wait3A_206 : memref<128x16xf32, #tpu.memory_space<vmem_shared>>)
        tpu.yield
      }) : () -> ()
      %add3A_196 = arith.constant 384 : i32
      %add3A_197 = arith.addi %mul3A_2, %add3A_196 : i32
      "tpu.region"() ({
        %run_scoped3A = tpu.sem_alloc : memref<!tpu.dma_semaphore, #tpu.memory_space<semaphore_mem>>
        %dma_start3A = arith.constant 0 : i32
        %dma_start3A_200 = tpu.memref_slice %arg10[%add3A_197, %dma_start3A] : memref<10240x16xf32, #tpu.memory_space<vmem_shared>> -> memref<128x16xf32, #tpu.memory_space<vmem_shared>>
        %dma_start3A_201 = arith.constant 0 : i32
        %dma_start3A_202 = tpu.memref_slice %arg10[%add3A_197, %dma_start3A_201] : memref<10240x16xf32, #tpu.memory_space<vmem_shared>> -> memref<128x16xf32, #tpu.memory_space<vmem_shared>>
        tpu.enqueue_dma source(%arg19 : memref<128x16xf32, #tpu.memory_space<vmem>>) target(%dma_start3A_202 : memref<128x16xf32, #tpu.memory_space<vmem_shared>>) target_semaphore(%run_scoped3A : memref<!tpu.dma_semaphore, #tpu.memory_space<semaphore_mem>>)
        %dma_wait3A_203 = arith.constant 0 : i32
        %dma_wait3A_204 = tpu.memref_slice %arg10[%add3A_197, %dma_wait3A_203] : memref<10240x16xf32, #tpu.memory_space<vmem_shared>> -> memref<128x16xf32, #tpu.memory_space<vmem_shared>>
        %dma_wait3A_205 = arith.constant 0 : i32
        %dma_wait3A_206 = tpu.memref_slice %arg10[%add3A_197, %dma_wait3A_205] : memref<10240x16xf32, #tpu.memory_space<vmem_shared>> -> memref<128x16xf32, #tpu.memory_space<vmem_shared>>
        tpu.wait_dma2 semaphore(%run_scoped3A : memref<!tpu.dma_semaphore, #tpu.memory_space<semaphore_mem>>) src(%arg19 : memref<128x16xf32, #tpu.memory_space<vmem>>) dst(%dma_wait3A_206 : memref<128x16xf32, #tpu.memory_space<vmem_shared>>)
        tpu.yield
      }) : () -> ()
      %add3A_198 = arith.constant 512 : i32
      %add3A_199 = arith.addi %mul3A_2, %add3A_198 : i32
      "tpu.region"() ({
        %run_scoped3A = tpu.sem_alloc : memref<!tpu.dma_semaphore, #tpu.memory_space<semaphore_mem>>
        %dma_start3A = arith.constant 0 : i32
        %dma_start3A_200 = tpu.memref_slice %arg10[%add3A_199, %dma_start3A] : memref<10240x16xf32, #tpu.memory_space<vmem_shared>> -> memref<128x16xf32, #tpu.memory_space<vmem_shared>>
        %dma_start3A_201 = arith.constant 0 : i32
        %dma_start3A_202 = tpu.memref_slice %arg10[%add3A_199, %dma_start3A_201] : memref<10240x16xf32, #tpu.memory_space<vmem_shared>> -> memref<128x16xf32, #tpu.memory_space<vmem_shared>>
        tpu.enqueue_dma source(%arg19 : memref<128x16xf32, #tpu.memory_space<vmem>>) target(%dma_start3A_202 : memref<128x16xf32, #tpu.memory_space<vmem_shared>>) target_semaphore(%run_scoped3A : memref<!tpu.dma_semaphore, #tpu.memory_space<semaphore_mem>>)
        %dma_wait3A_203 = arith.constant 0 : i32
        %dma_wait3A_204 = tpu.memref_slice %arg10[%add3A_199, %dma_wait3A_203] : memref<10240x16xf32, #tpu.memory_space<vmem_shared>> -> memref<128x16xf32, #tpu.memory_space<vmem_shared>>
        %dma_wait3A_205 = arith.constant 0 : i32
        %dma_wait3A_206 = tpu.memref_slice %arg10[%add3A_199, %dma_wait3A_205] : memref<10240x16xf32, #tpu.memory_space<vmem_shared>> -> memref<128x16xf32, #tpu.memory_space<vmem_shared>>
        tpu.wait_dma2 semaphore(%run_scoped3A : memref<!tpu.dma_semaphore, #tpu.memory_space<semaphore_mem>>) src(%arg19 : memref<128x16xf32, #tpu.memory_space<vmem>>) dst(%dma_wait3A_206 : memref<128x16xf32, #tpu.memory_space<vmem_shared>>)
        tpu.yield
      }) : () -> ()
    } else {
    }
    "tpu.region"() ({
      %run_scoped3A = tpu.sem_alloc : memref<!tpu.dma_semaphore, #tpu.memory_space<semaphore_mem>>
      %dma_start3A = arith.constant 0 : i32
      %dma_start3A_190 = tpu.memref_slice %arg2[%mul3A_0, %dma_start3A] : memref<1280x128xi32, #tpu.memory_space<hbm>> -> memref<80x128xi32, #tpu.memory_space<hbm>>
      %dma_start3A_191 = arith.constant 0 : i32
      %dma_start3A_192 = tpu.memref_slice %arg2[%mul3A_0, %dma_start3A_191] : memref<1280x128xi32, #tpu.memory_space<hbm>> -> memref<80x128xi32, #tpu.memory_space<hbm>>
      tpu.enqueue_dma source(%dma_start3A_192 : memref<80x128xi32, #tpu.memory_space<hbm>>) target(%arg11 : memref<80x128xi32, #tpu.memory_space<vmem>>) target_semaphore(%run_scoped3A : memref<!tpu.dma_semaphore, #tpu.memory_space<semaphore_mem>>)
      %dma_wait3A_193 = arith.constant 0 : i32
      %dma_wait3A_194 = tpu.memref_slice %arg2[%mul3A_0, %dma_wait3A_193] : memref<1280x128xi32, #tpu.memory_space<hbm>> -> memref<80x128xi32, #tpu.memory_space<hbm>>
      %dma_wait3A_195 = arith.constant 0 : i32
      %dma_wait3A_196 = tpu.memref_slice %arg2[%mul3A_0, %dma_wait3A_195] : memref<1280x128xi32, #tpu.memory_space<hbm>> -> memref<80x128xi32, #tpu.memory_space<hbm>>
      tpu.wait_dma2 semaphore(%run_scoped3A : memref<!tpu.dma_semaphore, #tpu.memory_space<semaphore_mem>>) src(%dma_wait3A_196 : memref<80x128xi32, #tpu.memory_space<hbm>>) dst(%arg11 : memref<80x128xi32, #tpu.memory_space<vmem>>)
      tpu.yield
    }) : () -> ()
    "tpu.region"() ({
      %run_scoped3A = tpu.sem_alloc : memref<!tpu.dma_semaphore, #tpu.memory_space<semaphore_mem>>
      %dma_start3A = arith.constant 0 : i32
      %dma_start3A_190 = tpu.memref_slice %arg3[%mul3A_0, %dma_start3A] : memref<1280x128xi32, #tpu.memory_space<hbm>> -> memref<80x128xi32, #tpu.memory_space<hbm>>
      %dma_start3A_191 = arith.constant 0 : i32
      %dma_start3A_192 = tpu.memref_slice %arg3[%mul3A_0, %dma_start3A_191] : memref<1280x128xi32, #tpu.memory_space<hbm>> -> memref<80x128xi32, #tpu.memory_space<hbm>>
      tpu.enqueue_dma source(%dma_start3A_192 : memref<80x128xi32, #tpu.memory_space<hbm>>) target(%arg12 : memref<80x128xi32, #tpu.memory_space<vmem>>) target_semaphore(%run_scoped3A : memref<!tpu.dma_semaphore, #tpu.memory_space<semaphore_mem>>)
      %dma_wait3A_193 = arith.constant 0 : i32
      %dma_wait3A_194 = tpu.memref_slice %arg3[%mul3A_0, %dma_wait3A_193] : memref<1280x128xi32, #tpu.memory_space<hbm>> -> memref<80x128xi32, #tpu.memory_space<hbm>>
      %dma_wait3A_195 = arith.constant 0 : i32
      %dma_wait3A_196 = tpu.memref_slice %arg3[%mul3A_0, %dma_wait3A_195] : memref<1280x128xi32, #tpu.memory_space<hbm>> -> memref<80x128xi32, #tpu.memory_space<hbm>>
      tpu.wait_dma2 semaphore(%run_scoped3A : memref<!tpu.dma_semaphore, #tpu.memory_space<semaphore_mem>>) src(%dma_wait3A_196 : memref<80x128xi32, #tpu.memory_space<hbm>>) dst(%arg12 : memref<80x128xi32, #tpu.memory_space<vmem>>)
      tpu.yield
    }) : () -> ()
    %barrier3A = arith.constant 0 : index
    tpu.barrier barrier_id(%barrier3A)
    %eq3A_25 = arith.constant 0 : i32
    %eq3A_26 = arith.cmpi eq, %arg0, %eq3A_25 : i32
    %convert_element_type3A_27 = arith.extui %eq3A_26 : i1 to i32
    %cond3A_28 = arith.constant 0 : i32
    %cond3A_29 = arith.cmpi ne, %convert_element_type3A_27, %cond3A_28 : i32
    scf.if %cond3A_29 {
      %dma_start3A = arith.constant 0 : i32
      %dma_start3A_190 = arith.constant 0 : i32
      %dma_start3A_191 = arith.constant 0 : i32
      %dma_start3A_192 = tpu.memref_slice %arg11[%dma_start3A, %dma_start3A_191] : memref<80x128xi32, #tpu.memory_space<vmem>> -> memref<1x128xi32, #tpu.memory_space<vmem>>
      %dma_start3A_193 = tpu.memref_squeeze %dma_start3A_192 : memref<1x128xi32, #tpu.memory_space<vmem>> -> memref<128xi32, #tpu.memory_space<vmem>>
      %dma_start3A_194 = arith.constant 0 : i32
      %dma_start3A_195 = arith.constant 0 : i32
      %dma_start3A_196 = tpu.memref_slice %arg4[%dma_start3A_194, %dma_start3A_195] : memref<10240x128xbf16, #tpu.memory_space<hbm>> -> memref<10240x128xbf16, #tpu.memory_space<hbm>>
      %dma_start3A_197 = tpu.memref_slice %arg20[%dma_start3A_190] : memref<5x!tpu.dma_semaphore, #tpu.memory_space<semaphore_mem>> -> memref<1x!tpu.dma_semaphore, #tpu.memory_space<semaphore_mem>>
      %dma_start3A_198 = tpu.memref_squeeze %dma_start3A_197 : memref<1x!tpu.dma_semaphore, #tpu.memory_space<semaphore_mem>> -> memref<!tpu.dma_semaphore, #tpu.memory_space<semaphore_mem>>
      tpu.enqueue_indirect_dma source(%dma_start3A_196 : memref<10240x128xbf16, #tpu.memory_space<hbm>>) target(%arg13 : memref<128x128xbf16, #tpu.memory_space<vmem>>) offsets(%dma_start3A_193 : memref<128xi32, #tpu.memory_space<vmem>>) semaphore(%dma_start3A_198 : memref<!tpu.dma_semaphore, #tpu.memory_space<semaphore_mem>>)
    } else {
    }
    %eq3A_30 = arith.constant 1 : i32
    %eq3A_31 = arith.cmpi eq, %arg0, %eq3A_30 : i32
    %convert_element_type3A_32 = arith.extui %eq3A_31 : i1 to i32
    %cond3A_33 = arith.constant 0 : i32
    %cond3A_34 = arith.cmpi ne, %convert_element_type3A_32, %cond3A_33 : i32
    scf.if %cond3A_34 {
      %dma_start3A = arith.constant 0 : i32
      %dma_start3A_190 = arith.constant 0 : i32
      %dma_start3A_191 = arith.constant 0 : i32
      %dma_start3A_192 = tpu.memref_slice %arg11[%dma_start3A, %dma_start3A_191] : memref<80x128xi32, #tpu.memory_space<vmem>> -> memref<1x128xi32, #tpu.memory_space<vmem>>
      %dma_start3A_193 = tpu.memref_squeeze %dma_start3A_192 : memref<1x128xi32, #tpu.memory_space<vmem>> -> memref<128xi32, #tpu.memory_space<vmem>>
      %dma_start3A_194 = arith.constant 0 : i32
      %dma_start3A_195 = arith.constant 0 : i32
      %dma_start3A_196 = tpu.memref_slice %arg5[%dma_start3A_194, %dma_start3A_195] : memref<10240x128xbf16, #tpu.memory_space<hbm>> -> memref<10240x128xbf16, #tpu.memory_space<hbm>>
      %dma_start3A_197 = tpu.memref_slice %arg20[%dma_start3A_190] : memref<5x!tpu.dma_semaphore, #tpu.memory_space<semaphore_mem>> -> memref<1x!tpu.dma_semaphore, #tpu.memory_space<semaphore_mem>>
      %dma_start3A_198 = tpu.memref_squeeze %dma_start3A_197 : memref<1x!tpu.dma_semaphore, #tpu.memory_space<semaphore_mem>> -> memref<!tpu.dma_semaphore, #tpu.memory_space<semaphore_mem>>
      tpu.enqueue_indirect_dma source(%dma_start3A_196 : memref<10240x128xbf16, #tpu.memory_space<hbm>>) target(%arg13 : memref<128x128xbf16, #tpu.memory_space<vmem>>) offsets(%dma_start3A_193 : memref<128xi32, #tpu.memory_space<vmem>>) semaphore(%dma_start3A_198 : memref<!tpu.dma_semaphore, #tpu.memory_space<semaphore_mem>>)
    } else {
    }
    %eq3A_35 = arith.constant 0 : i32
    %eq3A_36 = arith.cmpi eq, %arg0, %eq3A_35 : i32
    %convert_element_type3A_37 = arith.extui %eq3A_36 : i1 to i32
    %cond3A_38 = arith.constant 0 : i32
    %cond3A_39 = arith.cmpi ne, %convert_element_type3A_37, %cond3A_38 : i32
    scf.if %cond3A_39 {
      %dma_start3A = arith.constant 1 : i32
      %dma_start3A_190 = arith.constant 1 : i32
      %dma_start3A_191 = arith.constant 0 : i32
      %dma_start3A_192 = tpu.memref_slice %arg11[%dma_start3A, %dma_start3A_191] : memref<80x128xi32, #tpu.memory_space<vmem>> -> memref<1x128xi32, #tpu.memory_space<vmem>>
      %dma_start3A_193 = tpu.memref_squeeze %dma_start3A_192 : memref<1x128xi32, #tpu.memory_space<vmem>> -> memref<128xi32, #tpu.memory_space<vmem>>
      %dma_start3A_194 = arith.constant 0 : i32
      %dma_start3A_195 = arith.constant 0 : i32
      %dma_start3A_196 = tpu.memref_slice %arg4[%dma_start3A_194, %dma_start3A_195] : memref<10240x128xbf16, #tpu.memory_space<hbm>> -> memref<10240x128xbf16, #tpu.memory_space<hbm>>
      %dma_start3A_197 = tpu.memref_slice %arg20[%dma_start3A_190] : memref<5x!tpu.dma_semaphore, #tpu.memory_space<semaphore_mem>> -> memref<1x!tpu.dma_semaphore, #tpu.memory_space<semaphore_mem>>
      %dma_start3A_198 = tpu.memref_squeeze %dma_start3A_197 : memref<1x!tpu.dma_semaphore, #tpu.memory_space<semaphore_mem>> -> memref<!tpu.dma_semaphore, #tpu.memory_space<semaphore_mem>>
      tpu.enqueue_indirect_dma source(%dma_start3A_196 : memref<10240x128xbf16, #tpu.memory_space<hbm>>) target(%arg14 : memref<128x128xbf16, #tpu.memory_space<vmem>>) offsets(%dma_start3A_193 : memref<128xi32, #tpu.memory_space<vmem>>) semaphore(%dma_start3A_198 : memref<!tpu.dma_semaphore, #tpu.memory_space<semaphore_mem>>)
    } else {
    }
    %eq3A_40 = arith.constant 1 : i32
    %eq3A_41 = arith.cmpi eq, %arg0, %eq3A_40 : i32
    %convert_element_type3A_42 = arith.extui %eq3A_41 : i1 to i32
    %cond3A_43 = arith.constant 0 : i32
    %cond3A_44 = arith.cmpi ne, %convert_element_type3A_42, %cond3A_43 : i32
    scf.if %cond3A_44 {
      %dma_start3A = arith.constant 1 : i32
      %dma_start3A_190 = arith.constant 1 : i32
      %dma_start3A_191 = arith.constant 0 : i32
      %dma_start3A_192 = tpu.memref_slice %arg11[%dma_start3A, %dma_start3A_191] : memref<80x128xi32, #tpu.memory_space<vmem>> -> memref<1x128xi32, #tpu.memory_space<vmem>>
      %dma_start3A_193 = tpu.memref_squeeze %dma_start3A_192 : memref<1x128xi32, #tpu.memory_space<vmem>> -> memref<128xi32, #tpu.memory_space<vmem>>
      %dma_start3A_194 = arith.constant 0 : i32
      %dma_start3A_195 = arith.constant 0 : i32
      %dma_start3A_196 = tpu.memref_slice %arg5[%dma_start3A_194, %dma_start3A_195] : memref<10240x128xbf16, #tpu.memory_space<hbm>> -> memref<10240x128xbf16, #tpu.memory_space<hbm>>
      %dma_start3A_197 = tpu.memref_slice %arg20[%dma_start3A_190] : memref<5x!tpu.dma_semaphore, #tpu.memory_space<semaphore_mem>> -> memref<1x!tpu.dma_semaphore, #tpu.memory_space<semaphore_mem>>
      %dma_start3A_198 = tpu.memref_squeeze %dma_start3A_197 : memref<1x!tpu.dma_semaphore, #tpu.memory_space<semaphore_mem>> -> memref<!tpu.dma_semaphore, #tpu.memory_space<semaphore_mem>>
      tpu.enqueue_indirect_dma source(%dma_start3A_196 : memref<10240x128xbf16, #tpu.memory_space<hbm>>) target(%arg14 : memref<128x128xbf16, #tpu.memory_space<vmem>>) offsets(%dma_start3A_193 : memref<128xi32, #tpu.memory_space<vmem>>) semaphore(%dma_start3A_198 : memref<!tpu.dma_semaphore, #tpu.memory_space<semaphore_mem>>)
    } else {
    }
    %eq3A_45 = arith.constant 0 : i32
    %eq3A_46 = arith.cmpi eq, %arg0, %eq3A_45 : i32
    %convert_element_type3A_47 = arith.extui %eq3A_46 : i1 to i32
    %cond3A_48 = arith.constant 0 : i32
    %cond3A_49 = arith.cmpi ne, %convert_element_type3A_47, %cond3A_48 : i32
    scf.if %cond3A_49 {
      %dma_start3A = arith.constant 2 : i32
      %dma_start3A_190 = arith.constant 2 : i32
      %dma_start3A_191 = arith.constant 0 : i32
      %dma_start3A_192 = tpu.memref_slice %arg11[%dma_start3A, %dma_start3A_191] : memref<80x128xi32, #tpu.memory_space<vmem>> -> memref<1x128xi32, #tpu.memory_space<vmem>>
      %dma_start3A_193 = tpu.memref_squeeze %dma_start3A_192 : memref<1x128xi32, #tpu.memory_space<vmem>> -> memref<128xi32, #tpu.memory_space<vmem>>
      %dma_start3A_194 = arith.constant 0 : i32
      %dma_start3A_195 = arith.constant 0 : i32
      %dma_start3A_196 = tpu.memref_slice %arg4[%dma_start3A_194, %dma_start3A_195] : memref<10240x128xbf16, #tpu.memory_space<hbm>> -> memref<10240x128xbf16, #tpu.memory_space<hbm>>
      %dma_start3A_197 = tpu.memref_slice %arg20[%dma_start3A_190] : memref<5x!tpu.dma_semaphore, #tpu.memory_space<semaphore_mem>> -> memref<1x!tpu.dma_semaphore, #tpu.memory_space<semaphore_mem>>
      %dma_start3A_198 = tpu.memref_squeeze %dma_start3A_197 : memref<1x!tpu.dma_semaphore, #tpu.memory_space<semaphore_mem>> -> memref<!tpu.dma_semaphore, #tpu.memory_space<semaphore_mem>>
      tpu.enqueue_indirect_dma source(%dma_start3A_196 : memref<10240x128xbf16, #tpu.memory_space<hbm>>) target(%arg15 : memref<128x128xbf16, #tpu.memory_space<vmem>>) offsets(%dma_start3A_193 : memref<128xi32, #tpu.memory_space<vmem>>) semaphore(%dma_start3A_198 : memref<!tpu.dma_semaphore, #tpu.memory_space<semaphore_mem>>)
    } else {
    }
    %eq3A_50 = arith.constant 1 : i32
    %eq3A_51 = arith.cmpi eq, %arg0, %eq3A_50 : i32
    %convert_element_type3A_52 = arith.extui %eq3A_51 : i1 to i32
    %cond3A_53 = arith.constant 0 : i32
    %cond3A_54 = arith.cmpi ne, %convert_element_type3A_52, %cond3A_53 : i32
    scf.if %cond3A_54 {
      %dma_start3A = arith.constant 2 : i32
      %dma_start3A_190 = arith.constant 2 : i32
      %dma_start3A_191 = arith.constant 0 : i32
      %dma_start3A_192 = tpu.memref_slice %arg11[%dma_start3A, %dma_start3A_191] : memref<80x128xi32, #tpu.memory_space<vmem>> -> memref<1x128xi32, #tpu.memory_space<vmem>>
      %dma_start3A_193 = tpu.memref_squeeze %dma_start3A_192 : memref<1x128xi32, #tpu.memory_space<vmem>> -> memref<128xi32, #tpu.memory_space<vmem>>
      %dma_start3A_194 = arith.constant 0 : i32
      %dma_start3A_195 = arith.constant 0 : i32
      %dma_start3A_196 = tpu.memref_slice %arg5[%dma_start3A_194, %dma_start3A_195] : memref<10240x128xbf16, #tpu.memory_space<hbm>> -> memref<10240x128xbf16, #tpu.memory_space<hbm>>
      %dma_start3A_197 = tpu.memref_slice %arg20[%dma_start3A_190] : memref<5x!tpu.dma_semaphore, #tpu.memory_space<semaphore_mem>> -> memref<1x!tpu.dma_semaphore, #tpu.memory_space<semaphore_mem>>
      %dma_start3A_198 = tpu.memref_squeeze %dma_start3A_197 : memref<1x!tpu.dma_semaphore, #tpu.memory_space<semaphore_mem>> -> memref<!tpu.dma_semaphore, #tpu.memory_space<semaphore_mem>>
      tpu.enqueue_indirect_dma source(%dma_start3A_196 : memref<10240x128xbf16, #tpu.memory_space<hbm>>) target(%arg15 : memref<128x128xbf16, #tpu.memory_space<vmem>>) offsets(%dma_start3A_193 : memref<128xi32, #tpu.memory_space<vmem>>) semaphore(%dma_start3A_198 : memref<!tpu.dma_semaphore, #tpu.memory_space<semaphore_mem>>)
    } else {
    }
    %scan3A_55 = arith.constant 0 : i32
    %scan3A_56 = arith.constant 0 : i32
    %scan3A_57 = arith.constant 16 : i32
    %scan3A_58 = arith.addi %scan3A_56, %scan3A_57 : i32
    %scan3A_59 = arith.constant 1 : i32
    scf.for %scan3A_190 = %scan3A_56 to %scan3A_58 step %scan3A_59  : i32 {
      %mul3A_191 = arith.constant 5 : i32
      %mul3A_192 = arith.muli %mul3A_191, %scan3A_190 : i32
      %add3A_193 = arith.constant 0 : i32
      %add3A_194 = arith.addi %mul3A_192, %add3A_193 : i32
      %ge3A = arith.constant 2 : i32
      %ge3A_195 = arith.cmpi sge, %add3A_194, %ge3A : i32
      %convert_element_type3A_196 = arith.extui %ge3A_195 : i1 to i32
      %cond3A_197 = arith.constant 0 : i32
      %cond3A_198 = arith.cmpi ne, %convert_element_type3A_196, %cond3A_197 : i32
      scf.if %cond3A_198 {
        %dma_wait3A_402 = arith.constant 3 : i32
        %dma_wait3A_403 = arith.constant 0 : i32
        %dma_wait3A_404 = arith.constant 0 : i32
        %dma_wait3A_405 = tpu.memref_slice %arg9[%dma_wait3A_403, %dma_wait3A_404] : memref<10240x128xbf16, #tpu.memory_space<vmem_shared>> -> memref<128x128xbf16, #tpu.memory_space<vmem_shared>>
        %dma_wait3A_406 = tpu.memref_slice %arg21[%dma_wait3A_402] : memref<5x!tpu.dma_semaphore, #tpu.memory_space<semaphore_mem>> -> memref<1x!tpu.dma_semaphore, #tpu.memory_space<semaphore_mem>>
        %dma_wait3A_407 = tpu.memref_squeeze %dma_wait3A_406 : memref<1x!tpu.dma_semaphore, #tpu.memory_space<semaphore_mem>> -> memref<!tpu.dma_semaphore, #tpu.memory_space<semaphore_mem>>
        %dma_wait3A_408 = arith.constant 0 : i32
        %dma_wait3A_409 = arith.constant 0 : i32
        %dma_wait3A_410 = tpu.memref_slice %arg9[%dma_wait3A_408, %dma_wait3A_409] : memref<10240x128xbf16, #tpu.memory_space<vmem_shared>> -> memref<128x128xbf16, #tpu.memory_space<vmem_shared>>
        tpu.wait_dma2 semaphore(%dma_wait3A_407 : memref<!tpu.dma_semaphore, #tpu.memory_space<semaphore_mem>>) src(%arg16 : memref<128x128xbf16, #tpu.memory_space<vmem>>) dst(%dma_wait3A_410 : memref<128x128xbf16, #tpu.memory_space<vmem_shared>>)
      } else {
      }
      %add3A_199 = arith.constant 3 : i32
      %add3A_200 = arith.addi %add3A_194, %add3A_199 : i32
      %lt3A = arith.constant 80 : i32
      %lt3A_201 = arith.cmpi slt, %add3A_200, %lt3A : i32
      %convert_element_type3A_202 = arith.extui %lt3A_201 : i1 to i32
      %cond3A_203 = arith.constant 0 : i32
      %cond3A_204 = arith.cmpi ne, %convert_element_type3A_202, %cond3A_203 : i32
      scf.if %cond3A_204 {
        %add3A_402 = arith.constant 3 : i32
        %add3A_403 = arith.addi %add3A_194, %add3A_402 : i32
        %eq3A_404 = arith.constant 0 : i32
        %eq3A_405 = arith.cmpi eq, %arg0, %eq3A_404 : i32
        %convert_element_type3A_406 = arith.extui %eq3A_405 : i1 to i32
        %cond3A_407 = arith.constant 0 : i32
        %cond3A_408 = arith.cmpi ne, %convert_element_type3A_406, %cond3A_407 : i32
        scf.if %cond3A_408 {
          %dma_start3A_414 = arith.constant 3 : i32
          %dma_start3A_415 = arith.constant 0 : i32
          %dma_start3A_416 = tpu.memref_slice %arg11[%add3A_403, %dma_start3A_415] : memref<80x128xi32, #tpu.memory_space<vmem>> -> memref<1x128xi32, #tpu.memory_space<vmem>>
          %dma_start3A_417 = tpu.memref_squeeze %dma_start3A_416 : memref<1x128xi32, #tpu.memory_space<vmem>> -> memref<128xi32, #tpu.memory_space<vmem>>
          %dma_start3A_418 = arith.constant 0 : i32
          %dma_start3A_419 = arith.constant 0 : i32
          %dma_start3A_420 = tpu.memref_slice %arg4[%dma_start3A_418, %dma_start3A_419] : memref<10240x128xbf16, #tpu.memory_space<hbm>> -> memref<10240x128xbf16, #tpu.memory_space<hbm>>
          %dma_start3A_421 = tpu.memref_slice %arg20[%dma_start3A_414] : memref<5x!tpu.dma_semaphore, #tpu.memory_space<semaphore_mem>> -> memref<1x!tpu.dma_semaphore, #tpu.memory_space<semaphore_mem>>
          %dma_start3A_422 = tpu.memref_squeeze %dma_start3A_421 : memref<1x!tpu.dma_semaphore, #tpu.memory_space<semaphore_mem>> -> memref<!tpu.dma_semaphore, #tpu.memory_space<semaphore_mem>>
          tpu.enqueue_indirect_dma source(%dma_start3A_420 : memref<10240x128xbf16, #tpu.memory_space<hbm>>) target(%arg16 : memref<128x128xbf16, #tpu.memory_space<vmem>>) offsets(%dma_start3A_417 : memref<128xi32, #tpu.memory_space<vmem>>) semaphore(%dma_start3A_422 : memref<!tpu.dma_semaphore, #tpu.memory_space<semaphore_mem>>)
        } else {
        }
        %eq3A_409 = arith.constant 1 : i32
        %eq3A_410 = arith.cmpi eq, %arg0, %eq3A_409 : i32
        %convert_element_type3A_411 = arith.extui %eq3A_410 : i1 to i32
        %cond3A_412 = arith.constant 0 : i32
        %cond3A_413 = arith.cmpi ne, %convert_element_type3A_411, %cond3A_412 : i32
        scf.if %cond3A_413 {
          %dma_start3A_414 = arith.constant 3 : i32
          %dma_start3A_415 = arith.constant 0 : i32
          %dma_start3A_416 = tpu.memref_slice %arg11[%add3A_403, %dma_start3A_415] : memref<80x128xi32, #tpu.memory_space<vmem>> -> memref<1x128xi32, #tpu.memory_space<vmem>>
          %dma_start3A_417 = tpu.memref_squeeze %dma_start3A_416 : memref<1x128xi32, #tpu.memory_space<vmem>> -> memref<128xi32, #tpu.memory_space<vmem>>
          %dma_start3A_418 = arith.constant 0 : i32
          %dma_start3A_419 = arith.constant 0 : i32
          %dma_start3A_420 = tpu.memref_slice %arg5[%dma_start3A_418, %dma_start3A_419] : memref<10240x128xbf16, #tpu.memory_space<hbm>> -> memref<10240x128xbf16, #tpu.memory_space<hbm>>
          %dma_start3A_421 = tpu.memref_slice %arg20[%dma_start3A_414] : memref<5x!tpu.dma_semaphore, #tpu.memory_space<semaphore_mem>> -> memref<1x!tpu.dma_semaphore, #tpu.memory_space<semaphore_mem>>
          %dma_start3A_422 = tpu.memref_squeeze %dma_start3A_421 : memref<1x!tpu.dma_semaphore, #tpu.memory_space<semaphore_mem>> -> memref<!tpu.dma_semaphore, #tpu.memory_space<semaphore_mem>>
          tpu.enqueue_indirect_dma source(%dma_start3A_420 : memref<10240x128xbf16, #tpu.memory_space<hbm>>) target(%arg16 : memref<128x128xbf16, #tpu.memory_space<vmem>>) offsets(%dma_start3A_417 : memref<128xi32, #tpu.memory_space<vmem>>) semaphore(%dma_start3A_422 : memref<!tpu.dma_semaphore, #tpu.memory_space<semaphore_mem>>)
        } else {
        }
      } else {
      }
      %dma_wait3A_205 = arith.constant 0 : i32
      %dma_wait3A_206 = arith.constant 0 : i32
      %dma_wait3A_207 = arith.constant 0 : i32
      %dma_wait3A_208 = tpu.memref_slice %arg4[%dma_wait3A_206, %dma_wait3A_207] : memref<10240x128xbf16, #tpu.memory_space<hbm>> -> memref<128x128xbf16, #tpu.memory_space<hbm>>
      %dma_wait3A_209 = tpu.memref_slice %arg20[%dma_wait3A_205] : memref<5x!tpu.dma_semaphore, #tpu.memory_space<semaphore_mem>> -> memref<1x!tpu.dma_semaphore, #tpu.memory_space<semaphore_mem>>
      %dma_wait3A_210 = tpu.memref_squeeze %dma_wait3A_209 : memref<1x!tpu.dma_semaphore, #tpu.memory_space<semaphore_mem>> -> memref<!tpu.dma_semaphore, #tpu.memory_space<semaphore_mem>>
      %dma_wait3A_211 = arith.constant 0 : i32
      %dma_wait3A_212 = arith.constant 0 : i32
      %dma_wait3A_213 = tpu.memref_slice %arg4[%dma_wait3A_211, %dma_wait3A_212] : memref<10240x128xbf16, #tpu.memory_space<hbm>> -> memref<128x128xbf16, #tpu.memory_space<hbm>>
      tpu.wait_dma2 semaphore(%dma_wait3A_210 : memref<!tpu.dma_semaphore, #tpu.memory_space<semaphore_mem>>) src(%dma_wait3A_213 : memref<128x128xbf16, #tpu.memory_space<hbm>>) dst(%arg13 : memref<128x128xbf16, #tpu.memory_space<vmem>>)
      %dma_start3A = arith.constant 0 : i32
      %dma_start3A_214 = arith.constant 0 : i32
      %dma_start3A_215 = tpu.memref_slice %arg12[%add3A_194, %dma_start3A_214] : memref<80x128xi32, #tpu.memory_space<vmem>> -> memref<1x128xi32, #tpu.memory_space<vmem>>
      %dma_start3A_216 = tpu.memref_squeeze %dma_start3A_215 : memref<1x128xi32, #tpu.memory_space<vmem>> -> memref<128xi32, #tpu.memory_space<vmem>>
      %dma_start3A_217 = arith.constant 0 : i32
      %dma_start3A_218 = arith.constant 0 : i32
      %dma_start3A_219 = tpu.memref_slice %arg9[%dma_start3A_217, %dma_start3A_218] : memref<10240x128xbf16, #tpu.memory_space<vmem_shared>> -> memref<10240x128xbf16, #tpu.memory_space<vmem_shared>>
      %dma_start3A_220 = tpu.memref_slice %arg21[%dma_start3A] : memref<5x!tpu.dma_semaphore, #tpu.memory_space<semaphore_mem>> -> memref<1x!tpu.dma_semaphore, #tpu.memory_space<semaphore_mem>>
      %dma_start3A_221 = tpu.memref_squeeze %dma_start3A_220 : memref<1x!tpu.dma_semaphore, #tpu.memory_space<semaphore_mem>> -> memref<!tpu.dma_semaphore, #tpu.memory_space<semaphore_mem>>
      tpu.enqueue_indirect_dma source(%arg13 : memref<128x128xbf16, #tpu.memory_space<vmem>>) target(%dma_start3A_219 : memref<10240x128xbf16, #tpu.memory_space<vmem_shared>>) offsets(%dma_start3A_216 : memref<128xi32, #tpu.memory_space<vmem>>) semaphore(%dma_start3A_221 : memref<!tpu.dma_semaphore, #tpu.memory_space<semaphore_mem>>) {add = true}
      %ge3A_222 = arith.constant 1 : i32
      %ge3A_223 = arith.cmpi sge, %add3A_194, %ge3A_222 : i32
      %and3A = arith.andi %eq3A_8, %ge3A_223 : i1
      %convert_element_type3A_224 = arith.extui %and3A : i1 to i32
      %cond3A_225 = arith.constant 0 : i32
      %cond3A_226 = arith.cmpi ne, %convert_element_type3A_224, %cond3A_225 : i32
      scf.if %cond3A_226 {
        %dma_wait3A_402 = arith.constant 0 : i32
        %dma_wait3A_403 = arith.constant 0 : i32
        %dma_wait3A_404 = tpu.memref_slice %arg10[%dma_wait3A_402, %dma_wait3A_403] : memref<10240x16xf32, #tpu.memory_space<vmem_shared>> -> memref<128x16xf32, #tpu.memory_space<vmem_shared>>
        %dma_wait3A_405 = arith.constant 0 : i32
        %dma_wait3A_406 = arith.constant 0 : i32
        %dma_wait3A_407 = tpu.memref_slice %arg10[%dma_wait3A_405, %dma_wait3A_406] : memref<10240x16xf32, #tpu.memory_space<vmem_shared>> -> memref<128x16xf32, #tpu.memory_space<vmem_shared>>
        tpu.wait_dma2 semaphore(%arg22 : memref<!tpu.dma_semaphore, #tpu.memory_space<semaphore_mem>>) src(%arg18 : memref<128x16xf32, #tpu.memory_space<vmem>>) dst(%dma_wait3A_407 : memref<128x16xf32, #tpu.memory_space<vmem_shared>>)
      } else {
      }
      %convert_element_type3A_227 = arith.extui %eq3A_8 : i1 to i32
      %cond3A_228 = arith.constant 0 : i32
      %cond3A_229 = arith.cmpi ne, %convert_element_type3A_227, %cond3A_228 : i32
      scf.if %cond3A_229 {
        %dma_start3A_402 = arith.constant 0 : i32
        %dma_start3A_403 = tpu.memref_slice %arg12[%add3A_194, %dma_start3A_402] : memref<80x128xi32, #tpu.memory_space<vmem>> -> memref<1x128xi32, #tpu.memory_space<vmem>>
        %dma_start3A_404 = tpu.memref_squeeze %dma_start3A_403 : memref<1x128xi32, #tpu.memory_space<vmem>> -> memref<128xi32, #tpu.memory_space<vmem>>
        %dma_start3A_405 = arith.constant 0 : i32
        %dma_start3A_406 = arith.constant 0 : i32
        %dma_start3A_407 = tpu.memref_slice %arg10[%dma_start3A_405, %dma_start3A_406] : memref<10240x16xf32, #tpu.memory_space<vmem_shared>> -> memref<10240x16xf32, #tpu.memory_space<vmem_shared>>
        tpu.enqueue_indirect_dma source(%arg18 : memref<128x16xf32, #tpu.memory_space<vmem>>) target(%dma_start3A_407 : memref<10240x16xf32, #tpu.memory_space<vmem_shared>>) offsets(%dma_start3A_404 : memref<128xi32, #tpu.memory_space<vmem>>) semaphore(%arg22 : memref<!tpu.dma_semaphore, #tpu.memory_space<semaphore_mem>>) {add = true}
      } else {
      }
      %mul3A_230 = arith.constant 5 : i32
      %mul3A_231 = arith.muli %mul3A_230, %scan3A_190 : i32
      %add3A_232 = arith.constant 1 : i32
      %add3A_233 = arith.addi %mul3A_231, %add3A_232 : i32
      %ge3A_234 = arith.constant 2 : i32
      %ge3A_235 = arith.cmpi sge, %add3A_233, %ge3A_234 : i32
      %convert_element_type3A_236 = arith.extui %ge3A_235 : i1 to i32
      %cond3A_237 = arith.constant 0 : i32
      %cond3A_238 = arith.cmpi ne, %convert_element_type3A_236, %cond3A_237 : i32
      scf.if %cond3A_238 {
        %dma_wait3A_402 = arith.constant 4 : i32
        %dma_wait3A_403 = arith.constant 0 : i32
        %dma_wait3A_404 = arith.constant 0 : i32
        %dma_wait3A_405 = tpu.memref_slice %arg9[%dma_wait3A_403, %dma_wait3A_404] : memref<10240x128xbf16, #tpu.memory_space<vmem_shared>> -> memref<128x128xbf16, #tpu.memory_space<vmem_shared>>
        %dma_wait3A_406 = tpu.memref_slice %arg21[%dma_wait3A_402] : memref<5x!tpu.dma_semaphore, #tpu.memory_space<semaphore_mem>> -> memref<1x!tpu.dma_semaphore, #tpu.memory_space<semaphore_mem>>
        %dma_wait3A_407 = tpu.memref_squeeze %dma_wait3A_406 : memref<1x!tpu.dma_semaphore, #tpu.memory_space<semaphore_mem>> -> memref<!tpu.dma_semaphore, #tpu.memory_space<semaphore_mem>>
        %dma_wait3A_408 = arith.constant 0 : i32
        %dma_wait3A_409 = arith.constant 0 : i32
        %dma_wait3A_410 = tpu.memref_slice %arg9[%dma_wait3A_408, %dma_wait3A_409] : memref<10240x128xbf16, #tpu.memory_space<vmem_shared>> -> memref<128x128xbf16, #tpu.memory_space<vmem_shared>>
        tpu.wait_dma2 semaphore(%dma_wait3A_407 : memref<!tpu.dma_semaphore, #tpu.memory_space<semaphore_mem>>) src(%arg17 : memref<128x128xbf16, #tpu.memory_space<vmem>>) dst(%dma_wait3A_410 : memref<128x128xbf16, #tpu.memory_space<vmem_shared>>)
      } else {
      }
      %add3A_239 = arith.constant 3 : i32
      %add3A_240 = arith.addi %add3A_233, %add3A_239 : i32
      %lt3A_241 = arith.constant 80 : i32
      %lt3A_242 = arith.cmpi slt, %add3A_240, %lt3A_241 : i32
      %convert_element_type3A_243 = arith.extui %lt3A_242 : i1 to i32
      %cond3A_244 = arith.constant 0 : i32
      %cond3A_245 = arith.cmpi ne, %convert_element_type3A_243, %cond3A_244 : i32
      scf.if %cond3A_245 {
        %add3A_402 = arith.constant 3 : i32
        %add3A_403 = arith.addi %add3A_233, %add3A_402 : i32
        %eq3A_404 = arith.constant 0 : i32
        %eq3A_405 = arith.cmpi eq, %arg0, %eq3A_404 : i32
        %convert_element_type3A_406 = arith.extui %eq3A_405 : i1 to i32
        %cond3A_407 = arith.constant 0 : i32
        %cond3A_408 = arith.cmpi ne, %convert_element_type3A_406, %cond3A_407 : i32
        scf.if %cond3A_408 {
          %dma_start3A_414 = arith.constant 4 : i32
          %dma_start3A_415 = arith.constant 0 : i32
          %dma_start3A_416 = tpu.memref_slice %arg11[%add3A_403, %dma_start3A_415] : memref<80x128xi32, #tpu.memory_space<vmem>> -> memref<1x128xi32, #tpu.memory_space<vmem>>
          %dma_start3A_417 = tpu.memref_squeeze %dma_start3A_416 : memref<1x128xi32, #tpu.memory_space<vmem>> -> memref<128xi32, #tpu.memory_space<vmem>>
          %dma_start3A_418 = arith.constant 0 : i32
          %dma_start3A_419 = arith.constant 0 : i32
          %dma_start3A_420 = tpu.memref_slice %arg4[%dma_start3A_418, %dma_start3A_419] : memref<10240x128xbf16, #tpu.memory_space<hbm>> -> memref<10240x128xbf16, #tpu.memory_space<hbm>>
          %dma_start3A_421 = tpu.memref_slice %arg20[%dma_start3A_414] : memref<5x!tpu.dma_semaphore, #tpu.memory_space<semaphore_mem>> -> memref<1x!tpu.dma_semaphore, #tpu.memory_space<semaphore_mem>>
          %dma_start3A_422 = tpu.memref_squeeze %dma_start3A_421 : memref<1x!tpu.dma_semaphore, #tpu.memory_space<semaphore_mem>> -> memref<!tpu.dma_semaphore, #tpu.memory_space<semaphore_mem>>
          tpu.enqueue_indirect_dma source(%dma_start3A_420 : memref<10240x128xbf16, #tpu.memory_space<hbm>>) target(%arg17 : memref<128x128xbf16, #tpu.memory_space<vmem>>) offsets(%dma_start3A_417 : memref<128xi32, #tpu.memory_space<vmem>>) semaphore(%dma_start3A_422 : memref<!tpu.dma_semaphore, #tpu.memory_space<semaphore_mem>>)
        } else {
        }
        %eq3A_409 = arith.constant 1 : i32
        %eq3A_410 = arith.cmpi eq, %arg0, %eq3A_409 : i32
        %convert_element_type3A_411 = arith.extui %eq3A_410 : i1 to i32
        %cond3A_412 = arith.constant 0 : i32
        %cond3A_413 = arith.cmpi ne, %convert_element_type3A_411, %cond3A_412 : i32
        scf.if %cond3A_413 {
          %dma_start3A_414 = arith.constant 4 : i32
          %dma_start3A_415 = arith.constant 0 : i32
          %dma_start3A_416 = tpu.memref_slice %arg11[%add3A_403, %dma_start3A_415] : memref<80x128xi32, #tpu.memory_space<vmem>> -> memref<1x128xi32, #tpu.memory_space<vmem>>
          %dma_start3A_417 = tpu.memref_squeeze %dma_start3A_416 : memref<1x128xi32, #tpu.memory_space<vmem>> -> memref<128xi32, #tpu.memory_space<vmem>>
          %dma_start3A_418 = arith.constant 0 : i32
          %dma_start3A_419 = arith.constant 0 : i32
          %dma_start3A_420 = tpu.memref_slice %arg5[%dma_start3A_418, %dma_start3A_419] : memref<10240x128xbf16, #tpu.memory_space<hbm>> -> memref<10240x128xbf16, #tpu.memory_space<hbm>>
          %dma_start3A_421 = tpu.memref_slice %arg20[%dma_start3A_414] : memref<5x!tpu.dma_semaphore, #tpu.memory_space<semaphore_mem>> -> memref<1x!tpu.dma_semaphore, #tpu.memory_space<semaphore_mem>>
          %dma_start3A_422 = tpu.memref_squeeze %dma_start3A_421 : memref<1x!tpu.dma_semaphore, #tpu.memory_space<semaphore_mem>> -> memref<!tpu.dma_semaphore, #tpu.memory_space<semaphore_mem>>
          tpu.enqueue_indirect_dma source(%dma_start3A_420 : memref<10240x128xbf16, #tpu.memory_space<hbm>>) target(%arg17 : memref<128x128xbf16, #tpu.memory_space<vmem>>) offsets(%dma_start3A_417 : memref<128xi32, #tpu.memory_space<vmem>>) semaphore(%dma_start3A_422 : memref<!tpu.dma_semaphore, #tpu.memory_space<semaphore_mem>>)
        } else {
        }
      } else {
      }
      %dma_wait3A_246 = arith.constant 1 : i32
      %dma_wait3A_247 = arith.constant 0 : i32
      %dma_wait3A_248 = arith.constant 0 : i32
      %dma_wait3A_249 = tpu.memref_slice %arg4[%dma_wait3A_247, %dma_wait3A_248] : memref<10240x128xbf16, #tpu.memory_space<hbm>> -> memref<128x128xbf16, #tpu.memory_space<hbm>>
      %dma_wait3A_250 = tpu.memref_slice %arg20[%dma_wait3A_246] : memref<5x!tpu.dma_semaphore, #tpu.memory_space<semaphore_mem>> -> memref<1x!tpu.dma_semaphore, #tpu.memory_space<semaphore_mem>>
      %dma_wait3A_251 = tpu.memref_squeeze %dma_wait3A_250 : memref<1x!tpu.dma_semaphore, #tpu.memory_space<semaphore_mem>> -> memref<!tpu.dma_semaphore, #tpu.memory_space<semaphore_mem>>
      %dma_wait3A_252 = arith.constant 0 : i32
      %dma_wait3A_253 = arith.constant 0 : i32
      %dma_wait3A_254 = tpu.memref_slice %arg4[%dma_wait3A_252, %dma_wait3A_253] : memref<10240x128xbf16, #tpu.memory_space<hbm>> -> memref<128x128xbf16, #tpu.memory_space<hbm>>
      tpu.wait_dma2 semaphore(%dma_wait3A_251 : memref<!tpu.dma_semaphore, #tpu.memory_space<semaphore_mem>>) src(%dma_wait3A_254 : memref<128x128xbf16, #tpu.memory_space<hbm>>) dst(%arg14 : memref<128x128xbf16, #tpu.memory_space<vmem>>)
      %dma_start3A_255 = arith.constant 1 : i32
      %dma_start3A_256 = arith.constant 0 : i32
      %dma_start3A_257 = tpu.memref_slice %arg12[%add3A_233, %dma_start3A_256] : memref<80x128xi32, #tpu.memory_space<vmem>> -> memref<1x128xi32, #tpu.memory_space<vmem>>
      %dma_start3A_258 = tpu.memref_squeeze %dma_start3A_257 : memref<1x128xi32, #tpu.memory_space<vmem>> -> memref<128xi32, #tpu.memory_space<vmem>>
      %dma_start3A_259 = arith.constant 0 : i32
      %dma_start3A_260 = arith.constant 0 : i32
      %dma_start3A_261 = tpu.memref_slice %arg9[%dma_start3A_259, %dma_start3A_260] : memref<10240x128xbf16, #tpu.memory_space<vmem_shared>> -> memref<10240x128xbf16, #tpu.memory_space<vmem_shared>>
      %dma_start3A_262 = tpu.memref_slice %arg21[%dma_start3A_255] : memref<5x!tpu.dma_semaphore, #tpu.memory_space<semaphore_mem>> -> memref<1x!tpu.dma_semaphore, #tpu.memory_space<semaphore_mem>>
      %dma_start3A_263 = tpu.memref_squeeze %dma_start3A_262 : memref<1x!tpu.dma_semaphore, #tpu.memory_space<semaphore_mem>> -> memref<!tpu.dma_semaphore, #tpu.memory_space<semaphore_mem>>
      tpu.enqueue_indirect_dma source(%arg14 : memref<128x128xbf16, #tpu.memory_space<vmem>>) target(%dma_start3A_261 : memref<10240x128xbf16, #tpu.memory_space<vmem_shared>>) offsets(%dma_start3A_258 : memref<128xi32, #tpu.memory_space<vmem>>) semaphore(%dma_start3A_263 : memref<!tpu.dma_semaphore, #tpu.memory_space<semaphore_mem>>) {add = true}
      %ge3A_264 = arith.constant 1 : i32
      %ge3A_265 = arith.cmpi sge, %add3A_233, %ge3A_264 : i32
      %and3A_266 = arith.andi %eq3A_8, %ge3A_265 : i1
      %convert_element_type3A_267 = arith.extui %and3A_266 : i1 to i32
      %cond3A_268 = arith.constant 0 : i32
      %cond3A_269 = arith.cmpi ne, %convert_element_type3A_267, %cond3A_268 : i32
      scf.if %cond3A_269 {
        %dma_wait3A_402 = arith.constant 0 : i32
        %dma_wait3A_403 = arith.constant 0 : i32
        %dma_wait3A_404 = tpu.memref_slice %arg10[%dma_wait3A_402, %dma_wait3A_403] : memref<10240x16xf32, #tpu.memory_space<vmem_shared>> -> memref<128x16xf32, #tpu.memory_space<vmem_shared>>
        %dma_wait3A_405 = arith.constant 0 : i32
        %dma_wait3A_406 = arith.constant 0 : i32
        %dma_wait3A_407 = tpu.memref_slice %arg10[%dma_wait3A_405, %dma_wait3A_406] : memref<10240x16xf32, #tpu.memory_space<vmem_shared>> -> memref<128x16xf32, #tpu.memory_space<vmem_shared>>
        tpu.wait_dma2 semaphore(%arg22 : memref<!tpu.dma_semaphore, #tpu.memory_space<semaphore_mem>>) src(%arg18 : memref<128x16xf32, #tpu.memory_space<vmem>>) dst(%dma_wait3A_407 : memref<128x16xf32, #tpu.memory_space<vmem_shared>>)
      } else {
      }
      %convert_element_type3A_270 = arith.extui %eq3A_8 : i1 to i32
      %cond3A_271 = arith.constant 0 : i32
      %cond3A_272 = arith.cmpi ne, %convert_element_type3A_270, %cond3A_271 : i32
      scf.if %cond3A_272 {
        %dma_start3A_402 = arith.constant 0 : i32
        %dma_start3A_403 = tpu.memref_slice %arg12[%add3A_233, %dma_start3A_402] : memref<80x128xi32, #tpu.memory_space<vmem>> -> memref<1x128xi32, #tpu.memory_space<vmem>>
        %dma_start3A_404 = tpu.memref_squeeze %dma_start3A_403 : memref<1x128xi32, #tpu.memory_space<vmem>> -> memref<128xi32, #tpu.memory_space<vmem>>
        %dma_start3A_405 = arith.constant 0 : i32
        %dma_start3A_406 = arith.constant 0 : i32
        %dma_start3A_407 = tpu.memref_slice %arg10[%dma_start3A_405, %dma_start3A_406] : memref<10240x16xf32, #tpu.memory_space<vmem_shared>> -> memref<10240x16xf32, #tpu.memory_space<vmem_shared>>
        tpu.enqueue_indirect_dma source(%arg18 : memref<128x16xf32, #tpu.memory_space<vmem>>) target(%dma_start3A_407 : memref<10240x16xf32, #tpu.memory_space<vmem_shared>>) offsets(%dma_start3A_404 : memref<128xi32, #tpu.memory_space<vmem>>) semaphore(%arg22 : memref<!tpu.dma_semaphore, #tpu.memory_space<semaphore_mem>>) {add = true}
      } else {
      }
      %mul3A_273 = arith.constant 5 : i32
      %mul3A_274 = arith.muli %mul3A_273, %scan3A_190 : i32
      %add3A_275 = arith.constant 2 : i32
      %add3A_276 = arith.addi %mul3A_274, %add3A_275 : i32
      %ge3A_277 = arith.constant 2 : i32
      %ge3A_278 = arith.cmpi sge, %add3A_276, %ge3A_277 : i32
      %convert_element_type3A_279 = arith.extui %ge3A_278 : i1 to i32
      %cond3A_280 = arith.constant 0 : i32
      %cond3A_281 = arith.cmpi ne, %convert_element_type3A_279, %cond3A_280 : i32
      scf.if %cond3A_281 {
        %dma_wait3A_402 = arith.constant 0 : i32
        %dma_wait3A_403 = arith.constant 0 : i32
        %dma_wait3A_404 = arith.constant 0 : i32
        %dma_wait3A_405 = tpu.memref_slice %arg9[%dma_wait3A_403, %dma_wait3A_404] : memref<10240x128xbf16, #tpu.memory_space<vmem_shared>> -> memref<128x128xbf16, #tpu.memory_space<vmem_shared>>
        %dma_wait3A_406 = tpu.memref_slice %arg21[%dma_wait3A_402] : memref<5x!tpu.dma_semaphore, #tpu.memory_space<semaphore_mem>> -> memref<1x!tpu.dma_semaphore, #tpu.memory_space<semaphore_mem>>
        %dma_wait3A_407 = tpu.memref_squeeze %dma_wait3A_406 : memref<1x!tpu.dma_semaphore, #tpu.memory_space<semaphore_mem>> -> memref<!tpu.dma_semaphore, #tpu.memory_space<semaphore_mem>>
        %dma_wait3A_408 = arith.constant 0 : i32
        %dma_wait3A_409 = arith.constant 0 : i32
        %dma_wait3A_410 = tpu.memref_slice %arg9[%dma_wait3A_408, %dma_wait3A_409] : memref<10240x128xbf16, #tpu.memory_space<vmem_shared>> -> memref<128x128xbf16, #tpu.memory_space<vmem_shared>>
        tpu.wait_dma2 semaphore(%dma_wait3A_407 : memref<!tpu.dma_semaphore, #tpu.memory_space<semaphore_mem>>) src(%arg13 : memref<128x128xbf16, #tpu.memory_space<vmem>>) dst(%dma_wait3A_410 : memref<128x128xbf16, #tpu.memory_space<vmem_shared>>)
      } else {
      }
      %add3A_282 = arith.constant 3 : i32
      %add3A_283 = arith.addi %add3A_276, %add3A_282 : i32
      %lt3A_284 = arith.constant 80 : i32
      %lt3A_285 = arith.cmpi slt, %add3A_283, %lt3A_284 : i32
      %convert_element_type3A_286 = arith.extui %lt3A_285 : i1 to i32
      %cond3A_287 = arith.constant 0 : i32
      %cond3A_288 = arith.cmpi ne, %convert_element_type3A_286, %cond3A_287 : i32
      scf.if %cond3A_288 {
        %add3A_402 = arith.constant 3 : i32
        %add3A_403 = arith.addi %add3A_276, %add3A_402 : i32
        %eq3A_404 = arith.constant 0 : i32
        %eq3A_405 = arith.cmpi eq, %arg0, %eq3A_404 : i32
        %convert_element_type3A_406 = arith.extui %eq3A_405 : i1 to i32
        %cond3A_407 = arith.constant 0 : i32
        %cond3A_408 = arith.cmpi ne, %convert_element_type3A_406, %cond3A_407 : i32
        scf.if %cond3A_408 {
          %dma_start3A_414 = arith.constant 0 : i32
          %dma_start3A_415 = arith.constant 0 : i32
          %dma_start3A_416 = tpu.memref_slice %arg11[%add3A_403, %dma_start3A_415] : memref<80x128xi32, #tpu.memory_space<vmem>> -> memref<1x128xi32, #tpu.memory_space<vmem>>
          %dma_start3A_417 = tpu.memref_squeeze %dma_start3A_416 : memref<1x128xi32, #tpu.memory_space<vmem>> -> memref<128xi32, #tpu.memory_space<vmem>>
          %dma_start3A_418 = arith.constant 0 : i32
          %dma_start3A_419 = arith.constant 0 : i32
          %dma_start3A_420 = tpu.memref_slice %arg4[%dma_start3A_418, %dma_start3A_419] : memref<10240x128xbf16, #tpu.memory_space<hbm>> -> memref<10240x128xbf16, #tpu.memory_space<hbm>>
          %dma_start3A_421 = tpu.memref_slice %arg20[%dma_start3A_414] : memref<5x!tpu.dma_semaphore, #tpu.memory_space<semaphore_mem>> -> memref<1x!tpu.dma_semaphore, #tpu.memory_space<semaphore_mem>>
          %dma_start3A_422 = tpu.memref_squeeze %dma_start3A_421 : memref<1x!tpu.dma_semaphore, #tpu.memory_space<semaphore_mem>> -> memref<!tpu.dma_semaphore, #tpu.memory_space<semaphore_mem>>
          tpu.enqueue_indirect_dma source(%dma_start3A_420 : memref<10240x128xbf16, #tpu.memory_space<hbm>>) target(%arg13 : memref<128x128xbf16, #tpu.memory_space<vmem>>) offsets(%dma_start3A_417 : memref<128xi32, #tpu.memory_space<vmem>>) semaphore(%dma_start3A_422 : memref<!tpu.dma_semaphore, #tpu.memory_space<semaphore_mem>>)
        } else {
        }
        %eq3A_409 = arith.constant 1 : i32
        %eq3A_410 = arith.cmpi eq, %arg0, %eq3A_409 : i32
        %convert_element_type3A_411 = arith.extui %eq3A_410 : i1 to i32
        %cond3A_412 = arith.constant 0 : i32
        %cond3A_413 = arith.cmpi ne, %convert_element_type3A_411, %cond3A_412 : i32
        scf.if %cond3A_413 {
          %dma_start3A_414 = arith.constant 0 : i32
          %dma_start3A_415 = arith.constant 0 : i32
          %dma_start3A_416 = tpu.memref_slice %arg11[%add3A_403, %dma_start3A_415] : memref<80x128xi32, #tpu.memory_space<vmem>> -> memref<1x128xi32, #tpu.memory_space<vmem>>
          %dma_start3A_417 = tpu.memref_squeeze %dma_start3A_416 : memref<1x128xi32, #tpu.memory_space<vmem>> -> memref<128xi32, #tpu.memory_space<vmem>>
          %dma_start3A_418 = arith.constant 0 : i32
          %dma_start3A_419 = arith.constant 0 : i32
          %dma_start3A_420 = tpu.memref_slice %arg5[%dma_start3A_418, %dma_start3A_419] : memref<10240x128xbf16, #tpu.memory_space<hbm>> -> memref<10240x128xbf16, #tpu.memory_space<hbm>>
          %dma_start3A_421 = tpu.memref_slice %arg20[%dma_start3A_414] : memref<5x!tpu.dma_semaphore, #tpu.memory_space<semaphore_mem>> -> memref<1x!tpu.dma_semaphore, #tpu.memory_space<semaphore_mem>>
          %dma_start3A_422 = tpu.memref_squeeze %dma_start3A_421 : memref<1x!tpu.dma_semaphore, #tpu.memory_space<semaphore_mem>> -> memref<!tpu.dma_semaphore, #tpu.memory_space<semaphore_mem>>
          tpu.enqueue_indirect_dma source(%dma_start3A_420 : memref<10240x128xbf16, #tpu.memory_space<hbm>>) target(%arg13 : memref<128x128xbf16, #tpu.memory_space<vmem>>) offsets(%dma_start3A_417 : memref<128xi32, #tpu.memory_space<vmem>>) semaphore(%dma_start3A_422 : memref<!tpu.dma_semaphore, #tpu.memory_space<semaphore_mem>>)
        } else {
        }
      } else {
      }
      %dma_wait3A_289 = arith.constant 2 : i32
      %dma_wait3A_290 = arith.constant 0 : i32
      %dma_wait3A_291 = arith.constant 0 : i32
      %dma_wait3A_292 = tpu.memref_slice %arg4[%dma_wait3A_290, %dma_wait3A_291] : memref<10240x128xbf16, #tpu.memory_space<hbm>> -> memref<128x128xbf16, #tpu.memory_space<hbm>>
      %dma_wait3A_293 = tpu.memref_slice %arg20[%dma_wait3A_289] : memref<5x!tpu.dma_semaphore, #tpu.memory_space<semaphore_mem>> -> memref<1x!tpu.dma_semaphore, #tpu.memory_space<semaphore_mem>>
      %dma_wait3A_294 = tpu.memref_squeeze %dma_wait3A_293 : memref<1x!tpu.dma_semaphore, #tpu.memory_space<semaphore_mem>> -> memref<!tpu.dma_semaphore, #tpu.memory_space<semaphore_mem>>
      %dma_wait3A_295 = arith.constant 0 : i32
      %dma_wait3A_296 = arith.constant 0 : i32
      %dma_wait3A_297 = tpu.memref_slice %arg4[%dma_wait3A_295, %dma_wait3A_296] : memref<10240x128xbf16, #tpu.memory_space<hbm>> -> memref<128x128xbf16, #tpu.memory_space<hbm>>
      tpu.wait_dma2 semaphore(%dma_wait3A_294 : memref<!tpu.dma_semaphore, #tpu.memory_space<semaphore_mem>>) src(%dma_wait3A_297 : memref<128x128xbf16, #tpu.memory_space<hbm>>) dst(%arg15 : memref<128x128xbf16, #tpu.memory_space<vmem>>)
      %dma_start3A_298 = arith.constant 2 : i32
      %dma_start3A_299 = arith.constant 0 : i32
      %dma_start3A_300 = tpu.memref_slice %arg12[%add3A_276, %dma_start3A_299] : memref<80x128xi32, #tpu.memory_space<vmem>> -> memref<1x128xi32, #tpu.memory_space<vmem>>
      %dma_start3A_301 = tpu.memref_squeeze %dma_start3A_300 : memref<1x128xi32, #tpu.memory_space<vmem>> -> memref<128xi32, #tpu.memory_space<vmem>>
      %dma_start3A_302 = arith.constant 0 : i32
      %dma_start3A_303 = arith.constant 0 : i32
      %dma_start3A_304 = tpu.memref_slice %arg9[%dma_start3A_302, %dma_start3A_303] : memref<10240x128xbf16, #tpu.memory_space<vmem_shared>> -> memref<10240x128xbf16, #tpu.memory_space<vmem_shared>>
      %dma_start3A_305 = tpu.memref_slice %arg21[%dma_start3A_298] : memref<5x!tpu.dma_semaphore, #tpu.memory_space<semaphore_mem>> -> memref<1x!tpu.dma_semaphore, #tpu.memory_space<semaphore_mem>>
      %dma_start3A_306 = tpu.memref_squeeze %dma_start3A_305 : memref<1x!tpu.dma_semaphore, #tpu.memory_space<semaphore_mem>> -> memref<!tpu.dma_semaphore, #tpu.memory_space<semaphore_mem>>
      tpu.enqueue_indirect_dma source(%arg15 : memref<128x128xbf16, #tpu.memory_space<vmem>>) target(%dma_start3A_304 : memref<10240x128xbf16, #tpu.memory_space<vmem_shared>>) offsets(%dma_start3A_301 : memref<128xi32, #tpu.memory_space<vmem>>) semaphore(%dma_start3A_306 : memref<!tpu.dma_semaphore, #tpu.memory_space<semaphore_mem>>) {add = true}
      %ge3A_307 = arith.constant 1 : i32
      %ge3A_308 = arith.cmpi sge, %add3A_276, %ge3A_307 : i32
      %and3A_309 = arith.andi %eq3A_8, %ge3A_308 : i1
      %convert_element_type3A_310 = arith.extui %and3A_309 : i1 to i32
      %cond3A_311 = arith.constant 0 : i32
      %cond3A_312 = arith.cmpi ne, %convert_element_type3A_310, %cond3A_311 : i32
      scf.if %cond3A_312 {
        %dma_wait3A_402 = arith.constant 0 : i32
        %dma_wait3A_403 = arith.constant 0 : i32
        %dma_wait3A_404 = tpu.memref_slice %arg10[%dma_wait3A_402, %dma_wait3A_403] : memref<10240x16xf32, #tpu.memory_space<vmem_shared>> -> memref<128x16xf32, #tpu.memory_space<vmem_shared>>
        %dma_wait3A_405 = arith.constant 0 : i32
        %dma_wait3A_406 = arith.constant 0 : i32
        %dma_wait3A_407 = tpu.memref_slice %arg10[%dma_wait3A_405, %dma_wait3A_406] : memref<10240x16xf32, #tpu.memory_space<vmem_shared>> -> memref<128x16xf32, #tpu.memory_space<vmem_shared>>
        tpu.wait_dma2 semaphore(%arg22 : memref<!tpu.dma_semaphore, #tpu.memory_space<semaphore_mem>>) src(%arg18 : memref<128x16xf32, #tpu.memory_space<vmem>>) dst(%dma_wait3A_407 : memref<128x16xf32, #tpu.memory_space<vmem_shared>>)
      } else {
      }
      %convert_element_type3A_313 = arith.extui %eq3A_8 : i1 to i32
      %cond3A_314 = arith.constant 0 : i32
      %cond3A_315 = arith.cmpi ne, %convert_element_type3A_313, %cond3A_314 : i32
      scf.if %cond3A_315 {
        %dma_start3A_402 = arith.constant 0 : i32
        %dma_start3A_403 = tpu.memref_slice %arg12[%add3A_276, %dma_start3A_402] : memref<80x128xi32, #tpu.memory_space<vmem>> -> memref<1x128xi32, #tpu.memory_space<vmem>>
        %dma_start3A_404 = tpu.memref_squeeze %dma_start3A_403 : memref<1x128xi32, #tpu.memory_space<vmem>> -> memref<128xi32, #tpu.memory_space<vmem>>
        %dma_start3A_405 = arith.constant 0 : i32
        %dma_start3A_406 = arith.constant 0 : i32
        %dma_start3A_407 = tpu.memref_slice %arg10[%dma_start3A_405, %dma_start3A_406] : memref<10240x16xf32, #tpu.memory_space<vmem_shared>> -> memref<10240x16xf32, #tpu.memory_space<vmem_shared>>
        tpu.enqueue_indirect_dma source(%arg18 : memref<128x16xf32, #tpu.memory_space<vmem>>) target(%dma_start3A_407 : memref<10240x16xf32, #tpu.memory_space<vmem_shared>>) offsets(%dma_start3A_404 : memref<128xi32, #tpu.memory_space<vmem>>) semaphore(%arg22 : memref<!tpu.dma_semaphore, #tpu.memory_space<semaphore_mem>>) {add = true}
      } else {
      }
      %mul3A_316 = arith.constant 5 : i32
      %mul3A_317 = arith.muli %mul3A_316, %scan3A_190 : i32
      %add3A_318 = arith.constant 3 : i32
      %add3A_319 = arith.addi %mul3A_317, %add3A_318 : i32
      %ge3A_320 = arith.constant 2 : i32
      %ge3A_321 = arith.cmpi sge, %add3A_319, %ge3A_320 : i32
      %convert_element_type3A_322 = arith.extui %ge3A_321 : i1 to i32
      %cond3A_323 = arith.constant 0 : i32
      %cond3A_324 = arith.cmpi ne, %convert_element_type3A_322, %cond3A_323 : i32
      scf.if %cond3A_324 {
        %dma_wait3A_402 = arith.constant 1 : i32
        %dma_wait3A_403 = arith.constant 0 : i32
        %dma_wait3A_404 = arith.constant 0 : i32
        %dma_wait3A_405 = tpu.memref_slice %arg9[%dma_wait3A_403, %dma_wait3A_404] : memref<10240x128xbf16, #tpu.memory_space<vmem_shared>> -> memref<128x128xbf16, #tpu.memory_space<vmem_shared>>
        %dma_wait3A_406 = tpu.memref_slice %arg21[%dma_wait3A_402] : memref<5x!tpu.dma_semaphore, #tpu.memory_space<semaphore_mem>> -> memref<1x!tpu.dma_semaphore, #tpu.memory_space<semaphore_mem>>
        %dma_wait3A_407 = tpu.memref_squeeze %dma_wait3A_406 : memref<1x!tpu.dma_semaphore, #tpu.memory_space<semaphore_mem>> -> memref<!tpu.dma_semaphore, #tpu.memory_space<semaphore_mem>>
        %dma_wait3A_408 = arith.constant 0 : i32
        %dma_wait3A_409 = arith.constant 0 : i32
        %dma_wait3A_410 = tpu.memref_slice %arg9[%dma_wait3A_408, %dma_wait3A_409] : memref<10240x128xbf16, #tpu.memory_space<vmem_shared>> -> memref<128x128xbf16, #tpu.memory_space<vmem_shared>>
        tpu.wait_dma2 semaphore(%dma_wait3A_407 : memref<!tpu.dma_semaphore, #tpu.memory_space<semaphore_mem>>) src(%arg14 : memref<128x128xbf16, #tpu.memory_space<vmem>>) dst(%dma_wait3A_410 : memref<128x128xbf16, #tpu.memory_space<vmem_shared>>)
      } else {
      }
      %add3A_325 = arith.constant 3 : i32
      %add3A_326 = arith.addi %add3A_319, %add3A_325 : i32
      %lt3A_327 = arith.constant 80 : i32
      %lt3A_328 = arith.cmpi slt, %add3A_326, %lt3A_327 : i32
      %convert_element_type3A_329 = arith.extui %lt3A_328 : i1 to i32
      %cond3A_330 = arith.constant 0 : i32
      %cond3A_331 = arith.cmpi ne, %convert_element_type3A_329, %cond3A_330 : i32
      scf.if %cond3A_331 {
        %add3A_402 = arith.constant 3 : i32
        %add3A_403 = arith.addi %add3A_319, %add3A_402 : i32
        %eq3A_404 = arith.constant 0 : i32
        %eq3A_405 = arith.cmpi eq, %arg0, %eq3A_404 : i32
        %convert_element_type3A_406 = arith.extui %eq3A_405 : i1 to i32
        %cond3A_407 = arith.constant 0 : i32
        %cond3A_408 = arith.cmpi ne, %convert_element_type3A_406, %cond3A_407 : i32
        scf.if %cond3A_408 {
          %dma_start3A_414 = arith.constant 1 : i32
          %dma_start3A_415 = arith.constant 0 : i32
          %dma_start3A_416 = tpu.memref_slice %arg11[%add3A_403, %dma_start3A_415] : memref<80x128xi32, #tpu.memory_space<vmem>> -> memref<1x128xi32, #tpu.memory_space<vmem>>
          %dma_start3A_417 = tpu.memref_squeeze %dma_start3A_416 : memref<1x128xi32, #tpu.memory_space<vmem>> -> memref<128xi32, #tpu.memory_space<vmem>>
          %dma_start3A_418 = arith.constant 0 : i32
          %dma_start3A_419 = arith.constant 0 : i32
          %dma_start3A_420 = tpu.memref_slice %arg4[%dma_start3A_418, %dma_start3A_419] : memref<10240x128xbf16, #tpu.memory_space<hbm>> -> memref<10240x128xbf16, #tpu.memory_space<hbm>>
          %dma_start3A_421 = tpu.memref_slice %arg20[%dma_start3A_414] : memref<5x!tpu.dma_semaphore, #tpu.memory_space<semaphore_mem>> -> memref<1x!tpu.dma_semaphore, #tpu.memory_space<semaphore_mem>>
          %dma_start3A_422 = tpu.memref_squeeze %dma_start3A_421 : memref<1x!tpu.dma_semaphore, #tpu.memory_space<semaphore_mem>> -> memref<!tpu.dma_semaphore, #tpu.memory_space<semaphore_mem>>
          tpu.enqueue_indirect_dma source(%dma_start3A_420 : memref<10240x128xbf16, #tpu.memory_space<hbm>>) target(%arg14 : memref<128x128xbf16, #tpu.memory_space<vmem>>) offsets(%dma_start3A_417 : memref<128xi32, #tpu.memory_space<vmem>>) semaphore(%dma_start3A_422 : memref<!tpu.dma_semaphore, #tpu.memory_space<semaphore_mem>>)
        } else {
        }
        %eq3A_409 = arith.constant 1 : i32
        %eq3A_410 = arith.cmpi eq, %arg0, %eq3A_409 : i32
        %convert_element_type3A_411 = arith.extui %eq3A_410 : i1 to i32
        %cond3A_412 = arith.constant 0 : i32
        %cond3A_413 = arith.cmpi ne, %convert_element_type3A_411, %cond3A_412 : i32
        scf.if %cond3A_413 {
          %dma_start3A_414 = arith.constant 1 : i32
          %dma_start3A_415 = arith.constant 0 : i32
          %dma_start3A_416 = tpu.memref_slice %arg11[%add3A_403, %dma_start3A_415] : memref<80x128xi32, #tpu.memory_space<vmem>> -> memref<1x128xi32, #tpu.memory_space<vmem>>
          %dma_start3A_417 = tpu.memref_squeeze %dma_start3A_416 : memref<1x128xi32, #tpu.memory_space<vmem>> -> memref<128xi32, #tpu.memory_space<vmem>>
          %dma_start3A_418 = arith.constant 0 : i32
          %dma_start3A_419 = arith.constant 0 : i32
          %dma_start3A_420 = tpu.memref_slice %arg5[%dma_start3A_418, %dma_start3A_419] : memref<10240x128xbf16, #tpu.memory_space<hbm>> -> memref<10240x128xbf16, #tpu.memory_space<hbm>>
          %dma_start3A_421 = tpu.memref_slice %arg20[%dma_start3A_414] : memref<5x!tpu.dma_semaphore, #tpu.memory_space<semaphore_mem>> -> memref<1x!tpu.dma_semaphore, #tpu.memory_space<semaphore_mem>>
          %dma_start3A_422 = tpu.memref_squeeze %dma_start3A_421 : memref<1x!tpu.dma_semaphore, #tpu.memory_space<semaphore_mem>> -> memref<!tpu.dma_semaphore, #tpu.memory_space<semaphore_mem>>
          tpu.enqueue_indirect_dma source(%dma_start3A_420 : memref<10240x128xbf16, #tpu.memory_space<hbm>>) target(%arg14 : memref<128x128xbf16, #tpu.memory_space<vmem>>) offsets(%dma_start3A_417 : memref<128xi32, #tpu.memory_space<vmem>>) semaphore(%dma_start3A_422 : memref<!tpu.dma_semaphore, #tpu.memory_space<semaphore_mem>>)
        } else {
        }
      } else {
      }
      %dma_wait3A_332 = arith.constant 3 : i32
      %dma_wait3A_333 = arith.constant 0 : i32
      %dma_wait3A_334 = arith.constant 0 : i32
      %dma_wait3A_335 = tpu.memref_slice %arg4[%dma_wait3A_333, %dma_wait3A_334] : memref<10240x128xbf16, #tpu.memory_space<hbm>> -> memref<128x128xbf16, #tpu.memory_space<hbm>>
      %dma_wait3A_336 = tpu.memref_slice %arg20[%dma_wait3A_332] : memref<5x!tpu.dma_semaphore, #tpu.memory_space<semaphore_mem>> -> memref<1x!tpu.dma_semaphore, #tpu.memory_space<semaphore_mem>>
      %dma_wait3A_337 = tpu.memref_squeeze %dma_wait3A_336 : memref<1x!tpu.dma_semaphore, #tpu.memory_space<semaphore_mem>> -> memref<!tpu.dma_semaphore, #tpu.memory_space<semaphore_mem>>
      %dma_wait3A_338 = arith.constant 0 : i32
      %dma_wait3A_339 = arith.constant 0 : i32
      %dma_wait3A_340 = tpu.memref_slice %arg4[%dma_wait3A_338, %dma_wait3A_339] : memref<10240x128xbf16, #tpu.memory_space<hbm>> -> memref<128x128xbf16, #tpu.memory_space<hbm>>
      tpu.wait_dma2 semaphore(%dma_wait3A_337 : memref<!tpu.dma_semaphore, #tpu.memory_space<semaphore_mem>>) src(%dma_wait3A_340 : memref<128x128xbf16, #tpu.memory_space<hbm>>) dst(%arg16 : memref<128x128xbf16, #tpu.memory_space<vmem>>)
      %dma_start3A_341 = arith.constant 3 : i32
      %dma_start3A_342 = arith.constant 0 : i32
      %dma_start3A_343 = tpu.memref_slice %arg12[%add3A_319, %dma_start3A_342] : memref<80x128xi32, #tpu.memory_space<vmem>> -> memref<1x128xi32, #tpu.memory_space<vmem>>
      %dma_start3A_344 = tpu.memref_squeeze %dma_start3A_343 : memref<1x128xi32, #tpu.memory_space<vmem>> -> memref<128xi32, #tpu.memory_space<vmem>>
      %dma_start3A_345 = arith.constant 0 : i32
      %dma_start3A_346 = arith.constant 0 : i32
      %dma_start3A_347 = tpu.memref_slice %arg9[%dma_start3A_345, %dma_start3A_346] : memref<10240x128xbf16, #tpu.memory_space<vmem_shared>> -> memref<10240x128xbf16, #tpu.memory_space<vmem_shared>>
      %dma_start3A_348 = tpu.memref_slice %arg21[%dma_start3A_341] : memref<5x!tpu.dma_semaphore, #tpu.memory_space<semaphore_mem>> -> memref<1x!tpu.dma_semaphore, #tpu.memory_space<semaphore_mem>>
      %dma_start3A_349 = tpu.memref_squeeze %dma_start3A_348 : memref<1x!tpu.dma_semaphore, #tpu.memory_space<semaphore_mem>> -> memref<!tpu.dma_semaphore, #tpu.memory_space<semaphore_mem>>
      tpu.enqueue_indirect_dma source(%arg16 : memref<128x128xbf16, #tpu.memory_space<vmem>>) target(%dma_start3A_347 : memref<10240x128xbf16, #tpu.memory_space<vmem_shared>>) offsets(%dma_start3A_344 : memref<128xi32, #tpu.memory_space<vmem>>) semaphore(%dma_start3A_349 : memref<!tpu.dma_semaphore, #tpu.memory_space<semaphore_mem>>) {add = true}
      %ge3A_350 = arith.constant 1 : i32
      %ge3A_351 = arith.cmpi sge, %add3A_319, %ge3A_350 : i32
      %and3A_352 = arith.andi %eq3A_8, %ge3A_351 : i1
      %convert_element_type3A_353 = arith.extui %and3A_352 : i1 to i32
      %cond3A_354 = arith.constant 0 : i32
      %cond3A_355 = arith.cmpi ne, %convert_element_type3A_353, %cond3A_354 : i32
      scf.if %cond3A_355 {
        %dma_wait3A_402 = arith.constant 0 : i32
        %dma_wait3A_403 = arith.constant 0 : i32
        %dma_wait3A_404 = tpu.memref_slice %arg10[%dma_wait3A_402, %dma_wait3A_403] : memref<10240x16xf32, #tpu.memory_space<vmem_shared>> -> memref<128x16xf32, #tpu.memory_space<vmem_shared>>
        %dma_wait3A_405 = arith.constant 0 : i32
        %dma_wait3A_406 = arith.constant 0 : i32
        %dma_wait3A_407 = tpu.memref_slice %arg10[%dma_wait3A_405, %dma_wait3A_406] : memref<10240x16xf32, #tpu.memory_space<vmem_shared>> -> memref<128x16xf32, #tpu.memory_space<vmem_shared>>
        tpu.wait_dma2 semaphore(%arg22 : memref<!tpu.dma_semaphore, #tpu.memory_space<semaphore_mem>>) src(%arg18 : memref<128x16xf32, #tpu.memory_space<vmem>>) dst(%dma_wait3A_407 : memref<128x16xf32, #tpu.memory_space<vmem_shared>>)
      } else {
      }
      %convert_element_type3A_356 = arith.extui %eq3A_8 : i1 to i32
      %cond3A_357 = arith.constant 0 : i32
      %cond3A_358 = arith.cmpi ne, %convert_element_type3A_356, %cond3A_357 : i32
      scf.if %cond3A_358 {
        %dma_start3A_402 = arith.constant 0 : i32
        %dma_start3A_403 = tpu.memref_slice %arg12[%add3A_319, %dma_start3A_402] : memref<80x128xi32, #tpu.memory_space<vmem>> -> memref<1x128xi32, #tpu.memory_space<vmem>>
        %dma_start3A_404 = tpu.memref_squeeze %dma_start3A_403 : memref<1x128xi32, #tpu.memory_space<vmem>> -> memref<128xi32, #tpu.memory_space<vmem>>
        %dma_start3A_405 = arith.constant 0 : i32
        %dma_start3A_406 = arith.constant 0 : i32
        %dma_start3A_407 = tpu.memref_slice %arg10[%dma_start3A_405, %dma_start3A_406] : memref<10240x16xf32, #tpu.memory_space<vmem_shared>> -> memref<10240x16xf32, #tpu.memory_space<vmem_shared>>
        tpu.enqueue_indirect_dma source(%arg18 : memref<128x16xf32, #tpu.memory_space<vmem>>) target(%dma_start3A_407 : memref<10240x16xf32, #tpu.memory_space<vmem_shared>>) offsets(%dma_start3A_404 : memref<128xi32, #tpu.memory_space<vmem>>) semaphore(%arg22 : memref<!tpu.dma_semaphore, #tpu.memory_space<semaphore_mem>>) {add = true}
      } else {
      }
      %mul3A_359 = arith.constant 5 : i32
      %mul3A_360 = arith.muli %mul3A_359, %scan3A_190 : i32
      %add3A_361 = arith.constant 4 : i32
      %add3A_362 = arith.addi %mul3A_360, %add3A_361 : i32
      %ge3A_363 = arith.constant 2 : i32
      %ge3A_364 = arith.cmpi sge, %add3A_362, %ge3A_363 : i32
      %convert_element_type3A_365 = arith.extui %ge3A_364 : i1 to i32
      %cond3A_366 = arith.constant 0 : i32
      %cond3A_367 = arith.cmpi ne, %convert_element_type3A_365, %cond3A_366 : i32
      scf.if %cond3A_367 {
        %dma_wait3A_402 = arith.constant 2 : i32
        %dma_wait3A_403 = arith.constant 0 : i32
        %dma_wait3A_404 = arith.constant 0 : i32
        %dma_wait3A_405 = tpu.memref_slice %arg9[%dma_wait3A_403, %dma_wait3A_404] : memref<10240x128xbf16, #tpu.memory_space<vmem_shared>> -> memref<128x128xbf16, #tpu.memory_space<vmem_shared>>
        %dma_wait3A_406 = tpu.memref_slice %arg21[%dma_wait3A_402] : memref<5x!tpu.dma_semaphore, #tpu.memory_space<semaphore_mem>> -> memref<1x!tpu.dma_semaphore, #tpu.memory_space<semaphore_mem>>
        %dma_wait3A_407 = tpu.memref_squeeze %dma_wait3A_406 : memref<1x!tpu.dma_semaphore, #tpu.memory_space<semaphore_mem>> -> memref<!tpu.dma_semaphore, #tpu.memory_space<semaphore_mem>>
        %dma_wait3A_408 = arith.constant 0 : i32
        %dma_wait3A_409 = arith.constant 0 : i32
        %dma_wait3A_410 = tpu.memref_slice %arg9[%dma_wait3A_408, %dma_wait3A_409] : memref<10240x128xbf16, #tpu.memory_space<vmem_shared>> -> memref<128x128xbf16, #tpu.memory_space<vmem_shared>>
        tpu.wait_dma2 semaphore(%dma_wait3A_407 : memref<!tpu.dma_semaphore, #tpu.memory_space<semaphore_mem>>) src(%arg15 : memref<128x128xbf16, #tpu.memory_space<vmem>>) dst(%dma_wait3A_410 : memref<128x128xbf16, #tpu.memory_space<vmem_shared>>)
      } else {
      }
      %add3A_368 = arith.constant 3 : i32
      %add3A_369 = arith.addi %add3A_362, %add3A_368 : i32
      %lt3A_370 = arith.constant 80 : i32
      %lt3A_371 = arith.cmpi slt, %add3A_369, %lt3A_370 : i32
      %convert_element_type3A_372 = arith.extui %lt3A_371 : i1 to i32
      %cond3A_373 = arith.constant 0 : i32
      %cond3A_374 = arith.cmpi ne, %convert_element_type3A_372, %cond3A_373 : i32
      scf.if %cond3A_374 {
        %add3A_402 = arith.constant 3 : i32
        %add3A_403 = arith.addi %add3A_362, %add3A_402 : i32
        %eq3A_404 = arith.constant 0 : i32
        %eq3A_405 = arith.cmpi eq, %arg0, %eq3A_404 : i32
        %convert_element_type3A_406 = arith.extui %eq3A_405 : i1 to i32
        %cond3A_407 = arith.constant 0 : i32
        %cond3A_408 = arith.cmpi ne, %convert_element_type3A_406, %cond3A_407 : i32
        scf.if %cond3A_408 {
          %dma_start3A_414 = arith.constant 2 : i32
          %dma_start3A_415 = arith.constant 0 : i32
          %dma_start3A_416 = tpu.memref_slice %arg11[%add3A_403, %dma_start3A_415] : memref<80x128xi32, #tpu.memory_space<vmem>> -> memref<1x128xi32, #tpu.memory_space<vmem>>
          %dma_start3A_417 = tpu.memref_squeeze %dma_start3A_416 : memref<1x128xi32, #tpu.memory_space<vmem>> -> memref<128xi32, #tpu.memory_space<vmem>>
          %dma_start3A_418 = arith.constant 0 : i32
          %dma_start3A_419 = arith.constant 0 : i32
          %dma_start3A_420 = tpu.memref_slice %arg4[%dma_start3A_418, %dma_start3A_419] : memref<10240x128xbf16, #tpu.memory_space<hbm>> -> memref<10240x128xbf16, #tpu.memory_space<hbm>>
          %dma_start3A_421 = tpu.memref_slice %arg20[%dma_start3A_414] : memref<5x!tpu.dma_semaphore, #tpu.memory_space<semaphore_mem>> -> memref<1x!tpu.dma_semaphore, #tpu.memory_space<semaphore_mem>>
          %dma_start3A_422 = tpu.memref_squeeze %dma_start3A_421 : memref<1x!tpu.dma_semaphore, #tpu.memory_space<semaphore_mem>> -> memref<!tpu.dma_semaphore, #tpu.memory_space<semaphore_mem>>
          tpu.enqueue_indirect_dma source(%dma_start3A_420 : memref<10240x128xbf16, #tpu.memory_space<hbm>>) target(%arg15 : memref<128x128xbf16, #tpu.memory_space<vmem>>) offsets(%dma_start3A_417 : memref<128xi32, #tpu.memory_space<vmem>>) semaphore(%dma_start3A_422 : memref<!tpu.dma_semaphore, #tpu.memory_space<semaphore_mem>>)
        } else {
        }
        %eq3A_409 = arith.constant 1 : i32
        %eq3A_410 = arith.cmpi eq, %arg0, %eq3A_409 : i32
        %convert_element_type3A_411 = arith.extui %eq3A_410 : i1 to i32
        %cond3A_412 = arith.constant 0 : i32
        %cond3A_413 = arith.cmpi ne, %convert_element_type3A_411, %cond3A_412 : i32
        scf.if %cond3A_413 {
          %dma_start3A_414 = arith.constant 2 : i32
          %dma_start3A_415 = arith.constant 0 : i32
          %dma_start3A_416 = tpu.memref_slice %arg11[%add3A_403, %dma_start3A_415] : memref<80x128xi32, #tpu.memory_space<vmem>> -> memref<1x128xi32, #tpu.memory_space<vmem>>
          %dma_start3A_417 = tpu.memref_squeeze %dma_start3A_416 : memref<1x128xi32, #tpu.memory_space<vmem>> -> memref<128xi32, #tpu.memory_space<vmem>>
          %dma_start3A_418 = arith.constant 0 : i32
          %dma_start3A_419 = arith.constant 0 : i32
          %dma_start3A_420 = tpu.memref_slice %arg5[%dma_start3A_418, %dma_start3A_419] : memref<10240x128xbf16, #tpu.memory_space<hbm>> -> memref<10240x128xbf16, #tpu.memory_space<hbm>>
          %dma_start3A_421 = tpu.memref_slice %arg20[%dma_start3A_414] : memref<5x!tpu.dma_semaphore, #tpu.memory_space<semaphore_mem>> -> memref<1x!tpu.dma_semaphore, #tpu.memory_space<semaphore_mem>>
          %dma_start3A_422 = tpu.memref_squeeze %dma_start3A_421 : memref<1x!tpu.dma_semaphore, #tpu.memory_space<semaphore_mem>> -> memref<!tpu.dma_semaphore, #tpu.memory_space<semaphore_mem>>
          tpu.enqueue_indirect_dma source(%dma_start3A_420 : memref<10240x128xbf16, #tpu.memory_space<hbm>>) target(%arg15 : memref<128x128xbf16, #tpu.memory_space<vmem>>) offsets(%dma_start3A_417 : memref<128xi32, #tpu.memory_space<vmem>>) semaphore(%dma_start3A_422 : memref<!tpu.dma_semaphore, #tpu.memory_space<semaphore_mem>>)
        } else {
        }
      } else {
      }
      %dma_wait3A_375 = arith.constant 4 : i32
      %dma_wait3A_376 = arith.constant 0 : i32
      %dma_wait3A_377 = arith.constant 0 : i32
      %dma_wait3A_378 = tpu.memref_slice %arg4[%dma_wait3A_376, %dma_wait3A_377] : memref<10240x128xbf16, #tpu.memory_space<hbm>> -> memref<128x128xbf16, #tpu.memory_space<hbm>>
      %dma_wait3A_379 = tpu.memref_slice %arg20[%dma_wait3A_375] : memref<5x!tpu.dma_semaphore, #tpu.memory_space<semaphore_mem>> -> memref<1x!tpu.dma_semaphore, #tpu.memory_space<semaphore_mem>>
      %dma_wait3A_380 = tpu.memref_squeeze %dma_wait3A_379 : memref<1x!tpu.dma_semaphore, #tpu.memory_space<semaphore_mem>> -> memref<!tpu.dma_semaphore, #tpu.memory_space<semaphore_mem>>
      %dma_wait3A_381 = arith.constant 0 : i32
      %dma_wait3A_382 = arith.constant 0 : i32
      %dma_wait3A_383 = tpu.memref_slice %arg4[%dma_wait3A_381, %dma_wait3A_382] : memref<10240x128xbf16, #tpu.memory_space<hbm>> -> memref<128x128xbf16, #tpu.memory_space<hbm>>
      tpu.wait_dma2 semaphore(%dma_wait3A_380 : memref<!tpu.dma_semaphore, #tpu.memory_space<semaphore_mem>>) src(%dma_wait3A_383 : memref<128x128xbf16, #tpu.memory_space<hbm>>) dst(%arg17 : memref<128x128xbf16, #tpu.memory_space<vmem>>)
      %dma_start3A_384 = arith.constant 4 : i32
      %dma_start3A_385 = arith.constant 0 : i32
      %dma_start3A_386 = tpu.memref_slice %arg12[%add3A_362, %dma_start3A_385] : memref<80x128xi32, #tpu.memory_space<vmem>> -> memref<1x128xi32, #tpu.memory_space<vmem>>
      %dma_start3A_387 = tpu.memref_squeeze %dma_start3A_386 : memref<1x128xi32, #tpu.memory_space<vmem>> -> memref<128xi32, #tpu.memory_space<vmem>>
      %dma_start3A_388 = arith.constant 0 : i32
      %dma_start3A_389 = arith.constant 0 : i32
      %dma_start3A_390 = tpu.memref_slice %arg9[%dma_start3A_388, %dma_start3A_389] : memref<10240x128xbf16, #tpu.memory_space<vmem_shared>> -> memref<10240x128xbf16, #tpu.memory_space<vmem_shared>>
      %dma_start3A_391 = tpu.memref_slice %arg21[%dma_start3A_384] : memref<5x!tpu.dma_semaphore, #tpu.memory_space<semaphore_mem>> -> memref<1x!tpu.dma_semaphore, #tpu.memory_space<semaphore_mem>>
      %dma_start3A_392 = tpu.memref_squeeze %dma_start3A_391 : memref<1x!tpu.dma_semaphore, #tpu.memory_space<semaphore_mem>> -> memref<!tpu.dma_semaphore, #tpu.memory_space<semaphore_mem>>
      tpu.enqueue_indirect_dma source(%arg17 : memref<128x128xbf16, #tpu.memory_space<vmem>>) target(%dma_start3A_390 : memref<10240x128xbf16, #tpu.memory_space<vmem_shared>>) offsets(%dma_start3A_387 : memref<128xi32, #tpu.memory_space<vmem>>) semaphore(%dma_start3A_392 : memref<!tpu.dma_semaphore, #tpu.memory_space<semaphore_mem>>) {add = true}
      %ge3A_393 = arith.constant 1 : i32
      %ge3A_394 = arith.cmpi sge, %add3A_362, %ge3A_393 : i32
      %and3A_395 = arith.andi %eq3A_8, %ge3A_394 : i1
      %convert_element_type3A_396 = arith.extui %and3A_395 : i1 to i32
      %cond3A_397 = arith.constant 0 : i32
      %cond3A_398 = arith.cmpi ne, %convert_element_type3A_396, %cond3A_397 : i32
      scf.if %cond3A_398 {
        %dma_wait3A_402 = arith.constant 0 : i32
        %dma_wait3A_403 = arith.constant 0 : i32
        %dma_wait3A_404 = tpu.memref_slice %arg10[%dma_wait3A_402, %dma_wait3A_403] : memref<10240x16xf32, #tpu.memory_space<vmem_shared>> -> memref<128x16xf32, #tpu.memory_space<vmem_shared>>
        %dma_wait3A_405 = arith.constant 0 : i32
        %dma_wait3A_406 = arith.constant 0 : i32
        %dma_wait3A_407 = tpu.memref_slice %arg10[%dma_wait3A_405, %dma_wait3A_406] : memref<10240x16xf32, #tpu.memory_space<vmem_shared>> -> memref<128x16xf32, #tpu.memory_space<vmem_shared>>
        tpu.wait_dma2 semaphore(%arg22 : memref<!tpu.dma_semaphore, #tpu.memory_space<semaphore_mem>>) src(%arg18 : memref<128x16xf32, #tpu.memory_space<vmem>>) dst(%dma_wait3A_407 : memref<128x16xf32, #tpu.memory_space<vmem_shared>>)
      } else {
      }
      %convert_element_type3A_399 = arith.extui %eq3A_8 : i1 to i32
      %cond3A_400 = arith.constant 0 : i32
      %cond3A_401 = arith.cmpi ne, %convert_element_type3A_399, %cond3A_400 : i32
      scf.if %cond3A_401 {
        %dma_start3A_402 = arith.constant 0 : i32
        %dma_start3A_403 = tpu.memref_slice %arg12[%add3A_362, %dma_start3A_402] : memref<80x128xi32, #tpu.memory_space<vmem>> -> memref<1x128xi32, #tpu.memory_space<vmem>>
        %dma_start3A_404 = tpu.memref_squeeze %dma_start3A_403 : memref<1x128xi32, #tpu.memory_space<vmem>> -> memref<128xi32, #tpu.memory_space<vmem>>
        %dma_start3A_405 = arith.constant 0 : i32
        %dma_start3A_406 = arith.constant 0 : i32
        %dma_start3A_407 = tpu.memref_slice %arg10[%dma_start3A_405, %dma_start3A_406] : memref<10240x16xf32, #tpu.memory_space<vmem_shared>> -> memref<10240x16xf32, #tpu.memory_space<vmem_shared>>
        tpu.enqueue_indirect_dma source(%arg18 : memref<128x16xf32, #tpu.memory_space<vmem>>) target(%dma_start3A_407 : memref<10240x16xf32, #tpu.memory_space<vmem_shared>>) offsets(%dma_start3A_404 : memref<128xi32, #tpu.memory_space<vmem>>) semaphore(%arg22 : memref<!tpu.dma_semaphore, #tpu.memory_space<semaphore_mem>>) {add = true}
      } else {
      }
    }
    %scan3A_60 = arith.constant 16 : i32
    %dma_wait3A = arith.constant 3 : i32
    %dma_wait3A_61 = arith.constant 0 : i32
    %dma_wait3A_62 = arith.constant 0 : i32
    %dma_wait3A_63 = tpu.memref_slice %arg9[%dma_wait3A_61, %dma_wait3A_62] : memref<10240x128xbf16, #tpu.memory_space<vmem_shared>> -> memref<128x128xbf16, #tpu.memory_space<vmem_shared>>
    %dma_wait3A_64 = tpu.memref_slice %arg21[%dma_wait3A] : memref<5x!tpu.dma_semaphore, #tpu.memory_space<semaphore_mem>> -> memref<1x!tpu.dma_semaphore, #tpu.memory_space<semaphore_mem>>
    %dma_wait3A_65 = tpu.memref_squeeze %dma_wait3A_64 : memref<1x!tpu.dma_semaphore, #tpu.memory_space<semaphore_mem>> -> memref<!tpu.dma_semaphore, #tpu.memory_space<semaphore_mem>>
    %dma_wait3A_66 = arith.constant 0 : i32
    %dma_wait3A_67 = arith.constant 0 : i32
    %dma_wait3A_68 = tpu.memref_slice %arg9[%dma_wait3A_66, %dma_wait3A_67] : memref<10240x128xbf16, #tpu.memory_space<vmem_shared>> -> memref<128x128xbf16, #tpu.memory_space<vmem_shared>>
    tpu.wait_dma2 semaphore(%dma_wait3A_65 : memref<!tpu.dma_semaphore, #tpu.memory_space<semaphore_mem>>) src(%arg16 : memref<128x128xbf16, #tpu.memory_space<vmem>>) dst(%dma_wait3A_68 : memref<128x128xbf16, #tpu.memory_space<vmem_shared>>)
    %dma_wait3A_69 = arith.constant 4 : i32
    %dma_wait3A_70 = arith.constant 0 : i32
    %dma_wait3A_71 = arith.constant 0 : i32
    %dma_wait3A_72 = tpu.memref_slice %arg9[%dma_wait3A_70, %dma_wait3A_71] : memref<10240x128xbf16, #tpu.memory_space<vmem_shared>> -> memref<128x128xbf16, #tpu.memory_space<vmem_shared>>
    %dma_wait3A_73 = tpu.memref_slice %arg21[%dma_wait3A_69] : memref<5x!tpu.dma_semaphore, #tpu.memory_space<semaphore_mem>> -> memref<1x!tpu.dma_semaphore, #tpu.memory_space<semaphore_mem>>
    %dma_wait3A_74 = tpu.memref_squeeze %dma_wait3A_73 : memref<1x!tpu.dma_semaphore, #tpu.memory_space<semaphore_mem>> -> memref<!tpu.dma_semaphore, #tpu.memory_space<semaphore_mem>>
    %dma_wait3A_75 = arith.constant 0 : i32
    %dma_wait3A_76 = arith.constant 0 : i32
    %dma_wait3A_77 = tpu.memref_slice %arg9[%dma_wait3A_75, %dma_wait3A_76] : memref<10240x128xbf16, #tpu.memory_space<vmem_shared>> -> memref<128x128xbf16, #tpu.memory_space<vmem_shared>>
    tpu.wait_dma2 semaphore(%dma_wait3A_74 : memref<!tpu.dma_semaphore, #tpu.memory_space<semaphore_mem>>) src(%arg17 : memref<128x128xbf16, #tpu.memory_space<vmem>>) dst(%dma_wait3A_77 : memref<128x128xbf16, #tpu.memory_space<vmem_shared>>)
    %convert_element_type3A_78 = arith.extui %eq3A_8 : i1 to i32
    %cond3A_79 = arith.constant 0 : i32
    %cond3A_80 = arith.cmpi ne, %convert_element_type3A_78, %cond3A_79 : i32
    scf.if %cond3A_80 {
      %dma_wait3A_190 = arith.constant 0 : i32
      %dma_wait3A_191 = arith.constant 0 : i32
      %dma_wait3A_192 = tpu.memref_slice %arg10[%dma_wait3A_190, %dma_wait3A_191] : memref<10240x16xf32, #tpu.memory_space<vmem_shared>> -> memref<128x16xf32, #tpu.memory_space<vmem_shared>>
      %dma_wait3A_193 = arith.constant 0 : i32
      %dma_wait3A_194 = arith.constant 0 : i32
      %dma_wait3A_195 = tpu.memref_slice %arg10[%dma_wait3A_193, %dma_wait3A_194] : memref<10240x16xf32, #tpu.memory_space<vmem_shared>> -> memref<128x16xf32, #tpu.memory_space<vmem_shared>>
      tpu.wait_dma2 semaphore(%arg22 : memref<!tpu.dma_semaphore, #tpu.memory_space<semaphore_mem>>) src(%arg18 : memref<128x16xf32, #tpu.memory_space<vmem>>) dst(%dma_wait3A_195 : memref<128x16xf32, #tpu.memory_space<vmem_shared>>)
    } else {
    }
    %barrier3A_81 = arith.constant 0 : index
    tpu.barrier barrier_id(%barrier3A_81)
    %eq3A_82 = arith.constant 0 : i32
    %eq3A_83 = arith.cmpi eq, %arg0, %eq3A_82 : i32
    %convert_element_type3A_84 = arith.extui %eq3A_83 : i1 to i32
    %cond3A_85 = arith.constant 0 : i32
    %cond3A_86 = arith.cmpi ne, %convert_element_type3A_84, %cond3A_85 : i32
    scf.if %cond3A_86 {
      %run_scoped3A = arith.constant 0 : i32
      "tpu.region"() ({
        %run_scoped3A_190 = tpu.sem_alloc : memref<!tpu.dma_semaphore, #tpu.memory_space<semaphore_mem>>
        %dma_start3A = arith.constant 0 : i32
        %dma_start3A_191 = tpu.memref_slice %arg6[%run_scoped3A, %mul3A_2, %dma_start3A] : memref<2x10240x128xbf16, #tpu.memory_space<hbm>> -> memref<1x640x128xbf16, #tpu.memory_space<hbm>>
        %dma_start3A_192 = tpu.memref_squeeze %dma_start3A_191 : memref<1x640x128xbf16, #tpu.memory_space<hbm>> -> memref<640x128xbf16, #tpu.memory_space<hbm>>
        %dma_start3A_193 = arith.constant 0 : i32
        %dma_start3A_194 = tpu.memref_slice %arg9[%mul3A_2, %dma_start3A_193] : memref<10240x128xbf16, #tpu.memory_space<vmem_shared>> -> memref<640x128xbf16, #tpu.memory_space<vmem_shared>>
        tpu.enqueue_dma source(%dma_start3A_194 : memref<640x128xbf16, #tpu.memory_space<vmem_shared>>) target(%dma_start3A_192 : memref<640x128xbf16, #tpu.memory_space<hbm>>) target_semaphore(%run_scoped3A_190 : memref<!tpu.dma_semaphore, #tpu.memory_space<semaphore_mem>>)
        %dma_wait3A_195 = arith.constant 0 : i32
        %dma_wait3A_196 = tpu.memref_slice %arg6[%run_scoped3A, %mul3A_2, %dma_wait3A_195] : memref<2x10240x128xbf16, #tpu.memory_space<hbm>> -> memref<1x640x128xbf16, #tpu.memory_space<hbm>>
        %dma_wait3A_197 = tpu.memref_squeeze %dma_wait3A_196 : memref<1x640x128xbf16, #tpu.memory_space<hbm>> -> memref<640x128xbf16, #tpu.memory_space<hbm>>
        %dma_wait3A_198 = arith.constant 0 : i32
        %dma_wait3A_199 = tpu.memref_slice %arg9[%mul3A_2, %dma_wait3A_198] : memref<10240x128xbf16, #tpu.memory_space<vmem_shared>> -> memref<640x128xbf16, #tpu.memory_space<vmem_shared>>
        tpu.wait_dma2 semaphore(%run_scoped3A_190 : memref<!tpu.dma_semaphore, #tpu.memory_space<semaphore_mem>>) src(%dma_wait3A_199 : memref<640x128xbf16, #tpu.memory_space<vmem_shared>>) dst(%dma_wait3A_197 : memref<640x128xbf16, #tpu.memory_space<hbm>>)
        tpu.yield
      }) : () -> ()
    } else {
    }
    %eq3A_87 = arith.constant 1 : i32
    %eq3A_88 = arith.cmpi eq, %arg0, %eq3A_87 : i32
    %convert_element_type3A_89 = arith.extui %eq3A_88 : i1 to i32
    %cond3A_90 = arith.constant 0 : i32
    %cond3A_91 = arith.cmpi ne, %convert_element_type3A_89, %cond3A_90 : i32
    scf.if %cond3A_91 {
      %run_scoped3A = arith.constant 1 : i32
      "tpu.region"() ({
        %run_scoped3A_190 = tpu.sem_alloc : memref<!tpu.dma_semaphore, #tpu.memory_space<semaphore_mem>>
        %dma_start3A = arith.constant 0 : i32
        %dma_start3A_191 = tpu.memref_slice %arg6[%run_scoped3A, %mul3A_2, %dma_start3A] : memref<2x10240x128xbf16, #tpu.memory_space<hbm>> -> memref<1x640x128xbf16, #tpu.memory_space<hbm>>
        %dma_start3A_192 = tpu.memref_squeeze %dma_start3A_191 : memref<1x640x128xbf16, #tpu.memory_space<hbm>> -> memref<640x128xbf16, #tpu.memory_space<hbm>>
        %dma_start3A_193 = arith.constant 0 : i32
        %dma_start3A_194 = tpu.memref_slice %arg9[%mul3A_2, %dma_start3A_193] : memref<10240x128xbf16, #tpu.memory_space<vmem_shared>> -> memref<640x128xbf16, #tpu.memory_space<vmem_shared>>
        tpu.enqueue_dma source(%dma_start3A_194 : memref<640x128xbf16, #tpu.memory_space<vmem_shared>>) target(%dma_start3A_192 : memref<640x128xbf16, #tpu.memory_space<hbm>>) target_semaphore(%run_scoped3A_190 : memref<!tpu.dma_semaphore, #tpu.memory_space<semaphore_mem>>)
        %dma_wait3A_195 = arith.constant 0 : i32
        %dma_wait3A_196 = tpu.memref_slice %arg6[%run_scoped3A, %mul3A_2, %dma_wait3A_195] : memref<2x10240x128xbf16, #tpu.memory_space<hbm>> -> memref<1x640x128xbf16, #tpu.memory_space<hbm>>
        %dma_wait3A_197 = tpu.memref_squeeze %dma_wait3A_196 : memref<1x640x128xbf16, #tpu.memory_space<hbm>> -> memref<640x128xbf16, #tpu.memory_space<hbm>>
        %dma_wait3A_198 = arith.constant 0 : i32
        %dma_wait3A_199 = tpu.memref_slice %arg9[%mul3A_2, %dma_wait3A_198] : memref<10240x128xbf16, #tpu.memory_space<vmem_shared>> -> memref<640x128xbf16, #tpu.memory_space<vmem_shared>>
        tpu.wait_dma2 semaphore(%run_scoped3A_190 : memref<!tpu.dma_semaphore, #tpu.memory_space<semaphore_mem>>) src(%dma_wait3A_199 : memref<640x128xbf16, #tpu.memory_space<vmem_shared>>) dst(%dma_wait3A_197 : memref<640x128xbf16, #tpu.memory_space<hbm>>)
        tpu.yield
      }) : () -> ()
    } else {
    }
    %convert_element_type3A_92 = arith.extui %eq3A_8 : i1 to i32
    %cond3A_93 = arith.constant 0 : i32
    %cond3A_94 = arith.cmpi ne, %convert_element_type3A_92, %cond3A_93 : i32
    scf.if %cond3A_94 {
      %run_scoped3A = arith.constant 0 : i32
      "tpu.region"() ({
        %run_scoped3A_190 = tpu.sem_alloc : memref<!tpu.dma_semaphore, #tpu.memory_space<semaphore_mem>>
        %dma_start3A = arith.constant 0 : i32
        %dma_start3A_191 = tpu.memref_slice %arg8[%run_scoped3A, %mul3A_2, %dma_start3A] : memref<2x10240x16xf32, #tpu.memory_space<hbm>> -> memref<1x640x16xf32, #tpu.memory_space<hbm>>
        %dma_start3A_192 = tpu.memref_squeeze %dma_start3A_191 : memref<1x640x16xf32, #tpu.memory_space<hbm>> -> memref<640x16xf32, #tpu.memory_space<hbm>>
        %dma_start3A_193 = arith.constant 0 : i32
        %dma_start3A_194 = tpu.memref_slice %arg10[%mul3A_2, %dma_start3A_193] : memref<10240x16xf32, #tpu.memory_space<vmem_shared>> -> memref<640x16xf32, #tpu.memory_space<vmem_shared>>
        tpu.enqueue_dma source(%dma_start3A_194 : memref<640x16xf32, #tpu.memory_space<vmem_shared>>) target(%dma_start3A_192 : memref<640x16xf32, #tpu.memory_space<hbm>>) target_semaphore(%run_scoped3A_190 : memref<!tpu.dma_semaphore, #tpu.memory_space<semaphore_mem>>)
        %dma_wait3A_195 = arith.constant 0 : i32
        %dma_wait3A_196 = tpu.memref_slice %arg8[%run_scoped3A, %mul3A_2, %dma_wait3A_195] : memref<2x10240x16xf32, #tpu.memory_space<hbm>> -> memref<1x640x16xf32, #tpu.memory_space<hbm>>
        %dma_wait3A_197 = tpu.memref_squeeze %dma_wait3A_196 : memref<1x640x16xf32, #tpu.memory_space<hbm>> -> memref<640x16xf32, #tpu.memory_space<hbm>>
        %dma_wait3A_198 = arith.constant 0 : i32
        %dma_wait3A_199 = tpu.memref_slice %arg10[%mul3A_2, %dma_wait3A_198] : memref<10240x16xf32, #tpu.memory_space<vmem_shared>> -> memref<640x16xf32, #tpu.memory_space<vmem_shared>>
        tpu.wait_dma2 semaphore(%run_scoped3A_190 : memref<!tpu.dma_semaphore, #tpu.memory_space<semaphore_mem>>) src(%dma_wait3A_199 : memref<640x16xf32, #tpu.memory_space<vmem_shared>>) dst(%dma_wait3A_197 : memref<640x16xf32, #tpu.memory_space<hbm>>)
        tpu.yield
      }) : () -> ()
    } else {
    }
    %barrier3A_95 = arith.constant 0 : index
    tpu.barrier barrier_id(%barrier3A_95)
    %eq3A_96 = arith.constant 1 : i32
    %eq3A_97 = arith.cmpi eq, %arg0, %eq3A_96 : i32
    %scan3A_98 = arith.constant 0 : i32
    %scan3A_99 = arith.constant 0 : i32
    %scan3A_100 = arith.constant 128 : i32
    %scan3A_101 = arith.addi %scan3A_99, %scan3A_100 : i32
    %scan3A_102 = arith.constant 1 : i32
    scf.for %scan3A_190 = %scan3A_99 to %scan3A_101 step %scan3A_102  : i32 {
      %broadcast_in_dim3A = arith.constant 0.000000e+00 : bf16
      %broadcast_in_dim3A_191 = vector.broadcast %broadcast_in_dim3A : bf16 to vector<32xbf16>
      %swap3A = arith.index_cast %scan3A_190 : i32 to index
      %swap3A_192 = arith.constant 0 : index
      %swap3A_193 = tpu.vector_load %arg13[%swap3A, %swap3A_192] {strides = array<i32>} : memref<128x128xbf16, #tpu.memory_space<vmem>>, vector<1x32xbf16>,
      %swap3A_194 = vector.shape_cast %swap3A_193 : vector<1x32xbf16> to vector<32xbf16>
      %swap3A_195 = vector.shape_cast %broadcast_in_dim3A_191 : vector<32xbf16> to vector<1x32xbf16>
      tpu.vector_store %arg13[%swap3A, %swap3A_192], %swap3A_195 {strides = array<i32>} : memref<128x128xbf16, #tpu.memory_space<vmem>>, vector<1x32xbf16>,
      %broadcast_in_dim3A_196 = arith.constant 0.000000e+00 : bf16
      %broadcast_in_dim3A_197 = vector.broadcast %broadcast_in_dim3A_196 : bf16 to vector<32xbf16>
      %swap3A_198 = arith.index_cast %scan3A_190 : i32 to index
      %swap3A_199 = arith.constant 32 : index
      %swap3A_200 = tpu.vector_load %arg13[%swap3A_198, %swap3A_199] {strides = array<i32>} : memref<128x128xbf16, #tpu.memory_space<vmem>>, vector<1x32xbf16>,
      %swap3A_201 = vector.shape_cast %swap3A_200 : vector<1x32xbf16> to vector<32xbf16>
      %swap3A_202 = vector.shape_cast %broadcast_in_dim3A_197 : vector<32xbf16> to vector<1x32xbf16>
      tpu.vector_store %arg13[%swap3A_198, %swap3A_199], %swap3A_202 {strides = array<i32>} : memref<128x128xbf16, #tpu.memory_space<vmem>>, vector<1x32xbf16>,
      %broadcast_in_dim3A_203 = arith.constant 0.000000e+00 : bf16
      %broadcast_in_dim3A_204 = vector.broadcast %broadcast_in_dim3A_203 : bf16 to vector<32xbf16>
      %swap3A_205 = arith.index_cast %scan3A_190 : i32 to index
      %swap3A_206 = arith.constant 64 : index
      %swap3A_207 = tpu.vector_load %arg13[%swap3A_205, %swap3A_206] {strides = array<i32>} : memref<128x128xbf16, #tpu.memory_space<vmem>>, vector<1x32xbf16>,
      %swap3A_208 = vector.shape_cast %swap3A_207 : vector<1x32xbf16> to vector<32xbf16>
      %swap3A_209 = vector.shape_cast %broadcast_in_dim3A_204 : vector<32xbf16> to vector<1x32xbf16>
      tpu.vector_store %arg13[%swap3A_205, %swap3A_206], %swap3A_209 {strides = array<i32>} : memref<128x128xbf16, #tpu.memory_space<vmem>>, vector<1x32xbf16>,
      %broadcast_in_dim3A_210 = arith.constant 0.000000e+00 : bf16
      %broadcast_in_dim3A_211 = vector.broadcast %broadcast_in_dim3A_210 : bf16 to vector<32xbf16>
      %swap3A_212 = arith.index_cast %scan3A_190 : i32 to index
      %swap3A_213 = arith.constant 96 : index
      %swap3A_214 = tpu.vector_load %arg13[%swap3A_212, %swap3A_213] {strides = array<i32>} : memref<128x128xbf16, #tpu.memory_space<vmem>>, vector<1x32xbf16>,
      %swap3A_215 = vector.shape_cast %swap3A_214 : vector<1x32xbf16> to vector<32xbf16>
      %swap3A_216 = vector.shape_cast %broadcast_in_dim3A_211 : vector<32xbf16> to vector<1x32xbf16>
      tpu.vector_store %arg13[%swap3A_212, %swap3A_213], %swap3A_216 {strides = array<i32>} : memref<128x128xbf16, #tpu.memory_space<vmem>>, vector<1x32xbf16>,
    }
    %scan3A_103 = arith.constant 128 : i32
    %add3A_104 = arith.constant 0 : i32
    %add3A_105 = arith.addi %mul3A_2, %add3A_104 : i32
    "tpu.region"() ({
      %run_scoped3A = tpu.sem_alloc : memref<!tpu.dma_semaphore, #tpu.memory_space<semaphore_mem>>
      %dma_start3A = arith.constant 0 : i32
      %dma_start3A_190 = tpu.memref_slice %arg9[%add3A_105, %dma_start3A] : memref<10240x128xbf16, #tpu.memory_space<vmem_shared>> -> memref<128x128xbf16, #tpu.memory_space<vmem_shared>>
      %dma_start3A_191 = arith.constant 0 : i32
      %dma_start3A_192 = tpu.memref_slice %arg9[%add3A_105, %dma_start3A_191] : memref<10240x128xbf16, #tpu.memory_space<vmem_shared>> -> memref<128x128xbf16, #tpu.memory_space<vmem_shared>>
      tpu.enqueue_dma source(%arg13 : memref<128x128xbf16, #tpu.memory_space<vmem>>) target(%dma_start3A_192 : memref<128x128xbf16, #tpu.memory_space<vmem_shared>>) target_semaphore(%run_scoped3A : memref<!tpu.dma_semaphore, #tpu.memory_space<semaphore_mem>>)
      %dma_wait3A_193 = arith.constant 0 : i32
      %dma_wait3A_194 = tpu.memref_slice %arg9[%add3A_105, %dma_wait3A_193] : memref<10240x128xbf16, #tpu.memory_space<vmem_shared>> -> memref<128x128xbf16, #tpu.memory_space<vmem_shared>>
      %dma_wait3A_195 = arith.constant 0 : i32
      %dma_wait3A_196 = tpu.memref_slice %arg9[%add3A_105, %dma_wait3A_195] : memref<10240x128xbf16, #tpu.memory_space<vmem_shared>> -> memref<128x128xbf16, #tpu.memory_space<vmem_shared>>
      tpu.wait_dma2 semaphore(%run_scoped3A : memref<!tpu.dma_semaphore, #tpu.memory_space<semaphore_mem>>) src(%arg13 : memref<128x128xbf16, #tpu.memory_space<vmem>>) dst(%dma_wait3A_196 : memref<128x128xbf16, #tpu.memory_space<vmem_shared>>)
      tpu.yield
    }) : () -> ()
    %add3A_106 = arith.constant 128 : i32
    %add3A_107 = arith.addi %mul3A_2, %add3A_106 : i32
    "tpu.region"() ({
      %run_scoped3A = tpu.sem_alloc : memref<!tpu.dma_semaphore, #tpu.memory_space<semaphore_mem>>
      %dma_start3A = arith.constant 0 : i32
      %dma_start3A_190 = tpu.memref_slice %arg9[%add3A_107, %dma_start3A] : memref<10240x128xbf16, #tpu.memory_space<vmem_shared>> -> memref<128x128xbf16, #tpu.memory_space<vmem_shared>>
      %dma_start3A_191 = arith.constant 0 : i32
      %dma_start3A_192 = tpu.memref_slice %arg9[%add3A_107, %dma_start3A_191] : memref<10240x128xbf16, #tpu.memory_space<vmem_shared>> -> memref<128x128xbf16, #tpu.memory_space<vmem_shared>>
      tpu.enqueue_dma source(%arg13 : memref<128x128xbf16, #tpu.memory_space<vmem>>) target(%dma_start3A_192 : memref<128x128xbf16, #tpu.memory_space<vmem_shared>>) target_semaphore(%run_scoped3A : memref<!tpu.dma_semaphore, #tpu.memory_space<semaphore_mem>>)
      %dma_wait3A_193 = arith.constant 0 : i32
      %dma_wait3A_194 = tpu.memref_slice %arg9[%add3A_107, %dma_wait3A_193] : memref<10240x128xbf16, #tpu.memory_space<vmem_shared>> -> memref<128x128xbf16, #tpu.memory_space<vmem_shared>>
      %dma_wait3A_195 = arith.constant 0 : i32
      %dma_wait3A_196 = tpu.memref_slice %arg9[%add3A_107, %dma_wait3A_195] : memref<10240x128xbf16, #tpu.memory_space<vmem_shared>> -> memref<128x128xbf16, #tpu.memory_space<vmem_shared>>
      tpu.wait_dma2 semaphore(%run_scoped3A : memref<!tpu.dma_semaphore, #tpu.memory_space<semaphore_mem>>) src(%arg13 : memref<128x128xbf16, #tpu.memory_space<vmem>>) dst(%dma_wait3A_196 : memref<128x128xbf16, #tpu.memory_space<vmem_shared>>)
      tpu.yield
    }) : () -> ()
    %add3A_108 = arith.constant 256 : i32
    %add3A_109 = arith.addi %mul3A_2, %add3A_108 : i32
    "tpu.region"() ({
      %run_scoped3A = tpu.sem_alloc : memref<!tpu.dma_semaphore, #tpu.memory_space<semaphore_mem>>
      %dma_start3A = arith.constant 0 : i32
      %dma_start3A_190 = tpu.memref_slice %arg9[%add3A_109, %dma_start3A] : memref<10240x128xbf16, #tpu.memory_space<vmem_shared>> -> memref<128x128xbf16, #tpu.memory_space<vmem_shared>>
      %dma_start3A_191 = arith.constant 0 : i32
      %dma_start3A_192 = tpu.memref_slice %arg9[%add3A_109, %dma_start3A_191] : memref<10240x128xbf16, #tpu.memory_space<vmem_shared>> -> memref<128x128xbf16, #tpu.memory_space<vmem_shared>>
      tpu.enqueue_dma source(%arg13 : memref<128x128xbf16, #tpu.memory_space<vmem>>) target(%dma_start3A_192 : memref<128x128xbf16, #tpu.memory_space<vmem_shared>>) target_semaphore(%run_scoped3A : memref<!tpu.dma_semaphore, #tpu.memory_space<semaphore_mem>>)
      %dma_wait3A_193 = arith.constant 0 : i32
      %dma_wait3A_194 = tpu.memref_slice %arg9[%add3A_109, %dma_wait3A_193] : memref<10240x128xbf16, #tpu.memory_space<vmem_shared>> -> memref<128x128xbf16, #tpu.memory_space<vmem_shared>>
      %dma_wait3A_195 = arith.constant 0 : i32
      %dma_wait3A_196 = tpu.memref_slice %arg9[%add3A_109, %dma_wait3A_195] : memref<10240x128xbf16, #tpu.memory_space<vmem_shared>> -> memref<128x128xbf16, #tpu.memory_space<vmem_shared>>
      tpu.wait_dma2 semaphore(%run_scoped3A : memref<!tpu.dma_semaphore, #tpu.memory_space<semaphore_mem>>) src(%arg13 : memref<128x128xbf16, #tpu.memory_space<vmem>>) dst(%dma_wait3A_196 : memref<128x128xbf16, #tpu.memory_space<vmem_shared>>)
      tpu.yield
    }) : () -> ()
    %add3A_110 = arith.constant 384 : i32
    %add3A_111 = arith.addi %mul3A_2, %add3A_110 : i32
    "tpu.region"() ({
      %run_scoped3A = tpu.sem_alloc : memref<!tpu.dma_semaphore, #tpu.memory_space<semaphore_mem>>
      %dma_start3A = arith.constant 0 : i32
      %dma_start3A_190 = tpu.memref_slice %arg9[%add3A_111, %dma_start3A] : memref<10240x128xbf16, #tpu.memory_space<vmem_shared>> -> memref<128x128xbf16, #tpu.memory_space<vmem_shared>>
      %dma_start3A_191 = arith.constant 0 : i32
      %dma_start3A_192 = tpu.memref_slice %arg9[%add3A_111, %dma_start3A_191] : memref<10240x128xbf16, #tpu.memory_space<vmem_shared>> -> memref<128x128xbf16, #tpu.memory_space<vmem_shared>>
      tpu.enqueue_dma source(%arg13 : memref<128x128xbf16, #tpu.memory_space<vmem>>) target(%dma_start3A_192 : memref<128x128xbf16, #tpu.memory_space<vmem_shared>>) target_semaphore(%run_scoped3A : memref<!tpu.dma_semaphore, #tpu.memory_space<semaphore_mem>>)
      %dma_wait3A_193 = arith.constant 0 : i32
      %dma_wait3A_194 = tpu.memref_slice %arg9[%add3A_111, %dma_wait3A_193] : memref<10240x128xbf16, #tpu.memory_space<vmem_shared>> -> memref<128x128xbf16, #tpu.memory_space<vmem_shared>>
      %dma_wait3A_195 = arith.constant 0 : i32
      %dma_wait3A_196 = tpu.memref_slice %arg9[%add3A_111, %dma_wait3A_195] : memref<10240x128xbf16, #tpu.memory_space<vmem_shared>> -> memref<128x128xbf16, #tpu.memory_space<vmem_shared>>
      tpu.wait_dma2 semaphore(%run_scoped3A : memref<!tpu.dma_semaphore, #tpu.memory_space<semaphore_mem>>) src(%arg13 : memref<128x128xbf16, #tpu.memory_space<vmem>>) dst(%dma_wait3A_196 : memref<128x128xbf16, #tpu.memory_space<vmem_shared>>)
      tpu.yield
    }) : () -> ()
    %add3A_112 = arith.constant 512 : i32
    %add3A_113 = arith.addi %mul3A_2, %add3A_112 : i32
    "tpu.region"() ({
      %run_scoped3A = tpu.sem_alloc : memref<!tpu.dma_semaphore, #tpu.memory_space<semaphore_mem>>
      %dma_start3A = arith.constant 0 : i32
      %dma_start3A_190 = tpu.memref_slice %arg9[%add3A_113, %dma_start3A] : memref<10240x128xbf16, #tpu.memory_space<vmem_shared>> -> memref<128x128xbf16, #tpu.memory_space<vmem_shared>>
      %dma_start3A_191 = arith.constant 0 : i32
      %dma_start3A_192 = tpu.memref_slice %arg9[%add3A_113, %dma_start3A_191] : memref<10240x128xbf16, #tpu.memory_space<vmem_shared>> -> memref<128x128xbf16, #tpu.memory_space<vmem_shared>>
      tpu.enqueue_dma source(%arg13 : memref<128x128xbf16, #tpu.memory_space<vmem>>) target(%dma_start3A_192 : memref<128x128xbf16, #tpu.memory_space<vmem_shared>>) target_semaphore(%run_scoped3A : memref<!tpu.dma_semaphore, #tpu.memory_space<semaphore_mem>>)
      %dma_wait3A_193 = arith.constant 0 : i32
      %dma_wait3A_194 = tpu.memref_slice %arg9[%add3A_113, %dma_wait3A_193] : memref<10240x128xbf16, #tpu.memory_space<vmem_shared>> -> memref<128x128xbf16, #tpu.memory_space<vmem_shared>>
      %dma_wait3A_195 = arith.constant 0 : i32
      %dma_wait3A_196 = tpu.memref_slice %arg9[%add3A_113, %dma_wait3A_195] : memref<10240x128xbf16, #tpu.memory_space<vmem_shared>> -> memref<128x128xbf16, #tpu.memory_space<vmem_shared>>
      tpu.wait_dma2 semaphore(%run_scoped3A : memref<!tpu.dma_semaphore, #tpu.memory_space<semaphore_mem>>) src(%arg13 : memref<128x128xbf16, #tpu.memory_space<vmem>>) dst(%dma_wait3A_196 : memref<128x128xbf16, #tpu.memory_space<vmem_shared>>)
      tpu.yield
    }) : () -> ()
    %convert_element_type3A_114 = arith.extui %eq3A_97 : i1 to i32
    %cond3A_115 = arith.constant 0 : i32
    %cond3A_116 = arith.cmpi ne, %convert_element_type3A_114, %cond3A_115 : i32
    scf.if %cond3A_116 {
      %add3A_190 = arith.constant 0 : i32
      %add3A_191 = arith.addi %mul3A_2, %add3A_190 : i32
      "tpu.region"() ({
        %run_scoped3A = tpu.sem_alloc : memref<!tpu.dma_semaphore, #tpu.memory_space<semaphore_mem>>
        %dma_start3A = arith.constant 0 : i32
        %dma_start3A_200 = tpu.memref_slice %arg10[%add3A_191, %dma_start3A] : memref<10240x16xf32, #tpu.memory_space<vmem_shared>> -> memref<128x16xf32, #tpu.memory_space<vmem_shared>>
        %dma_start3A_201 = arith.constant 0 : i32
        %dma_start3A_202 = tpu.memref_slice %arg10[%add3A_191, %dma_start3A_201] : memref<10240x16xf32, #tpu.memory_space<vmem_shared>> -> memref<128x16xf32, #tpu.memory_space<vmem_shared>>
        tpu.enqueue_dma source(%arg19 : memref<128x16xf32, #tpu.memory_space<vmem>>) target(%dma_start3A_202 : memref<128x16xf32, #tpu.memory_space<vmem_shared>>) target_semaphore(%run_scoped3A : memref<!tpu.dma_semaphore, #tpu.memory_space<semaphore_mem>>)
        %dma_wait3A_203 = arith.constant 0 : i32
        %dma_wait3A_204 = tpu.memref_slice %arg10[%add3A_191, %dma_wait3A_203] : memref<10240x16xf32, #tpu.memory_space<vmem_shared>> -> memref<128x16xf32, #tpu.memory_space<vmem_shared>>
        %dma_wait3A_205 = arith.constant 0 : i32
        %dma_wait3A_206 = tpu.memref_slice %arg10[%add3A_191, %dma_wait3A_205] : memref<10240x16xf32, #tpu.memory_space<vmem_shared>> -> memref<128x16xf32, #tpu.memory_space<vmem_shared>>
        tpu.wait_dma2 semaphore(%run_scoped3A : memref<!tpu.dma_semaphore, #tpu.memory_space<semaphore_mem>>) src(%arg19 : memref<128x16xf32, #tpu.memory_space<vmem>>) dst(%dma_wait3A_206 : memref<128x16xf32, #tpu.memory_space<vmem_shared>>)
        tpu.yield
      }) : () -> ()
      %add3A_192 = arith.constant 128 : i32
      %add3A_193 = arith.addi %mul3A_2, %add3A_192 : i32
      "tpu.region"() ({
        %run_scoped3A = tpu.sem_alloc : memref<!tpu.dma_semaphore, #tpu.memory_space<semaphore_mem>>
        %dma_start3A = arith.constant 0 : i32
        %dma_start3A_200 = tpu.memref_slice %arg10[%add3A_193, %dma_start3A] : memref<10240x16xf32, #tpu.memory_space<vmem_shared>> -> memref<128x16xf32, #tpu.memory_space<vmem_shared>>
        %dma_start3A_201 = arith.constant 0 : i32
        %dma_start3A_202 = tpu.memref_slice %arg10[%add3A_193, %dma_start3A_201] : memref<10240x16xf32, #tpu.memory_space<vmem_shared>> -> memref<128x16xf32, #tpu.memory_space<vmem_shared>>
        tpu.enqueue_dma source(%arg19 : memref<128x16xf32, #tpu.memory_space<vmem>>) target(%dma_start3A_202 : memref<128x16xf32, #tpu.memory_space<vmem_shared>>) target_semaphore(%run_scoped3A : memref<!tpu.dma_semaphore, #tpu.memory_space<semaphore_mem>>)
        %dma_wait3A_203 = arith.constant 0 : i32
        %dma_wait3A_204 = tpu.memref_slice %arg10[%add3A_193, %dma_wait3A_203] : memref<10240x16xf32, #tpu.memory_space<vmem_shared>> -> memref<128x16xf32, #tpu.memory_space<vmem_shared>>
        %dma_wait3A_205 = arith.constant 0 : i32
        %dma_wait3A_206 = tpu.memref_slice %arg10[%add3A_193, %dma_wait3A_205] : memref<10240x16xf32, #tpu.memory_space<vmem_shared>> -> memref<128x16xf32, #tpu.memory_space<vmem_shared>>
        tpu.wait_dma2 semaphore(%run_scoped3A : memref<!tpu.dma_semaphore, #tpu.memory_space<semaphore_mem>>) src(%arg19 : memref<128x16xf32, #tpu.memory_space<vmem>>) dst(%dma_wait3A_206 : memref<128x16xf32, #tpu.memory_space<vmem_shared>>)
        tpu.yield
      }) : () -> ()
      %add3A_194 = arith.constant 256 : i32
      %add3A_195 = arith.addi %mul3A_2, %add3A_194 : i32
      "tpu.region"() ({
        %run_scoped3A = tpu.sem_alloc : memref<!tpu.dma_semaphore, #tpu.memory_space<semaphore_mem>>
        %dma_start3A = arith.constant 0 : i32
        %dma_start3A_200 = tpu.memref_slice %arg10[%add3A_195, %dma_start3A] : memref<10240x16xf32, #tpu.memory_space<vmem_shared>> -> memref<128x16xf32, #tpu.memory_space<vmem_shared>>
        %dma_start3A_201 = arith.constant 0 : i32
        %dma_start3A_202 = tpu.memref_slice %arg10[%add3A_195, %dma_start3A_201] : memref<10240x16xf32, #tpu.memory_space<vmem_shared>> -> memref<128x16xf32, #tpu.memory_space<vmem_shared>>
        tpu.enqueue_dma source(%arg19 : memref<128x16xf32, #tpu.memory_space<vmem>>) target(%dma_start3A_202 : memref<128x16xf32, #tpu.memory_space<vmem_shared>>) target_semaphore(%run_scoped3A : memref<!tpu.dma_semaphore, #tpu.memory_space<semaphore_mem>>)
        %dma_wait3A_203 = arith.constant 0 : i32
        %dma_wait3A_204 = tpu.memref_slice %arg10[%add3A_195, %dma_wait3A_203] : memref<10240x16xf32, #tpu.memory_space<vmem_shared>> -> memref<128x16xf32, #tpu.memory_space<vmem_shared>>
        %dma_wait3A_205 = arith.constant 0 : i32
        %dma_wait3A_206 = tpu.memref_slice %arg10[%add3A_195, %dma_wait3A_205] : memref<10240x16xf32, #tpu.memory_space<vmem_shared>> -> memref<128x16xf32, #tpu.memory_space<vmem_shared>>
        tpu.wait_dma2 semaphore(%run_scoped3A : memref<!tpu.dma_semaphore, #tpu.memory_space<semaphore_mem>>) src(%arg19 : memref<128x16xf32, #tpu.memory_space<vmem>>) dst(%dma_wait3A_206 : memref<128x16xf32, #tpu.memory_space<vmem_shared>>)
        tpu.yield
      }) : () -> ()
      %add3A_196 = arith.constant 384 : i32
      %add3A_197 = arith.addi %mul3A_2, %add3A_196 : i32
      "tpu.region"() ({
        %run_scoped3A = tpu.sem_alloc : memref<!tpu.dma_semaphore, #tpu.memory_space<semaphore_mem>>
        %dma_start3A = arith.constant 0 : i32
        %dma_start3A_200 = tpu.memref_slice %arg10[%add3A_197, %dma_start3A] : memref<10240x16xf32, #tpu.memory_space<vmem_shared>> -> memref<128x16xf32, #tpu.memory_space<vmem_shared>>
        %dma_start3A_201 = arith.constant 0 : i32
        %dma_start3A_202 = tpu.memref_slice %arg10[%add3A_197, %dma_start3A_201] : memref<10240x16xf32, #tpu.memory_space<vmem_shared>> -> memref<128x16xf32, #tpu.memory_space<vmem_shared>>
        tpu.enqueue_dma source(%arg19 : memref<128x16xf32, #tpu.memory_space<vmem>>) target(%dma_start3A_202 : memref<128x16xf32, #tpu.memory_space<vmem_shared>>) target_semaphore(%run_scoped3A : memref<!tpu.dma_semaphore, #tpu.memory_space<semaphore_mem>>)
        %dma_wait3A_203 = arith.constant 0 : i32
        %dma_wait3A_204 = tpu.memref_slice %arg10[%add3A_197, %dma_wait3A_203] : memref<10240x16xf32, #tpu.memory_space<vmem_shared>> -> memref<128x16xf32, #tpu.memory_space<vmem_shared>>
        %dma_wait3A_205 = arith.constant 0 : i32
        %dma_wait3A_206 = tpu.memref_slice %arg10[%add3A_197, %dma_wait3A_205] : memref<10240x16xf32, #tpu.memory_space<vmem_shared>> -> memref<128x16xf32, #tpu.memory_space<vmem_shared>>
        tpu.wait_dma2 semaphore(%run_scoped3A : memref<!tpu.dma_semaphore, #tpu.memory_space<semaphore_mem>>) src(%arg19 : memref<128x16xf32, #tpu.memory_space<vmem>>) dst(%dma_wait3A_206 : memref<128x16xf32, #tpu.memory_space<vmem_shared>>)
        tpu.yield
      }) : () -> ()
      %add3A_198 = arith.constant 512 : i32
      %add3A_199 = arith.addi %mul3A_2, %add3A_198 : i32
      "tpu.region"() ({
        %run_scoped3A = tpu.sem_alloc : memref<!tpu.dma_semaphore, #tpu.memory_space<semaphore_mem>>
        %dma_start3A = arith.constant 0 : i32
        %dma_start3A_200 = tpu.memref_slice %arg10[%add3A_199, %dma_start3A] : memref<10240x16xf32, #tpu.memory_space<vmem_shared>> -> memref<128x16xf32, #tpu.memory_space<vmem_shared>>
        %dma_start3A_201 = arith.constant 0 : i32
        %dma_start3A_202 = tpu.memref_slice %arg10[%add3A_199, %dma_start3A_201] : memref<10240x16xf32, #tpu.memory_space<vmem_shared>> -> memref<128x16xf32, #tpu.memory_space<vmem_shared>>
        tpu.enqueue_dma source(%arg19 : memref<128x16xf32, #tpu.memory_space<vmem>>) target(%dma_start3A_202 : memref<128x16xf32, #tpu.memory_space<vmem_shared>>) target_semaphore(%run_scoped3A : memref<!tpu.dma_semaphore, #tpu.memory_space<semaphore_mem>>)
        %dma_wait3A_203 = arith.constant 0 : i32
        %dma_wait3A_204 = tpu.memref_slice %arg10[%add3A_199, %dma_wait3A_203] : memref<10240x16xf32, #tpu.memory_space<vmem_shared>> -> memref<128x16xf32, #tpu.memory_space<vmem_shared>>
        %dma_wait3A_205 = arith.constant 0 : i32
        %dma_wait3A_206 = tpu.memref_slice %arg10[%add3A_199, %dma_wait3A_205] : memref<10240x16xf32, #tpu.memory_space<vmem_shared>> -> memref<128x16xf32, #tpu.memory_space<vmem_shared>>
        tpu.wait_dma2 semaphore(%run_scoped3A : memref<!tpu.dma_semaphore, #tpu.memory_space<semaphore_mem>>) src(%arg19 : memref<128x16xf32, #tpu.memory_space<vmem>>) dst(%dma_wait3A_206 : memref<128x16xf32, #tpu.memory_space<vmem_shared>>)
        tpu.yield
      }) : () -> ()
    } else {
    }
    "tpu.region"() ({
      %run_scoped3A = tpu.sem_alloc : memref<!tpu.dma_semaphore, #tpu.memory_space<semaphore_mem>>
      %dma_start3A = arith.constant 0 : i32
      %dma_start3A_190 = tpu.memref_slice %arg3[%mul3A_0, %dma_start3A] : memref<1280x128xi32, #tpu.memory_space<hbm>> -> memref<80x128xi32, #tpu.memory_space<hbm>>
      %dma_start3A_191 = arith.constant 0 : i32
      %dma_start3A_192 = tpu.memref_slice %arg3[%mul3A_0, %dma_start3A_191] : memref<1280x128xi32, #tpu.memory_space<hbm>> -> memref<80x128xi32, #tpu.memory_space<hbm>>
      tpu.enqueue_dma source(%dma_start3A_192 : memref<80x128xi32, #tpu.memory_space<hbm>>) target(%arg11 : memref<80x128xi32, #tpu.memory_space<vmem>>) target_semaphore(%run_scoped3A : memref<!tpu.dma_semaphore, #tpu.memory_space<semaphore_mem>>)
      %dma_wait3A_193 = arith.constant 0 : i32
      %dma_wait3A_194 = tpu.memref_slice %arg3[%mul3A_0, %dma_wait3A_193] : memref<1280x128xi32, #tpu.memory_space<hbm>> -> memref<80x128xi32, #tpu.memory_space<hbm>>
      %dma_wait3A_195 = arith.constant 0 : i32
      %dma_wait3A_196 = tpu.memref_slice %arg3[%mul3A_0, %dma_wait3A_195] : memref<1280x128xi32, #tpu.memory_space<hbm>> -> memref<80x128xi32, #tpu.memory_space<hbm>>
      tpu.wait_dma2 semaphore(%run_scoped3A : memref<!tpu.dma_semaphore, #tpu.memory_space<semaphore_mem>>) src(%dma_wait3A_196 : memref<80x128xi32, #tpu.memory_space<hbm>>) dst(%arg11 : memref<80x128xi32, #tpu.memory_space<vmem>>)
      tpu.yield
    }) : () -> ()
    "tpu.region"() ({
      %run_scoped3A = tpu.sem_alloc : memref<!tpu.dma_semaphore, #tpu.memory_space<semaphore_mem>>
      %dma_start3A = arith.constant 0 : i32
      %dma_start3A_190 = tpu.memref_slice %arg2[%mul3A_0, %dma_start3A] : memref<1280x128xi32, #tpu.memory_space<hbm>> -> memref<80x128xi32, #tpu.memory_space<hbm>>
      %dma_start3A_191 = arith.constant 0 : i32
      %dma_start3A_192 = tpu.memref_slice %arg2[%mul3A_0, %dma_start3A_191] : memref<1280x128xi32, #tpu.memory_space<hbm>> -> memref<80x128xi32, #tpu.memory_space<hbm>>
      tpu.enqueue_dma source(%dma_start3A_192 : memref<80x128xi32, #tpu.memory_space<hbm>>) target(%arg12 : memref<80x128xi32, #tpu.memory_space<vmem>>) target_semaphore(%run_scoped3A : memref<!tpu.dma_semaphore, #tpu.memory_space<semaphore_mem>>)
      %dma_wait3A_193 = arith.constant 0 : i32
      %dma_wait3A_194 = tpu.memref_slice %arg2[%mul3A_0, %dma_wait3A_193] : memref<1280x128xi32, #tpu.memory_space<hbm>> -> memref<80x128xi32, #tpu.memory_space<hbm>>
      %dma_wait3A_195 = arith.constant 0 : i32
      %dma_wait3A_196 = tpu.memref_slice %arg2[%mul3A_0, %dma_wait3A_195] : memref<1280x128xi32, #tpu.memory_space<hbm>> -> memref<80x128xi32, #tpu.memory_space<hbm>>
      tpu.wait_dma2 semaphore(%run_scoped3A : memref<!tpu.dma_semaphore, #tpu.memory_space<semaphore_mem>>) src(%dma_wait3A_196 : memref<80x128xi32, #tpu.memory_space<hbm>>) dst(%arg12 : memref<80x128xi32, #tpu.memory_space<vmem>>)
      tpu.yield
    }) : () -> ()
    %barrier3A_117 = arith.constant 0 : index
    tpu.barrier barrier_id(%barrier3A_117)
    %eq3A_118 = arith.constant 0 : i32
    %eq3A_119 = arith.cmpi eq, %arg0, %eq3A_118 : i32
    %convert_element_type3A_120 = arith.extui %eq3A_119 : i1 to i32
    %cond3A_121 = arith.constant 0 : i32
    %cond3A_122 = arith.cmpi ne, %convert_element_type3A_120, %cond3A_121 : i32
    scf.if %cond3A_122 {
      %dma_start3A = arith.constant 0 : i32
      %dma_start3A_190 = arith.constant 0 : i32
      %dma_start3A_191 = arith.constant 0 : i32
      %dma_start3A_192 = tpu.memref_slice %arg11[%dma_start3A, %dma_start3A_191] : memref<80x128xi32, #tpu.memory_space<vmem>> -> memref<1x128xi32, #tpu.memory_space<vmem>>
      %dma_start3A_193 = tpu.memref_squeeze %dma_start3A_192 : memref<1x128xi32, #tpu.memory_space<vmem>> -> memref<128xi32, #tpu.memory_space<vmem>>
      %dma_start3A_194 = arith.constant 0 : i32
      %dma_start3A_195 = arith.constant 0 : i32
      %dma_start3A_196 = tpu.memref_slice %arg4[%dma_start3A_194, %dma_start3A_195] : memref<10240x128xbf16, #tpu.memory_space<hbm>> -> memref<10240x128xbf16, #tpu.memory_space<hbm>>
      %dma_start3A_197 = tpu.memref_slice %arg20[%dma_start3A_190] : memref<5x!tpu.dma_semaphore, #tpu.memory_space<semaphore_mem>> -> memref<1x!tpu.dma_semaphore, #tpu.memory_space<semaphore_mem>>
      %dma_start3A_198 = tpu.memref_squeeze %dma_start3A_197 : memref<1x!tpu.dma_semaphore, #tpu.memory_space<semaphore_mem>> -> memref<!tpu.dma_semaphore, #tpu.memory_space<semaphore_mem>>
      tpu.enqueue_indirect_dma source(%dma_start3A_196 : memref<10240x128xbf16, #tpu.memory_space<hbm>>) target(%arg13 : memref<128x128xbf16, #tpu.memory_space<vmem>>) offsets(%dma_start3A_193 : memref<128xi32, #tpu.memory_space<vmem>>) semaphore(%dma_start3A_198 : memref<!tpu.dma_semaphore, #tpu.memory_space<semaphore_mem>>)
    } else {
    }
    %eq3A_123 = arith.constant 1 : i32
    %eq3A_124 = arith.cmpi eq, %arg0, %eq3A_123 : i32
    %convert_element_type3A_125 = arith.extui %eq3A_124 : i1 to i32
    %cond3A_126 = arith.constant 0 : i32
    %cond3A_127 = arith.cmpi ne, %convert_element_type3A_125, %cond3A_126 : i32
    scf.if %cond3A_127 {
      %dma_start3A = arith.constant 0 : i32
      %dma_start3A_190 = arith.constant 0 : i32
      %dma_start3A_191 = arith.constant 0 : i32
      %dma_start3A_192 = tpu.memref_slice %arg11[%dma_start3A, %dma_start3A_191] : memref<80x128xi32, #tpu.memory_space<vmem>> -> memref<1x128xi32, #tpu.memory_space<vmem>>
      %dma_start3A_193 = tpu.memref_squeeze %dma_start3A_192 : memref<1x128xi32, #tpu.memory_space<vmem>> -> memref<128xi32, #tpu.memory_space<vmem>>
      %dma_start3A_194 = arith.constant 0 : i32
      %dma_start3A_195 = arith.constant 0 : i32
      %dma_start3A_196 = tpu.memref_slice %arg5[%dma_start3A_194, %dma_start3A_195] : memref<10240x128xbf16, #tpu.memory_space<hbm>> -> memref<10240x128xbf16, #tpu.memory_space<hbm>>
      %dma_start3A_197 = tpu.memref_slice %arg20[%dma_start3A_190] : memref<5x!tpu.dma_semaphore, #tpu.memory_space<semaphore_mem>> -> memref<1x!tpu.dma_semaphore, #tpu.memory_space<semaphore_mem>>
      %dma_start3A_198 = tpu.memref_squeeze %dma_start3A_197 : memref<1x!tpu.dma_semaphore, #tpu.memory_space<semaphore_mem>> -> memref<!tpu.dma_semaphore, #tpu.memory_space<semaphore_mem>>
      tpu.enqueue_indirect_dma source(%dma_start3A_196 : memref<10240x128xbf16, #tpu.memory_space<hbm>>) target(%arg13 : memref<128x128xbf16, #tpu.memory_space<vmem>>) offsets(%dma_start3A_193 : memref<128xi32, #tpu.memory_space<vmem>>) semaphore(%dma_start3A_198 : memref<!tpu.dma_semaphore, #tpu.memory_space<semaphore_mem>>)
    } else {
    }
    %eq3A_128 = arith.constant 0 : i32
    %eq3A_129 = arith.cmpi eq, %arg0, %eq3A_128 : i32
    %convert_element_type3A_130 = arith.extui %eq3A_129 : i1 to i32
    %cond3A_131 = arith.constant 0 : i32
    %cond3A_132 = arith.cmpi ne, %convert_element_type3A_130, %cond3A_131 : i32
    scf.if %cond3A_132 {
      %dma_start3A = arith.constant 1 : i32
      %dma_start3A_190 = arith.constant 1 : i32
      %dma_start3A_191 = arith.constant 0 : i32
      %dma_start3A_192 = tpu.memref_slice %arg11[%dma_start3A, %dma_start3A_191] : memref<80x128xi32, #tpu.memory_space<vmem>> -> memref<1x128xi32, #tpu.memory_space<vmem>>
      %dma_start3A_193 = tpu.memref_squeeze %dma_start3A_192 : memref<1x128xi32, #tpu.memory_space<vmem>> -> memref<128xi32, #tpu.memory_space<vmem>>
      %dma_start3A_194 = arith.constant 0 : i32
      %dma_start3A_195 = arith.constant 0 : i32
      %dma_start3A_196 = tpu.memref_slice %arg4[%dma_start3A_194, %dma_start3A_195] : memref<10240x128xbf16, #tpu.memory_space<hbm>> -> memref<10240x128xbf16, #tpu.memory_space<hbm>>
      %dma_start3A_197 = tpu.memref_slice %arg20[%dma_start3A_190] : memref<5x!tpu.dma_semaphore, #tpu.memory_space<semaphore_mem>> -> memref<1x!tpu.dma_semaphore, #tpu.memory_space<semaphore_mem>>
      %dma_start3A_198 = tpu.memref_squeeze %dma_start3A_197 : memref<1x!tpu.dma_semaphore, #tpu.memory_space<semaphore_mem>> -> memref<!tpu.dma_semaphore, #tpu.memory_space<semaphore_mem>>
      tpu.enqueue_indirect_dma source(%dma_start3A_196 : memref<10240x128xbf16, #tpu.memory_space<hbm>>) target(%arg14 : memref<128x128xbf16, #tpu.memory_space<vmem>>) offsets(%dma_start3A_193 : memref<128xi32, #tpu.memory_space<vmem>>) semaphore(%dma_start3A_198 : memref<!tpu.dma_semaphore, #tpu.memory_space<semaphore_mem>>)
    } else {
    }
    %eq3A_133 = arith.constant 1 : i32
    %eq3A_134 = arith.cmpi eq, %arg0, %eq3A_133 : i32
    %convert_element_type3A_135 = arith.extui %eq3A_134 : i1 to i32
    %cond3A_136 = arith.constant 0 : i32
    %cond3A_137 = arith.cmpi ne, %convert_element_type3A_135, %cond3A_136 : i32
    scf.if %cond3A_137 {
      %dma_start3A = arith.constant 1 : i32
      %dma_start3A_190 = arith.constant 1 : i32
      %dma_start3A_191 = arith.constant 0 : i32
      %dma_start3A_192 = tpu.memref_slice %arg11[%dma_start3A, %dma_start3A_191] : memref<80x128xi32, #tpu.memory_space<vmem>> -> memref<1x128xi32, #tpu.memory_space<vmem>>
      %dma_start3A_193 = tpu.memref_squeeze %dma_start3A_192 : memref<1x128xi32, #tpu.memory_space<vmem>> -> memref<128xi32, #tpu.memory_space<vmem>>
      %dma_start3A_194 = arith.constant 0 : i32
      %dma_start3A_195 = arith.constant 0 : i32
      %dma_start3A_196 = tpu.memref_slice %arg5[%dma_start3A_194, %dma_start3A_195] : memref<10240x128xbf16, #tpu.memory_space<hbm>> -> memref<10240x128xbf16, #tpu.memory_space<hbm>>
      %dma_start3A_197 = tpu.memref_slice %arg20[%dma_start3A_190] : memref<5x!tpu.dma_semaphore, #tpu.memory_space<semaphore_mem>> -> memref<1x!tpu.dma_semaphore, #tpu.memory_space<semaphore_mem>>
      %dma_start3A_198 = tpu.memref_squeeze %dma_start3A_197 : memref<1x!tpu.dma_semaphore, #tpu.memory_space<semaphore_mem>> -> memref<!tpu.dma_semaphore, #tpu.memory_space<semaphore_mem>>
      tpu.enqueue_indirect_dma source(%dma_start3A_196 : memref<10240x128xbf16, #tpu.memory_space<hbm>>) target(%arg14 : memref<128x128xbf16, #tpu.memory_space<vmem>>) offsets(%dma_start3A_193 : memref<128xi32, #tpu.memory_space<vmem>>) semaphore(%dma_start3A_198 : memref<!tpu.dma_semaphore, #tpu.memory_space<semaphore_mem>>)
    } else {
    }
    %eq3A_138 = arith.constant 0 : i32
    %eq3A_139 = arith.cmpi eq, %arg0, %eq3A_138 : i32
    %convert_element_type3A_140 = arith.extui %eq3A_139 : i1 to i32
    %cond3A_141 = arith.constant 0 : i32
    %cond3A_142 = arith.cmpi ne, %convert_element_type3A_140, %cond3A_141 : i32
    scf.if %cond3A_142 {
      %dma_start3A = arith.constant 2 : i32
      %dma_start3A_190 = arith.constant 2 : i32
      %dma_start3A_191 = arith.constant 0 : i32
      %dma_start3A_192 = tpu.memref_slice %arg11[%dma_start3A, %dma_start3A_191] : memref<80x128xi32, #tpu.memory_space<vmem>> -> memref<1x128xi32, #tpu.memory_space<vmem>>
      %dma_start3A_193 = tpu.memref_squeeze %dma_start3A_192 : memref<1x128xi32, #tpu.memory_space<vmem>> -> memref<128xi32, #tpu.memory_space<vmem>>
      %dma_start3A_194 = arith.constant 0 : i32
      %dma_start3A_195 = arith.constant 0 : i32
      %dma_start3A_196 = tpu.memref_slice %arg4[%dma_start3A_194, %dma_start3A_195] : memref<10240x128xbf16, #tpu.memory_space<hbm>> -> memref<10240x128xbf16, #tpu.memory_space<hbm>>
      %dma_start3A_197 = tpu.memref_slice %arg20[%dma_start3A_190] : memref<5x!tpu.dma_semaphore, #tpu.memory_space<semaphore_mem>> -> memref<1x!tpu.dma_semaphore, #tpu.memory_space<semaphore_mem>>
      %dma_start3A_198 = tpu.memref_squeeze %dma_start3A_197 : memref<1x!tpu.dma_semaphore, #tpu.memory_space<semaphore_mem>> -> memref<!tpu.dma_semaphore, #tpu.memory_space<semaphore_mem>>
      tpu.enqueue_indirect_dma source(%dma_start3A_196 : memref<10240x128xbf16, #tpu.memory_space<hbm>>) target(%arg15 : memref<128x128xbf16, #tpu.memory_space<vmem>>) offsets(%dma_start3A_193 : memref<128xi32, #tpu.memory_space<vmem>>) semaphore(%dma_start3A_198 : memref<!tpu.dma_semaphore, #tpu.memory_space<semaphore_mem>>)
    } else {
    }
    %eq3A_143 = arith.constant 1 : i32
    %eq3A_144 = arith.cmpi eq, %arg0, %eq3A_143 : i32
    %convert_element_type3A_145 = arith.extui %eq3A_144 : i1 to i32
    %cond3A_146 = arith.constant 0 : i32
    %cond3A_147 = arith.cmpi ne, %convert_element_type3A_145, %cond3A_146 : i32
    scf.if %cond3A_147 {
      %dma_start3A = arith.constant 2 : i32
      %dma_start3A_190 = arith.constant 2 : i32
      %dma_start3A_191 = arith.constant 0 : i32
      %dma_start3A_192 = tpu.memref_slice %arg11[%dma_start3A, %dma_start3A_191] : memref<80x128xi32, #tpu.memory_space<vmem>> -> memref<1x128xi32, #tpu.memory_space<vmem>>
      %dma_start3A_193 = tpu.memref_squeeze %dma_start3A_192 : memref<1x128xi32, #tpu.memory_space<vmem>> -> memref<128xi32, #tpu.memory_space<vmem>>
      %dma_start3A_194 = arith.constant 0 : i32
      %dma_start3A_195 = arith.constant 0 : i32
      %dma_start3A_196 = tpu.memref_slice %arg5[%dma_start3A_194, %dma_start3A_195] : memref<10240x128xbf16, #tpu.memory_space<hbm>> -> memref<10240x128xbf16, #tpu.memory_space<hbm>>
      %dma_start3A_197 = tpu.memref_slice %arg20[%dma_start3A_190] : memref<5x!tpu.dma_semaphore, #tpu.memory_space<semaphore_mem>> -> memref<1x!tpu.dma_semaphore, #tpu.memory_space<semaphore_mem>>
      %dma_start3A_198 = tpu.memref_squeeze %dma_start3A_197 : memref<1x!tpu.dma_semaphore, #tpu.memory_space<semaphore_mem>> -> memref<!tpu.dma_semaphore, #tpu.memory_space<semaphore_mem>>
      tpu.enqueue_indirect_dma source(%dma_start3A_196 : memref<10240x128xbf16, #tpu.memory_space<hbm>>) target(%arg15 : memref<128x128xbf16, #tpu.memory_space<vmem>>) offsets(%dma_start3A_193 : memref<128xi32, #tpu.memory_space<vmem>>) semaphore(%dma_start3A_198 : memref<!tpu.dma_semaphore, #tpu.memory_space<semaphore_mem>>)
    } else {
    }
    %scan3A_148 = arith.constant 0 : i32
    %scan3A_149 = arith.constant 0 : i32
    %scan3A_150 = arith.constant 16 : i32
    %scan3A_151 = arith.addi %scan3A_149, %scan3A_150 : i32
    %scan3A_152 = arith.constant 1 : i32
    scf.for %scan3A_190 = %scan3A_149 to %scan3A_151 step %scan3A_152  : i32 {
      %mul3A_191 = arith.constant 5 : i32
      %mul3A_192 = arith.muli %mul3A_191, %scan3A_190 : i32
      %add3A_193 = arith.constant 0 : i32
      %add3A_194 = arith.addi %mul3A_192, %add3A_193 : i32
      %ge3A = arith.constant 2 : i32
      %ge3A_195 = arith.cmpi sge, %add3A_194, %ge3A : i32
      %convert_element_type3A_196 = arith.extui %ge3A_195 : i1 to i32
      %cond3A_197 = arith.constant 0 : i32
      %cond3A_198 = arith.cmpi ne, %convert_element_type3A_196, %cond3A_197 : i32
      scf.if %cond3A_198 {
        %dma_wait3A_402 = arith.constant 3 : i32
        %dma_wait3A_403 = arith.constant 0 : i32
        %dma_wait3A_404 = arith.constant 0 : i32
        %dma_wait3A_405 = tpu.memref_slice %arg9[%dma_wait3A_403, %dma_wait3A_404] : memref<10240x128xbf16, #tpu.memory_space<vmem_shared>> -> memref<128x128xbf16, #tpu.memory_space<vmem_shared>>
        %dma_wait3A_406 = tpu.memref_slice %arg21[%dma_wait3A_402] : memref<5x!tpu.dma_semaphore, #tpu.memory_space<semaphore_mem>> -> memref<1x!tpu.dma_semaphore, #tpu.memory_space<semaphore_mem>>
        %dma_wait3A_407 = tpu.memref_squeeze %dma_wait3A_406 : memref<1x!tpu.dma_semaphore, #tpu.memory_space<semaphore_mem>> -> memref<!tpu.dma_semaphore, #tpu.memory_space<semaphore_mem>>
        %dma_wait3A_408 = arith.constant 0 : i32
        %dma_wait3A_409 = arith.constant 0 : i32
        %dma_wait3A_410 = tpu.memref_slice %arg9[%dma_wait3A_408, %dma_wait3A_409] : memref<10240x128xbf16, #tpu.memory_space<vmem_shared>> -> memref<128x128xbf16, #tpu.memory_space<vmem_shared>>
        tpu.wait_dma2 semaphore(%dma_wait3A_407 : memref<!tpu.dma_semaphore, #tpu.memory_space<semaphore_mem>>) src(%arg16 : memref<128x128xbf16, #tpu.memory_space<vmem>>) dst(%dma_wait3A_410 : memref<128x128xbf16, #tpu.memory_space<vmem_shared>>)
      } else {
      }
      %add3A_199 = arith.constant 3 : i32
      %add3A_200 = arith.addi %add3A_194, %add3A_199 : i32
      %lt3A = arith.constant 80 : i32
      %lt3A_201 = arith.cmpi slt, %add3A_200, %lt3A : i32
      %convert_element_type3A_202 = arith.extui %lt3A_201 : i1 to i32
      %cond3A_203 = arith.constant 0 : i32
      %cond3A_204 = arith.cmpi ne, %convert_element_type3A_202, %cond3A_203 : i32
      scf.if %cond3A_204 {
        %add3A_402 = arith.constant 3 : i32
        %add3A_403 = arith.addi %add3A_194, %add3A_402 : i32
        %eq3A_404 = arith.constant 0 : i32
        %eq3A_405 = arith.cmpi eq, %arg0, %eq3A_404 : i32
        %convert_element_type3A_406 = arith.extui %eq3A_405 : i1 to i32
        %cond3A_407 = arith.constant 0 : i32
        %cond3A_408 = arith.cmpi ne, %convert_element_type3A_406, %cond3A_407 : i32
        scf.if %cond3A_408 {
          %dma_start3A_414 = arith.constant 3 : i32
          %dma_start3A_415 = arith.constant 0 : i32
          %dma_start3A_416 = tpu.memref_slice %arg11[%add3A_403, %dma_start3A_415] : memref<80x128xi32, #tpu.memory_space<vmem>> -> memref<1x128xi32, #tpu.memory_space<vmem>>
          %dma_start3A_417 = tpu.memref_squeeze %dma_start3A_416 : memref<1x128xi32, #tpu.memory_space<vmem>> -> memref<128xi32, #tpu.memory_space<vmem>>
          %dma_start3A_418 = arith.constant 0 : i32
          %dma_start3A_419 = arith.constant 0 : i32
          %dma_start3A_420 = tpu.memref_slice %arg4[%dma_start3A_418, %dma_start3A_419] : memref<10240x128xbf16, #tpu.memory_space<hbm>> -> memref<10240x128xbf16, #tpu.memory_space<hbm>>
          %dma_start3A_421 = tpu.memref_slice %arg20[%dma_start3A_414] : memref<5x!tpu.dma_semaphore, #tpu.memory_space<semaphore_mem>> -> memref<1x!tpu.dma_semaphore, #tpu.memory_space<semaphore_mem>>
          %dma_start3A_422 = tpu.memref_squeeze %dma_start3A_421 : memref<1x!tpu.dma_semaphore, #tpu.memory_space<semaphore_mem>> -> memref<!tpu.dma_semaphore, #tpu.memory_space<semaphore_mem>>
          tpu.enqueue_indirect_dma source(%dma_start3A_420 : memref<10240x128xbf16, #tpu.memory_space<hbm>>) target(%arg16 : memref<128x128xbf16, #tpu.memory_space<vmem>>) offsets(%dma_start3A_417 : memref<128xi32, #tpu.memory_space<vmem>>) semaphore(%dma_start3A_422 : memref<!tpu.dma_semaphore, #tpu.memory_space<semaphore_mem>>)
        } else {
        }
        %eq3A_409 = arith.constant 1 : i32
        %eq3A_410 = arith.cmpi eq, %arg0, %eq3A_409 : i32
        %convert_element_type3A_411 = arith.extui %eq3A_410 : i1 to i32
        %cond3A_412 = arith.constant 0 : i32
        %cond3A_413 = arith.cmpi ne, %convert_element_type3A_411, %cond3A_412 : i32
        scf.if %cond3A_413 {
          %dma_start3A_414 = arith.constant 3 : i32
          %dma_start3A_415 = arith.constant 0 : i32
          %dma_start3A_416 = tpu.memref_slice %arg11[%add3A_403, %dma_start3A_415] : memref<80x128xi32, #tpu.memory_space<vmem>> -> memref<1x128xi32, #tpu.memory_space<vmem>>
          %dma_start3A_417 = tpu.memref_squeeze %dma_start3A_416 : memref<1x128xi32, #tpu.memory_space<vmem>> -> memref<128xi32, #tpu.memory_space<vmem>>
          %dma_start3A_418 = arith.constant 0 : i32
          %dma_start3A_419 = arith.constant 0 : i32
          %dma_start3A_420 = tpu.memref_slice %arg5[%dma_start3A_418, %dma_start3A_419] : memref<10240x128xbf16, #tpu.memory_space<hbm>> -> memref<10240x128xbf16, #tpu.memory_space<hbm>>
          %dma_start3A_421 = tpu.memref_slice %arg20[%dma_start3A_414] : memref<5x!tpu.dma_semaphore, #tpu.memory_space<semaphore_mem>> -> memref<1x!tpu.dma_semaphore, #tpu.memory_space<semaphore_mem>>
          %dma_start3A_422 = tpu.memref_squeeze %dma_start3A_421 : memref<1x!tpu.dma_semaphore, #tpu.memory_space<semaphore_mem>> -> memref<!tpu.dma_semaphore, #tpu.memory_space<semaphore_mem>>
          tpu.enqueue_indirect_dma source(%dma_start3A_420 : memref<10240x128xbf16, #tpu.memory_space<hbm>>) target(%arg16 : memref<128x128xbf16, #tpu.memory_space<vmem>>) offsets(%dma_start3A_417 : memref<128xi32, #tpu.memory_space<vmem>>) semaphore(%dma_start3A_422 : memref<!tpu.dma_semaphore, #tpu.memory_space<semaphore_mem>>)
        } else {
        }
      } else {
      }
      %dma_wait3A_205 = arith.constant 0 : i32
      %dma_wait3A_206 = arith.constant 0 : i32
      %dma_wait3A_207 = arith.constant 0 : i32
      %dma_wait3A_208 = tpu.memref_slice %arg4[%dma_wait3A_206, %dma_wait3A_207] : memref<10240x128xbf16, #tpu.memory_space<hbm>> -> memref<128x128xbf16, #tpu.memory_space<hbm>>
      %dma_wait3A_209 = tpu.memref_slice %arg20[%dma_wait3A_205] : memref<5x!tpu.dma_semaphore, #tpu.memory_space<semaphore_mem>> -> memref<1x!tpu.dma_semaphore, #tpu.memory_space<semaphore_mem>>
      %dma_wait3A_210 = tpu.memref_squeeze %dma_wait3A_209 : memref<1x!tpu.dma_semaphore, #tpu.memory_space<semaphore_mem>> -> memref<!tpu.dma_semaphore, #tpu.memory_space<semaphore_mem>>
      %dma_wait3A_211 = arith.constant 0 : i32
      %dma_wait3A_212 = arith.constant 0 : i32
      %dma_wait3A_213 = tpu.memref_slice %arg4[%dma_wait3A_211, %dma_wait3A_212] : memref<10240x128xbf16, #tpu.memory_space<hbm>> -> memref<128x128xbf16, #tpu.memory_space<hbm>>
      tpu.wait_dma2 semaphore(%dma_wait3A_210 : memref<!tpu.dma_semaphore, #tpu.memory_space<semaphore_mem>>) src(%dma_wait3A_213 : memref<128x128xbf16, #tpu.memory_space<hbm>>) dst(%arg13 : memref<128x128xbf16, #tpu.memory_space<vmem>>)
      %dma_start3A = arith.constant 0 : i32
      %dma_start3A_214 = arith.constant 0 : i32
      %dma_start3A_215 = tpu.memref_slice %arg12[%add3A_194, %dma_start3A_214] : memref<80x128xi32, #tpu.memory_space<vmem>> -> memref<1x128xi32, #tpu.memory_space<vmem>>
      %dma_start3A_216 = tpu.memref_squeeze %dma_start3A_215 : memref<1x128xi32, #tpu.memory_space<vmem>> -> memref<128xi32, #tpu.memory_space<vmem>>
      %dma_start3A_217 = arith.constant 0 : i32
      %dma_start3A_218 = arith.constant 0 : i32
      %dma_start3A_219 = tpu.memref_slice %arg9[%dma_start3A_217, %dma_start3A_218] : memref<10240x128xbf16, #tpu.memory_space<vmem_shared>> -> memref<10240x128xbf16, #tpu.memory_space<vmem_shared>>
      %dma_start3A_220 = tpu.memref_slice %arg21[%dma_start3A] : memref<5x!tpu.dma_semaphore, #tpu.memory_space<semaphore_mem>> -> memref<1x!tpu.dma_semaphore, #tpu.memory_space<semaphore_mem>>
      %dma_start3A_221 = tpu.memref_squeeze %dma_start3A_220 : memref<1x!tpu.dma_semaphore, #tpu.memory_space<semaphore_mem>> -> memref<!tpu.dma_semaphore, #tpu.memory_space<semaphore_mem>>
      tpu.enqueue_indirect_dma source(%arg13 : memref<128x128xbf16, #tpu.memory_space<vmem>>) target(%dma_start3A_219 : memref<10240x128xbf16, #tpu.memory_space<vmem_shared>>) offsets(%dma_start3A_216 : memref<128xi32, #tpu.memory_space<vmem>>) semaphore(%dma_start3A_221 : memref<!tpu.dma_semaphore, #tpu.memory_space<semaphore_mem>>) {add = true}
      %ge3A_222 = arith.constant 1 : i32
      %ge3A_223 = arith.cmpi sge, %add3A_194, %ge3A_222 : i32
      %and3A = arith.andi %eq3A_97, %ge3A_223 : i1
      %convert_element_type3A_224 = arith.extui %and3A : i1 to i32
      %cond3A_225 = arith.constant 0 : i32
      %cond3A_226 = arith.cmpi ne, %convert_element_type3A_224, %cond3A_225 : i32
      scf.if %cond3A_226 {
        %dma_wait3A_402 = arith.constant 0 : i32
        %dma_wait3A_403 = arith.constant 0 : i32
        %dma_wait3A_404 = tpu.memref_slice %arg10[%dma_wait3A_402, %dma_wait3A_403] : memref<10240x16xf32, #tpu.memory_space<vmem_shared>> -> memref<128x16xf32, #tpu.memory_space<vmem_shared>>
        %dma_wait3A_405 = arith.constant 0 : i32
        %dma_wait3A_406 = arith.constant 0 : i32
        %dma_wait3A_407 = tpu.memref_slice %arg10[%dma_wait3A_405, %dma_wait3A_406] : memref<10240x16xf32, #tpu.memory_space<vmem_shared>> -> memref<128x16xf32, #tpu.memory_space<vmem_shared>>
        tpu.wait_dma2 semaphore(%arg22 : memref<!tpu.dma_semaphore, #tpu.memory_space<semaphore_mem>>) src(%arg18 : memref<128x16xf32, #tpu.memory_space<vmem>>) dst(%dma_wait3A_407 : memref<128x16xf32, #tpu.memory_space<vmem_shared>>)
      } else {
      }
      %convert_element_type3A_227 = arith.extui %eq3A_97 : i1 to i32
      %cond3A_228 = arith.constant 0 : i32
      %cond3A_229 = arith.cmpi ne, %convert_element_type3A_227, %cond3A_228 : i32
      scf.if %cond3A_229 {
        %dma_start3A_402 = arith.constant 0 : i32
        %dma_start3A_403 = tpu.memref_slice %arg12[%add3A_194, %dma_start3A_402] : memref<80x128xi32, #tpu.memory_space<vmem>> -> memref<1x128xi32, #tpu.memory_space<vmem>>
        %dma_start3A_404 = tpu.memref_squeeze %dma_start3A_403 : memref<1x128xi32, #tpu.memory_space<vmem>> -> memref<128xi32, #tpu.memory_space<vmem>>
        %dma_start3A_405 = arith.constant 0 : i32
        %dma_start3A_406 = arith.constant 0 : i32
        %dma_start3A_407 = tpu.memref_slice %arg10[%dma_start3A_405, %dma_start3A_406] : memref<10240x16xf32, #tpu.memory_space<vmem_shared>> -> memref<10240x16xf32, #tpu.memory_space<vmem_shared>>
        tpu.enqueue_indirect_dma source(%arg18 : memref<128x16xf32, #tpu.memory_space<vmem>>) target(%dma_start3A_407 : memref<10240x16xf32, #tpu.memory_space<vmem_shared>>) offsets(%dma_start3A_404 : memref<128xi32, #tpu.memory_space<vmem>>) semaphore(%arg22 : memref<!tpu.dma_semaphore, #tpu.memory_space<semaphore_mem>>) {add = true}
      } else {
      }
      %mul3A_230 = arith.constant 5 : i32
      %mul3A_231 = arith.muli %mul3A_230, %scan3A_190 : i32
      %add3A_232 = arith.constant 1 : i32
      %add3A_233 = arith.addi %mul3A_231, %add3A_232 : i32
      %ge3A_234 = arith.constant 2 : i32
      %ge3A_235 = arith.cmpi sge, %add3A_233, %ge3A_234 : i32
      %convert_element_type3A_236 = arith.extui %ge3A_235 : i1 to i32
      %cond3A_237 = arith.constant 0 : i32
      %cond3A_238 = arith.cmpi ne, %convert_element_type3A_236, %cond3A_237 : i32
      scf.if %cond3A_238 {
        %dma_wait3A_402 = arith.constant 4 : i32
        %dma_wait3A_403 = arith.constant 0 : i32
        %dma_wait3A_404 = arith.constant 0 : i32
        %dma_wait3A_405 = tpu.memref_slice %arg9[%dma_wait3A_403, %dma_wait3A_404] : memref<10240x128xbf16, #tpu.memory_space<vmem_shared>> -> memref<128x128xbf16, #tpu.memory_space<vmem_shared>>
        %dma_wait3A_406 = tpu.memref_slice %arg21[%dma_wait3A_402] : memref<5x!tpu.dma_semaphore, #tpu.memory_space<semaphore_mem>> -> memref<1x!tpu.dma_semaphore, #tpu.memory_space<semaphore_mem>>
        %dma_wait3A_407 = tpu.memref_squeeze %dma_wait3A_406 : memref<1x!tpu.dma_semaphore, #tpu.memory_space<semaphore_mem>> -> memref<!tpu.dma_semaphore, #tpu.memory_space<semaphore_mem>>
        %dma_wait3A_408 = arith.constant 0 : i32
        %dma_wait3A_409 = arith.constant 0 : i32
        %dma_wait3A_410 = tpu.memref_slice %arg9[%dma_wait3A_408, %dma_wait3A_409] : memref<10240x128xbf16, #tpu.memory_space<vmem_shared>> -> memref<128x128xbf16, #tpu.memory_space<vmem_shared>>
        tpu.wait_dma2 semaphore(%dma_wait3A_407 : memref<!tpu.dma_semaphore, #tpu.memory_space<semaphore_mem>>) src(%arg17 : memref<128x128xbf16, #tpu.memory_space<vmem>>) dst(%dma_wait3A_410 : memref<128x128xbf16, #tpu.memory_space<vmem_shared>>)
      } else {
      }
      %add3A_239 = arith.constant 3 : i32
      %add3A_240 = arith.addi %add3A_233, %add3A_239 : i32
      %lt3A_241 = arith.constant 80 : i32
      %lt3A_242 = arith.cmpi slt, %add3A_240, %lt3A_241 : i32
      %convert_element_type3A_243 = arith.extui %lt3A_242 : i1 to i32
      %cond3A_244 = arith.constant 0 : i32
      %cond3A_245 = arith.cmpi ne, %convert_element_type3A_243, %cond3A_244 : i32
      scf.if %cond3A_245 {
        %add3A_402 = arith.constant 3 : i32
        %add3A_403 = arith.addi %add3A_233, %add3A_402 : i32
        %eq3A_404 = arith.constant 0 : i32
        %eq3A_405 = arith.cmpi eq, %arg0, %eq3A_404 : i32
        %convert_element_type3A_406 = arith.extui %eq3A_405 : i1 to i32
        %cond3A_407 = arith.constant 0 : i32
        %cond3A_408 = arith.cmpi ne, %convert_element_type3A_406, %cond3A_407 : i32
        scf.if %cond3A_408 {
          %dma_start3A_414 = arith.constant 4 : i32
          %dma_start3A_415 = arith.constant 0 : i32
          %dma_start3A_416 = tpu.memref_slice %arg11[%add3A_403, %dma_start3A_415] : memref<80x128xi32, #tpu.memory_space<vmem>> -> memref<1x128xi32, #tpu.memory_space<vmem>>
          %dma_start3A_417 = tpu.memref_squeeze %dma_start3A_416 : memref<1x128xi32, #tpu.memory_space<vmem>> -> memref<128xi32, #tpu.memory_space<vmem>>
          %dma_start3A_418 = arith.constant 0 : i32
          %dma_start3A_419 = arith.constant 0 : i32
          %dma_start3A_420 = tpu.memref_slice %arg4[%dma_start3A_418, %dma_start3A_419] : memref<10240x128xbf16, #tpu.memory_space<hbm>> -> memref<10240x128xbf16, #tpu.memory_space<hbm>>
          %dma_start3A_421 = tpu.memref_slice %arg20[%dma_start3A_414] : memref<5x!tpu.dma_semaphore, #tpu.memory_space<semaphore_mem>> -> memref<1x!tpu.dma_semaphore, #tpu.memory_space<semaphore_mem>>
          %dma_start3A_422 = tpu.memref_squeeze %dma_start3A_421 : memref<1x!tpu.dma_semaphore, #tpu.memory_space<semaphore_mem>> -> memref<!tpu.dma_semaphore, #tpu.memory_space<semaphore_mem>>
          tpu.enqueue_indirect_dma source(%dma_start3A_420 : memref<10240x128xbf16, #tpu.memory_space<hbm>>) target(%arg17 : memref<128x128xbf16, #tpu.memory_space<vmem>>) offsets(%dma_start3A_417 : memref<128xi32, #tpu.memory_space<vmem>>) semaphore(%dma_start3A_422 : memref<!tpu.dma_semaphore, #tpu.memory_space<semaphore_mem>>)
        } else {
        }
        %eq3A_409 = arith.constant 1 : i32
        %eq3A_410 = arith.cmpi eq, %arg0, %eq3A_409 : i32
        %convert_element_type3A_411 = arith.extui %eq3A_410 : i1 to i32
        %cond3A_412 = arith.constant 0 : i32
        %cond3A_413 = arith.cmpi ne, %convert_element_type3A_411, %cond3A_412 : i32
        scf.if %cond3A_413 {
          %dma_start3A_414 = arith.constant 4 : i32
          %dma_start3A_415 = arith.constant 0 : i32
          %dma_start3A_416 = tpu.memref_slice %arg11[%add3A_403, %dma_start3A_415] : memref<80x128xi32, #tpu.memory_space<vmem>> -> memref<1x128xi32, #tpu.memory_space<vmem>>
          %dma_start3A_417 = tpu.memref_squeeze %dma_start3A_416 : memref<1x128xi32, #tpu.memory_space<vmem>> -> memref<128xi32, #tpu.memory_space<vmem>>
          %dma_start3A_418 = arith.constant 0 : i32
          %dma_start3A_419 = arith.constant 0 : i32
          %dma_start3A_420 = tpu.memref_slice %arg5[%dma_start3A_418, %dma_start3A_419] : memref<10240x128xbf16, #tpu.memory_space<hbm>> -> memref<10240x128xbf16, #tpu.memory_space<hbm>>
          %dma_start3A_421 = tpu.memref_slice %arg20[%dma_start3A_414] : memref<5x!tpu.dma_semaphore, #tpu.memory_space<semaphore_mem>> -> memref<1x!tpu.dma_semaphore, #tpu.memory_space<semaphore_mem>>
          %dma_start3A_422 = tpu.memref_squeeze %dma_start3A_421 : memref<1x!tpu.dma_semaphore, #tpu.memory_space<semaphore_mem>> -> memref<!tpu.dma_semaphore, #tpu.memory_space<semaphore_mem>>
          tpu.enqueue_indirect_dma source(%dma_start3A_420 : memref<10240x128xbf16, #tpu.memory_space<hbm>>) target(%arg17 : memref<128x128xbf16, #tpu.memory_space<vmem>>) offsets(%dma_start3A_417 : memref<128xi32, #tpu.memory_space<vmem>>) semaphore(%dma_start3A_422 : memref<!tpu.dma_semaphore, #tpu.memory_space<semaphore_mem>>)
        } else {
        }
      } else {
      }
      %dma_wait3A_246 = arith.constant 1 : i32
      %dma_wait3A_247 = arith.constant 0 : i32
      %dma_wait3A_248 = arith.constant 0 : i32
      %dma_wait3A_249 = tpu.memref_slice %arg4[%dma_wait3A_247, %dma_wait3A_248] : memref<10240x128xbf16, #tpu.memory_space<hbm>> -> memref<128x128xbf16, #tpu.memory_space<hbm>>
      %dma_wait3A_250 = tpu.memref_slice %arg20[%dma_wait3A_246] : memref<5x!tpu.dma_semaphore, #tpu.memory_space<semaphore_mem>> -> memref<1x!tpu.dma_semaphore, #tpu.memory_space<semaphore_mem>>
      %dma_wait3A_251 = tpu.memref_squeeze %dma_wait3A_250 : memref<1x!tpu.dma_semaphore, #tpu.memory_space<semaphore_mem>> -> memref<!tpu.dma_semaphore, #tpu.memory_space<semaphore_mem>>
      %dma_wait3A_252 = arith.constant 0 : i32
      %dma_wait3A_253 = arith.constant 0 : i32
      %dma_wait3A_254 = tpu.memref_slice %arg4[%dma_wait3A_252, %dma_wait3A_253] : memref<10240x128xbf16, #tpu.memory_space<hbm>> -> memref<128x128xbf16, #tpu.memory_space<hbm>>
      tpu.wait_dma2 semaphore(%dma_wait3A_251 : memref<!tpu.dma_semaphore, #tpu.memory_space<semaphore_mem>>) src(%dma_wait3A_254 : memref<128x128xbf16, #tpu.memory_space<hbm>>) dst(%arg14 : memref<128x128xbf16, #tpu.memory_space<vmem>>)
      %dma_start3A_255 = arith.constant 1 : i32
      %dma_start3A_256 = arith.constant 0 : i32
      %dma_start3A_257 = tpu.memref_slice %arg12[%add3A_233, %dma_start3A_256] : memref<80x128xi32, #tpu.memory_space<vmem>> -> memref<1x128xi32, #tpu.memory_space<vmem>>
      %dma_start3A_258 = tpu.memref_squeeze %dma_start3A_257 : memref<1x128xi32, #tpu.memory_space<vmem>> -> memref<128xi32, #tpu.memory_space<vmem>>
      %dma_start3A_259 = arith.constant 0 : i32
      %dma_start3A_260 = arith.constant 0 : i32
      %dma_start3A_261 = tpu.memref_slice %arg9[%dma_start3A_259, %dma_start3A_260] : memref<10240x128xbf16, #tpu.memory_space<vmem_shared>> -> memref<10240x128xbf16, #tpu.memory_space<vmem_shared>>
      %dma_start3A_262 = tpu.memref_slice %arg21[%dma_start3A_255] : memref<5x!tpu.dma_semaphore, #tpu.memory_space<semaphore_mem>> -> memref<1x!tpu.dma_semaphore, #tpu.memory_space<semaphore_mem>>
      %dma_start3A_263 = tpu.memref_squeeze %dma_start3A_262 : memref<1x!tpu.dma_semaphore, #tpu.memory_space<semaphore_mem>> -> memref<!tpu.dma_semaphore, #tpu.memory_space<semaphore_mem>>
      tpu.enqueue_indirect_dma source(%arg14 : memref<128x128xbf16, #tpu.memory_space<vmem>>) target(%dma_start3A_261 : memref<10240x128xbf16, #tpu.memory_space<vmem_shared>>) offsets(%dma_start3A_258 : memref<128xi32, #tpu.memory_space<vmem>>) semaphore(%dma_start3A_263 : memref<!tpu.dma_semaphore, #tpu.memory_space<semaphore_mem>>) {add = true}
      %ge3A_264 = arith.constant 1 : i32
      %ge3A_265 = arith.cmpi sge, %add3A_233, %ge3A_264 : i32
      %and3A_266 = arith.andi %eq3A_97, %ge3A_265 : i1
      %convert_element_type3A_267 = arith.extui %and3A_266 : i1 to i32
      %cond3A_268 = arith.constant 0 : i32
      %cond3A_269 = arith.cmpi ne, %convert_element_type3A_267, %cond3A_268 : i32
      scf.if %cond3A_269 {
        %dma_wait3A_402 = arith.constant 0 : i32
        %dma_wait3A_403 = arith.constant 0 : i32
        %dma_wait3A_404 = tpu.memref_slice %arg10[%dma_wait3A_402, %dma_wait3A_403] : memref<10240x16xf32, #tpu.memory_space<vmem_shared>> -> memref<128x16xf32, #tpu.memory_space<vmem_shared>>
        %dma_wait3A_405 = arith.constant 0 : i32
        %dma_wait3A_406 = arith.constant 0 : i32
        %dma_wait3A_407 = tpu.memref_slice %arg10[%dma_wait3A_405, %dma_wait3A_406] : memref<10240x16xf32, #tpu.memory_space<vmem_shared>> -> memref<128x16xf32, #tpu.memory_space<vmem_shared>>
        tpu.wait_dma2 semaphore(%arg22 : memref<!tpu.dma_semaphore, #tpu.memory_space<semaphore_mem>>) src(%arg18 : memref<128x16xf32, #tpu.memory_space<vmem>>) dst(%dma_wait3A_407 : memref<128x16xf32, #tpu.memory_space<vmem_shared>>)
      } else {
      }
      %convert_element_type3A_270 = arith.extui %eq3A_97 : i1 to i32
      %cond3A_271 = arith.constant 0 : i32
      %cond3A_272 = arith.cmpi ne, %convert_element_type3A_270, %cond3A_271 : i32
      scf.if %cond3A_272 {
        %dma_start3A_402 = arith.constant 0 : i32
        %dma_start3A_403 = tpu.memref_slice %arg12[%add3A_233, %dma_start3A_402] : memref<80x128xi32, #tpu.memory_space<vmem>> -> memref<1x128xi32, #tpu.memory_space<vmem>>
        %dma_start3A_404 = tpu.memref_squeeze %dma_start3A_403 : memref<1x128xi32, #tpu.memory_space<vmem>> -> memref<128xi32, #tpu.memory_space<vmem>>
        %dma_start3A_405 = arith.constant 0 : i32
        %dma_start3A_406 = arith.constant 0 : i32
        %dma_start3A_407 = tpu.memref_slice %arg10[%dma_start3A_405, %dma_start3A_406] : memref<10240x16xf32, #tpu.memory_space<vmem_shared>> -> memref<10240x16xf32, #tpu.memory_space<vmem_shared>>
        tpu.enqueue_indirect_dma source(%arg18 : memref<128x16xf32, #tpu.memory_space<vmem>>) target(%dma_start3A_407 : memref<10240x16xf32, #tpu.memory_space<vmem_shared>>) offsets(%dma_start3A_404 : memref<128xi32, #tpu.memory_space<vmem>>) semaphore(%arg22 : memref<!tpu.dma_semaphore, #tpu.memory_space<semaphore_mem>>) {add = true}
      } else {
      }
      %mul3A_273 = arith.constant 5 : i32
      %mul3A_274 = arith.muli %mul3A_273, %scan3A_190 : i32
      %add3A_275 = arith.constant 2 : i32
      %add3A_276 = arith.addi %mul3A_274, %add3A_275 : i32
      %ge3A_277 = arith.constant 2 : i32
      %ge3A_278 = arith.cmpi sge, %add3A_276, %ge3A_277 : i32
      %convert_element_type3A_279 = arith.extui %ge3A_278 : i1 to i32
      %cond3A_280 = arith.constant 0 : i32
      %cond3A_281 = arith.cmpi ne, %convert_element_type3A_279, %cond3A_280 : i32
      scf.if %cond3A_281 {
        %dma_wait3A_402 = arith.constant 0 : i32
        %dma_wait3A_403 = arith.constant 0 : i32
        %dma_wait3A_404 = arith.constant 0 : i32
        %dma_wait3A_405 = tpu.memref_slice %arg9[%dma_wait3A_403, %dma_wait3A_404] : memref<10240x128xbf16, #tpu.memory_space<vmem_shared>> -> memref<128x128xbf16, #tpu.memory_space<vmem_shared>>
        %dma_wait3A_406 = tpu.memref_slice %arg21[%dma_wait3A_402] : memref<5x!tpu.dma_semaphore, #tpu.memory_space<semaphore_mem>> -> memref<1x!tpu.dma_semaphore, #tpu.memory_space<semaphore_mem>>
        %dma_wait3A_407 = tpu.memref_squeeze %dma_wait3A_406 : memref<1x!tpu.dma_semaphore, #tpu.memory_space<semaphore_mem>> -> memref<!tpu.dma_semaphore, #tpu.memory_space<semaphore_mem>>
        %dma_wait3A_408 = arith.constant 0 : i32
        %dma_wait3A_409 = arith.constant 0 : i32
        %dma_wait3A_410 = tpu.memref_slice %arg9[%dma_wait3A_408, %dma_wait3A_409] : memref<10240x128xbf16, #tpu.memory_space<vmem_shared>> -> memref<128x128xbf16, #tpu.memory_space<vmem_shared>>
        tpu.wait_dma2 semaphore(%dma_wait3A_407 : memref<!tpu.dma_semaphore, #tpu.memory_space<semaphore_mem>>) src(%arg13 : memref<128x128xbf16, #tpu.memory_space<vmem>>) dst(%dma_wait3A_410 : memref<128x128xbf16, #tpu.memory_space<vmem_shared>>)
      } else {
      }
      %add3A_282 = arith.constant 3 : i32
      %add3A_283 = arith.addi %add3A_276, %add3A_282 : i32
      %lt3A_284 = arith.constant 80 : i32
      %lt3A_285 = arith.cmpi slt, %add3A_283, %lt3A_284 : i32
      %convert_element_type3A_286 = arith.extui %lt3A_285 : i1 to i32
      %cond3A_287 = arith.constant 0 : i32
      %cond3A_288 = arith.cmpi ne, %convert_element_type3A_286, %cond3A_287 : i32
      scf.if %cond3A_288 {
        %add3A_402 = arith.constant 3 : i32
        %add3A_403 = arith.addi %add3A_276, %add3A_402 : i32
        %eq3A_404 = arith.constant 0 : i32
        %eq3A_405 = arith.cmpi eq, %arg0, %eq3A_404 : i32
        %convert_element_type3A_406 = arith.extui %eq3A_405 : i1 to i32
        %cond3A_407 = arith.constant 0 : i32
        %cond3A_408 = arith.cmpi ne, %convert_element_type3A_406, %cond3A_407 : i32
        scf.if %cond3A_408 {
          %dma_start3A_414 = arith.constant 0 : i32
          %dma_start3A_415 = arith.constant 0 : i32
          %dma_start3A_416 = tpu.memref_slice %arg11[%add3A_403, %dma_start3A_415] : memref<80x128xi32, #tpu.memory_space<vmem>> -> memref<1x128xi32, #tpu.memory_space<vmem>>
          %dma_start3A_417 = tpu.memref_squeeze %dma_start3A_416 : memref<1x128xi32, #tpu.memory_space<vmem>> -> memref<128xi32, #tpu.memory_space<vmem>>
          %dma_start3A_418 = arith.constant 0 : i32
          %dma_start3A_419 = arith.constant 0 : i32
          %dma_start3A_420 = tpu.memref_slice %arg4[%dma_start3A_418, %dma_start3A_419] : memref<10240x128xbf16, #tpu.memory_space<hbm>> -> memref<10240x128xbf16, #tpu.memory_space<hbm>>
          %dma_start3A_421 = tpu.memref_slice %arg20[%dma_start3A_414] : memref<5x!tpu.dma_semaphore, #tpu.memory_space<semaphore_mem>> -> memref<1x!tpu.dma_semaphore, #tpu.memory_space<semaphore_mem>>
          %dma_start3A_422 = tpu.memref_squeeze %dma_start3A_421 : memref<1x!tpu.dma_semaphore, #tpu.memory_space<semaphore_mem>> -> memref<!tpu.dma_semaphore, #tpu.memory_space<semaphore_mem>>
          tpu.enqueue_indirect_dma source(%dma_start3A_420 : memref<10240x128xbf16, #tpu.memory_space<hbm>>) target(%arg13 : memref<128x128xbf16, #tpu.memory_space<vmem>>) offsets(%dma_start3A_417 : memref<128xi32, #tpu.memory_space<vmem>>) semaphore(%dma_start3A_422 : memref<!tpu.dma_semaphore, #tpu.memory_space<semaphore_mem>>)
        } else {
        }
        %eq3A_409 = arith.constant 1 : i32
        %eq3A_410 = arith.cmpi eq, %arg0, %eq3A_409 : i32
        %convert_element_type3A_411 = arith.extui %eq3A_410 : i1 to i32
        %cond3A_412 = arith.constant 0 : i32
        %cond3A_413 = arith.cmpi ne, %convert_element_type3A_411, %cond3A_412 : i32
        scf.if %cond3A_413 {
          %dma_start3A_414 = arith.constant 0 : i32
          %dma_start3A_415 = arith.constant 0 : i32
          %dma_start3A_416 = tpu.memref_slice %arg11[%add3A_403, %dma_start3A_415] : memref<80x128xi32, #tpu.memory_space<vmem>> -> memref<1x128xi32, #tpu.memory_space<vmem>>
          %dma_start3A_417 = tpu.memref_squeeze %dma_start3A_416 : memref<1x128xi32, #tpu.memory_space<vmem>> -> memref<128xi32, #tpu.memory_space<vmem>>
          %dma_start3A_418 = arith.constant 0 : i32
          %dma_start3A_419 = arith.constant 0 : i32
          %dma_start3A_420 = tpu.memref_slice %arg5[%dma_start3A_418, %dma_start3A_419] : memref<10240x128xbf16, #tpu.memory_space<hbm>> -> memref<10240x128xbf16, #tpu.memory_space<hbm>>
          %dma_start3A_421 = tpu.memref_slice %arg20[%dma_start3A_414] : memref<5x!tpu.dma_semaphore, #tpu.memory_space<semaphore_mem>> -> memref<1x!tpu.dma_semaphore, #tpu.memory_space<semaphore_mem>>
          %dma_start3A_422 = tpu.memref_squeeze %dma_start3A_421 : memref<1x!tpu.dma_semaphore, #tpu.memory_space<semaphore_mem>> -> memref<!tpu.dma_semaphore, #tpu.memory_space<semaphore_mem>>
          tpu.enqueue_indirect_dma source(%dma_start3A_420 : memref<10240x128xbf16, #tpu.memory_space<hbm>>) target(%arg13 : memref<128x128xbf16, #tpu.memory_space<vmem>>) offsets(%dma_start3A_417 : memref<128xi32, #tpu.memory_space<vmem>>) semaphore(%dma_start3A_422 : memref<!tpu.dma_semaphore, #tpu.memory_space<semaphore_mem>>)
        } else {
        }
      } else {
      }
      %dma_wait3A_289 = arith.constant 2 : i32
      %dma_wait3A_290 = arith.constant 0 : i32
      %dma_wait3A_291 = arith.constant 0 : i32
      %dma_wait3A_292 = tpu.memref_slice %arg4[%dma_wait3A_290, %dma_wait3A_291] : memref<10240x128xbf16, #tpu.memory_space<hbm>> -> memref<128x128xbf16, #tpu.memory_space<hbm>>
      %dma_wait3A_293 = tpu.memref_slice %arg20[%dma_wait3A_289] : memref<5x!tpu.dma_semaphore, #tpu.memory_space<semaphore_mem>> -> memref<1x!tpu.dma_semaphore, #tpu.memory_space<semaphore_mem>>
      %dma_wait3A_294 = tpu.memref_squeeze %dma_wait3A_293 : memref<1x!tpu.dma_semaphore, #tpu.memory_space<semaphore_mem>> -> memref<!tpu.dma_semaphore, #tpu.memory_space<semaphore_mem>>
      %dma_wait3A_295 = arith.constant 0 : i32
      %dma_wait3A_296 = arith.constant 0 : i32
      %dma_wait3A_297 = tpu.memref_slice %arg4[%dma_wait3A_295, %dma_wait3A_296] : memref<10240x128xbf16, #tpu.memory_space<hbm>> -> memref<128x128xbf16, #tpu.memory_space<hbm>>
      tpu.wait_dma2 semaphore(%dma_wait3A_294 : memref<!tpu.dma_semaphore, #tpu.memory_space<semaphore_mem>>) src(%dma_wait3A_297 : memref<128x128xbf16, #tpu.memory_space<hbm>>) dst(%arg15 : memref<128x128xbf16, #tpu.memory_space<vmem>>)
      %dma_start3A_298 = arith.constant 2 : i32
      %dma_start3A_299 = arith.constant 0 : i32
      %dma_start3A_300 = tpu.memref_slice %arg12[%add3A_276, %dma_start3A_299] : memref<80x128xi32, #tpu.memory_space<vmem>> -> memref<1x128xi32, #tpu.memory_space<vmem>>
      %dma_start3A_301 = tpu.memref_squeeze %dma_start3A_300 : memref<1x128xi32, #tpu.memory_space<vmem>> -> memref<128xi32, #tpu.memory_space<vmem>>
      %dma_start3A_302 = arith.constant 0 : i32
      %dma_start3A_303 = arith.constant 0 : i32
      %dma_start3A_304 = tpu.memref_slice %arg9[%dma_start3A_302, %dma_start3A_303] : memref<10240x128xbf16, #tpu.memory_space<vmem_shared>> -> memref<10240x128xbf16, #tpu.memory_space<vmem_shared>>
      %dma_start3A_305 = tpu.memref_slice %arg21[%dma_start3A_298] : memref<5x!tpu.dma_semaphore, #tpu.memory_space<semaphore_mem>> -> memref<1x!tpu.dma_semaphore, #tpu.memory_space<semaphore_mem>>
      %dma_start3A_306 = tpu.memref_squeeze %dma_start3A_305 : memref<1x!tpu.dma_semaphore, #tpu.memory_space<semaphore_mem>> -> memref<!tpu.dma_semaphore, #tpu.memory_space<semaphore_mem>>
      tpu.enqueue_indirect_dma source(%arg15 : memref<128x128xbf16, #tpu.memory_space<vmem>>) target(%dma_start3A_304 : memref<10240x128xbf16, #tpu.memory_space<vmem_shared>>) offsets(%dma_start3A_301 : memref<128xi32, #tpu.memory_space<vmem>>) semaphore(%dma_start3A_306 : memref<!tpu.dma_semaphore, #tpu.memory_space<semaphore_mem>>) {add = true}
      %ge3A_307 = arith.constant 1 : i32
      %ge3A_308 = arith.cmpi sge, %add3A_276, %ge3A_307 : i32
      %and3A_309 = arith.andi %eq3A_97, %ge3A_308 : i1
      %convert_element_type3A_310 = arith.extui %and3A_309 : i1 to i32
      %cond3A_311 = arith.constant 0 : i32
      %cond3A_312 = arith.cmpi ne, %convert_element_type3A_310, %cond3A_311 : i32
      scf.if %cond3A_312 {
        %dma_wait3A_402 = arith.constant 0 : i32
        %dma_wait3A_403 = arith.constant 0 : i32
        %dma_wait3A_404 = tpu.memref_slice %arg10[%dma_wait3A_402, %dma_wait3A_403] : memref<10240x16xf32, #tpu.memory_space<vmem_shared>> -> memref<128x16xf32, #tpu.memory_space<vmem_shared>>
        %dma_wait3A_405 = arith.constant 0 : i32
        %dma_wait3A_406 = arith.constant 0 : i32
        %dma_wait3A_407 = tpu.memref_slice %arg10[%dma_wait3A_405, %dma_wait3A_406] : memref<10240x16xf32, #tpu.memory_space<vmem_shared>> -> memref<128x16xf32, #tpu.memory_space<vmem_shared>>
        tpu.wait_dma2 semaphore(%arg22 : memref<!tpu.dma_semaphore, #tpu.memory_space<semaphore_mem>>) src(%arg18 : memref<128x16xf32, #tpu.memory_space<vmem>>) dst(%dma_wait3A_407 : memref<128x16xf32, #tpu.memory_space<vmem_shared>>)
      } else {
      }
      %convert_element_type3A_313 = arith.extui %eq3A_97 : i1 to i32
      %cond3A_314 = arith.constant 0 : i32
      %cond3A_315 = arith.cmpi ne, %convert_element_type3A_313, %cond3A_314 : i32
      scf.if %cond3A_315 {
        %dma_start3A_402 = arith.constant 0 : i32
        %dma_start3A_403 = tpu.memref_slice %arg12[%add3A_276, %dma_start3A_402] : memref<80x128xi32, #tpu.memory_space<vmem>> -> memref<1x128xi32, #tpu.memory_space<vmem>>
        %dma_start3A_404 = tpu.memref_squeeze %dma_start3A_403 : memref<1x128xi32, #tpu.memory_space<vmem>> -> memref<128xi32, #tpu.memory_space<vmem>>
        %dma_start3A_405 = arith.constant 0 : i32
        %dma_start3A_406 = arith.constant 0 : i32
        %dma_start3A_407 = tpu.memref_slice %arg10[%dma_start3A_405, %dma_start3A_406] : memref<10240x16xf32, #tpu.memory_space<vmem_shared>> -> memref<10240x16xf32, #tpu.memory_space<vmem_shared>>
        tpu.enqueue_indirect_dma source(%arg18 : memref<128x16xf32, #tpu.memory_space<vmem>>) target(%dma_start3A_407 : memref<10240x16xf32, #tpu.memory_space<vmem_shared>>) offsets(%dma_start3A_404 : memref<128xi32, #tpu.memory_space<vmem>>) semaphore(%arg22 : memref<!tpu.dma_semaphore, #tpu.memory_space<semaphore_mem>>) {add = true}
      } else {
      }
      %mul3A_316 = arith.constant 5 : i32
      %mul3A_317 = arith.muli %mul3A_316, %scan3A_190 : i32
      %add3A_318 = arith.constant 3 : i32
      %add3A_319 = arith.addi %mul3A_317, %add3A_318 : i32
      %ge3A_320 = arith.constant 2 : i32
      %ge3A_321 = arith.cmpi sge, %add3A_319, %ge3A_320 : i32
      %convert_element_type3A_322 = arith.extui %ge3A_321 : i1 to i32
      %cond3A_323 = arith.constant 0 : i32
      %cond3A_324 = arith.cmpi ne, %convert_element_type3A_322, %cond3A_323 : i32
      scf.if %cond3A_324 {
        %dma_wait3A_402 = arith.constant 1 : i32
        %dma_wait3A_403 = arith.constant 0 : i32
        %dma_wait3A_404 = arith.constant 0 : i32
        %dma_wait3A_405 = tpu.memref_slice %arg9[%dma_wait3A_403, %dma_wait3A_404] : memref<10240x128xbf16, #tpu.memory_space<vmem_shared>> -> memref<128x128xbf16, #tpu.memory_space<vmem_shared>>
        %dma_wait3A_406 = tpu.memref_slice %arg21[%dma_wait3A_402] : memref<5x!tpu.dma_semaphore, #tpu.memory_space<semaphore_mem>> -> memref<1x!tpu.dma_semaphore, #tpu.memory_space<semaphore_mem>>
        %dma_wait3A_407 = tpu.memref_squeeze %dma_wait3A_406 : memref<1x!tpu.dma_semaphore, #tpu.memory_space<semaphore_mem>> -> memref<!tpu.dma_semaphore, #tpu.memory_space<semaphore_mem>>
        %dma_wait3A_408 = arith.constant 0 : i32
        %dma_wait3A_409 = arith.constant 0 : i32
        %dma_wait3A_410 = tpu.memref_slice %arg9[%dma_wait3A_408, %dma_wait3A_409] : memref<10240x128xbf16, #tpu.memory_space<vmem_shared>> -> memref<128x128xbf16, #tpu.memory_space<vmem_shared>>
        tpu.wait_dma2 semaphore(%dma_wait3A_407 : memref<!tpu.dma_semaphore, #tpu.memory_space<semaphore_mem>>) src(%arg14 : memref<128x128xbf16, #tpu.memory_space<vmem>>) dst(%dma_wait3A_410 : memref<128x128xbf16, #tpu.memory_space<vmem_shared>>)
      } else {
      }
      %add3A_325 = arith.constant 3 : i32
      %add3A_326 = arith.addi %add3A_319, %add3A_325 : i32
      %lt3A_327 = arith.constant 80 : i32
      %lt3A_328 = arith.cmpi slt, %add3A_326, %lt3A_327 : i32
      %convert_element_type3A_329 = arith.extui %lt3A_328 : i1 to i32
      %cond3A_330 = arith.constant 0 : i32
      %cond3A_331 = arith.cmpi ne, %convert_element_type3A_329, %cond3A_330 : i32
      scf.if %cond3A_331 {
        %add3A_402 = arith.constant 3 : i32
        %add3A_403 = arith.addi %add3A_319, %add3A_402 : i32
        %eq3A_404 = arith.constant 0 : i32
        %eq3A_405 = arith.cmpi eq, %arg0, %eq3A_404 : i32
        %convert_element_type3A_406 = arith.extui %eq3A_405 : i1 to i32
        %cond3A_407 = arith.constant 0 : i32
        %cond3A_408 = arith.cmpi ne, %convert_element_type3A_406, %cond3A_407 : i32
        scf.if %cond3A_408 {
          %dma_start3A_414 = arith.constant 1 : i32
          %dma_start3A_415 = arith.constant 0 : i32
          %dma_start3A_416 = tpu.memref_slice %arg11[%add3A_403, %dma_start3A_415] : memref<80x128xi32, #tpu.memory_space<vmem>> -> memref<1x128xi32, #tpu.memory_space<vmem>>
          %dma_start3A_417 = tpu.memref_squeeze %dma_start3A_416 : memref<1x128xi32, #tpu.memory_space<vmem>> -> memref<128xi32, #tpu.memory_space<vmem>>
          %dma_start3A_418 = arith.constant 0 : i32
          %dma_start3A_419 = arith.constant 0 : i32
          %dma_start3A_420 = tpu.memref_slice %arg4[%dma_start3A_418, %dma_start3A_419] : memref<10240x128xbf16, #tpu.memory_space<hbm>> -> memref<10240x128xbf16, #tpu.memory_space<hbm>>
          %dma_start3A_421 = tpu.memref_slice %arg20[%dma_start3A_414] : memref<5x!tpu.dma_semaphore, #tpu.memory_space<semaphore_mem>> -> memref<1x!tpu.dma_semaphore, #tpu.memory_space<semaphore_mem>>
          %dma_start3A_422 = tpu.memref_squeeze %dma_start3A_421 : memref<1x!tpu.dma_semaphore, #tpu.memory_space<semaphore_mem>> -> memref<!tpu.dma_semaphore, #tpu.memory_space<semaphore_mem>>
          tpu.enqueue_indirect_dma source(%dma_start3A_420 : memref<10240x128xbf16, #tpu.memory_space<hbm>>) target(%arg14 : memref<128x128xbf16, #tpu.memory_space<vmem>>) offsets(%dma_start3A_417 : memref<128xi32, #tpu.memory_space<vmem>>) semaphore(%dma_start3A_422 : memref<!tpu.dma_semaphore, #tpu.memory_space<semaphore_mem>>)
        } else {
        }
        %eq3A_409 = arith.constant 1 : i32
        %eq3A_410 = arith.cmpi eq, %arg0, %eq3A_409 : i32
        %convert_element_type3A_411 = arith.extui %eq3A_410 : i1 to i32
        %cond3A_412 = arith.constant 0 : i32
        %cond3A_413 = arith.cmpi ne, %convert_element_type3A_411, %cond3A_412 : i32
        scf.if %cond3A_413 {
          %dma_start3A_414 = arith.constant 1 : i32
          %dma_start3A_415 = arith.constant 0 : i32
          %dma_start3A_416 = tpu.memref_slice %arg11[%add3A_403, %dma_start3A_415] : memref<80x128xi32, #tpu.memory_space<vmem>> -> memref<1x128xi32, #tpu.memory_space<vmem>>
          %dma_start3A_417 = tpu.memref_squeeze %dma_start3A_416 : memref<1x128xi32, #tpu.memory_space<vmem>> -> memref<128xi32, #tpu.memory_space<vmem>>
          %dma_start3A_418 = arith.constant 0 : i32
          %dma_start3A_419 = arith.constant 0 : i32
          %dma_start3A_420 = tpu.memref_slice %arg5[%dma_start3A_418, %dma_start3A_419] : memref<10240x128xbf16, #tpu.memory_space<hbm>> -> memref<10240x128xbf16, #tpu.memory_space<hbm>>
          %dma_start3A_421 = tpu.memref_slice %arg20[%dma_start3A_414] : memref<5x!tpu.dma_semaphore, #tpu.memory_space<semaphore_mem>> -> memref<1x!tpu.dma_semaphore, #tpu.memory_space<semaphore_mem>>
          %dma_start3A_422 = tpu.memref_squeeze %dma_start3A_421 : memref<1x!tpu.dma_semaphore, #tpu.memory_space<semaphore_mem>> -> memref<!tpu.dma_semaphore, #tpu.memory_space<semaphore_mem>>
          tpu.enqueue_indirect_dma source(%dma_start3A_420 : memref<10240x128xbf16, #tpu.memory_space<hbm>>) target(%arg14 : memref<128x128xbf16, #tpu.memory_space<vmem>>) offsets(%dma_start3A_417 : memref<128xi32, #tpu.memory_space<vmem>>) semaphore(%dma_start3A_422 : memref<!tpu.dma_semaphore, #tpu.memory_space<semaphore_mem>>)
        } else {
        }
      } else {
      }
      %dma_wait3A_332 = arith.constant 3 : i32
      %dma_wait3A_333 = arith.constant 0 : i32
      %dma_wait3A_334 = arith.constant 0 : i32
      %dma_wait3A_335 = tpu.memref_slice %arg4[%dma_wait3A_333, %dma_wait3A_334] : memref<10240x128xbf16, #tpu.memory_space<hbm>> -> memref<128x128xbf16, #tpu.memory_space<hbm>>
      %dma_wait3A_336 = tpu.memref_slice %arg20[%dma_wait3A_332] : memref<5x!tpu.dma_semaphore, #tpu.memory_space<semaphore_mem>> -> memref<1x!tpu.dma_semaphore, #tpu.memory_space<semaphore_mem>>
      %dma_wait3A_337 = tpu.memref_squeeze %dma_wait3A_336 : memref<1x!tpu.dma_semaphore, #tpu.memory_space<semaphore_mem>> -> memref<!tpu.dma_semaphore, #tpu.memory_space<semaphore_mem>>
      %dma_wait3A_338 = arith.constant 0 : i32
      %dma_wait3A_339 = arith.constant 0 : i32
      %dma_wait3A_340 = tpu.memref_slice %arg4[%dma_wait3A_338, %dma_wait3A_339] : memref<10240x128xbf16, #tpu.memory_space<hbm>> -> memref<128x128xbf16, #tpu.memory_space<hbm>>
      tpu.wait_dma2 semaphore(%dma_wait3A_337 : memref<!tpu.dma_semaphore, #tpu.memory_space<semaphore_mem>>) src(%dma_wait3A_340 : memref<128x128xbf16, #tpu.memory_space<hbm>>) dst(%arg16 : memref<128x128xbf16, #tpu.memory_space<vmem>>)
      %dma_start3A_341 = arith.constant 3 : i32
      %dma_start3A_342 = arith.constant 0 : i32
      %dma_start3A_343 = tpu.memref_slice %arg12[%add3A_319, %dma_start3A_342] : memref<80x128xi32, #tpu.memory_space<vmem>> -> memref<1x128xi32, #tpu.memory_space<vmem>>
      %dma_start3A_344 = tpu.memref_squeeze %dma_start3A_343 : memref<1x128xi32, #tpu.memory_space<vmem>> -> memref<128xi32, #tpu.memory_space<vmem>>
      %dma_start3A_345 = arith.constant 0 : i32
      %dma_start3A_346 = arith.constant 0 : i32
      %dma_start3A_347 = tpu.memref_slice %arg9[%dma_start3A_345, %dma_start3A_346] : memref<10240x128xbf16, #tpu.memory_space<vmem_shared>> -> memref<10240x128xbf16, #tpu.memory_space<vmem_shared>>
      %dma_start3A_348 = tpu.memref_slice %arg21[%dma_start3A_341] : memref<5x!tpu.dma_semaphore, #tpu.memory_space<semaphore_mem>> -> memref<1x!tpu.dma_semaphore, #tpu.memory_space<semaphore_mem>>
      %dma_start3A_349 = tpu.memref_squeeze %dma_start3A_348 : memref<1x!tpu.dma_semaphore, #tpu.memory_space<semaphore_mem>> -> memref<!tpu.dma_semaphore, #tpu.memory_space<semaphore_mem>>
      tpu.enqueue_indirect_dma source(%arg16 : memref<128x128xbf16, #tpu.memory_space<vmem>>) target(%dma_start3A_347 : memref<10240x128xbf16, #tpu.memory_space<vmem_shared>>) offsets(%dma_start3A_344 : memref<128xi32, #tpu.memory_space<vmem>>) semaphore(%dma_start3A_349 : memref<!tpu.dma_semaphore, #tpu.memory_space<semaphore_mem>>) {add = true}
      %ge3A_350 = arith.constant 1 : i32
      %ge3A_351 = arith.cmpi sge, %add3A_319, %ge3A_350 : i32
      %and3A_352 = arith.andi %eq3A_97, %ge3A_351 : i1
      %convert_element_type3A_353 = arith.extui %and3A_352 : i1 to i32
      %cond3A_354 = arith.constant 0 : i32
      %cond3A_355 = arith.cmpi ne, %convert_element_type3A_353, %cond3A_354 : i32
      scf.if %cond3A_355 {
        %dma_wait3A_402 = arith.constant 0 : i32
        %dma_wait3A_403 = arith.constant 0 : i32
        %dma_wait3A_404 = tpu.memref_slice %arg10[%dma_wait3A_402, %dma_wait3A_403] : memref<10240x16xf32, #tpu.memory_space<vmem_shared>> -> memref<128x16xf32, #tpu.memory_space<vmem_shared>>
        %dma_wait3A_405 = arith.constant 0 : i32
        %dma_wait3A_406 = arith.constant 0 : i32
        %dma_wait3A_407 = tpu.memref_slice %arg10[%dma_wait3A_405, %dma_wait3A_406] : memref<10240x16xf32, #tpu.memory_space<vmem_shared>> -> memref<128x16xf32, #tpu.memory_space<vmem_shared>>
        tpu.wait_dma2 semaphore(%arg22 : memref<!tpu.dma_semaphore, #tpu.memory_space<semaphore_mem>>) src(%arg18 : memref<128x16xf32, #tpu.memory_space<vmem>>) dst(%dma_wait3A_407 : memref<128x16xf32, #tpu.memory_space<vmem_shared>>)
      } else {
      }
      %convert_element_type3A_356 = arith.extui %eq3A_97 : i1 to i32
      %cond3A_357 = arith.constant 0 : i32
      %cond3A_358 = arith.cmpi ne, %convert_element_type3A_356, %cond3A_357 : i32
      scf.if %cond3A_358 {
        %dma_start3A_402 = arith.constant 0 : i32
        %dma_start3A_403 = tpu.memref_slice %arg12[%add3A_319, %dma_start3A_402] : memref<80x128xi32, #tpu.memory_space<vmem>> -> memref<1x128xi32, #tpu.memory_space<vmem>>
        %dma_start3A_404 = tpu.memref_squeeze %dma_start3A_403 : memref<1x128xi32, #tpu.memory_space<vmem>> -> memref<128xi32, #tpu.memory_space<vmem>>
        %dma_start3A_405 = arith.constant 0 : i32
        %dma_start3A_406 = arith.constant 0 : i32
        %dma_start3A_407 = tpu.memref_slice %arg10[%dma_start3A_405, %dma_start3A_406] : memref<10240x16xf32, #tpu.memory_space<vmem_shared>> -> memref<10240x16xf32, #tpu.memory_space<vmem_shared>>
        tpu.enqueue_indirect_dma source(%arg18 : memref<128x16xf32, #tpu.memory_space<vmem>>) target(%dma_start3A_407 : memref<10240x16xf32, #tpu.memory_space<vmem_shared>>) offsets(%dma_start3A_404 : memref<128xi32, #tpu.memory_space<vmem>>) semaphore(%arg22 : memref<!tpu.dma_semaphore, #tpu.memory_space<semaphore_mem>>) {add = true}
      } else {
      }
      %mul3A_359 = arith.constant 5 : i32
      %mul3A_360 = arith.muli %mul3A_359, %scan3A_190 : i32
      %add3A_361 = arith.constant 4 : i32
      %add3A_362 = arith.addi %mul3A_360, %add3A_361 : i32
      %ge3A_363 = arith.constant 2 : i32
      %ge3A_364 = arith.cmpi sge, %add3A_362, %ge3A_363 : i32
      %convert_element_type3A_365 = arith.extui %ge3A_364 : i1 to i32
      %cond3A_366 = arith.constant 0 : i32
      %cond3A_367 = arith.cmpi ne, %convert_element_type3A_365, %cond3A_366 : i32
      scf.if %cond3A_367 {
        %dma_wait3A_402 = arith.constant 2 : i32
        %dma_wait3A_403 = arith.constant 0 : i32
        %dma_wait3A_404 = arith.constant 0 : i32
        %dma_wait3A_405 = tpu.memref_slice %arg9[%dma_wait3A_403, %dma_wait3A_404] : memref<10240x128xbf16, #tpu.memory_space<vmem_shared>> -> memref<128x128xbf16, #tpu.memory_space<vmem_shared>>
        %dma_wait3A_406 = tpu.memref_slice %arg21[%dma_wait3A_402] : memref<5x!tpu.dma_semaphore, #tpu.memory_space<semaphore_mem>> -> memref<1x!tpu.dma_semaphore, #tpu.memory_space<semaphore_mem>>
        %dma_wait3A_407 = tpu.memref_squeeze %dma_wait3A_406 : memref<1x!tpu.dma_semaphore, #tpu.memory_space<semaphore_mem>> -> memref<!tpu.dma_semaphore, #tpu.memory_space<semaphore_mem>>
        %dma_wait3A_408 = arith.constant 0 : i32
        %dma_wait3A_409 = arith.constant 0 : i32
        %dma_wait3A_410 = tpu.memref_slice %arg9[%dma_wait3A_408, %dma_wait3A_409] : memref<10240x128xbf16, #tpu.memory_space<vmem_shared>> -> memref<128x128xbf16, #tpu.memory_space<vmem_shared>>
        tpu.wait_dma2 semaphore(%dma_wait3A_407 : memref<!tpu.dma_semaphore, #tpu.memory_space<semaphore_mem>>) src(%arg15 : memref<128x128xbf16, #tpu.memory_space<vmem>>) dst(%dma_wait3A_410 : memref<128x128xbf16, #tpu.memory_space<vmem_shared>>)
      } else {
      }
      %add3A_368 = arith.constant 3 : i32
      %add3A_369 = arith.addi %add3A_362, %add3A_368 : i32
      %lt3A_370 = arith.constant 80 : i32
      %lt3A_371 = arith.cmpi slt, %add3A_369, %lt3A_370 : i32
      %convert_element_type3A_372 = arith.extui %lt3A_371 : i1 to i32
      %cond3A_373 = arith.constant 0 : i32
      %cond3A_374 = arith.cmpi ne, %convert_element_type3A_372, %cond3A_373 : i32
      scf.if %cond3A_374 {
        %add3A_402 = arith.constant 3 : i32
        %add3A_403 = arith.addi %add3A_362, %add3A_402 : i32
        %eq3A_404 = arith.constant 0 : i32
        %eq3A_405 = arith.cmpi eq, %arg0, %eq3A_404 : i32
        %convert_element_type3A_406 = arith.extui %eq3A_405 : i1 to i32
        %cond3A_407 = arith.constant 0 : i32
        %cond3A_408 = arith.cmpi ne, %convert_element_type3A_406, %cond3A_407 : i32
        scf.if %cond3A_408 {
          %dma_start3A_414 = arith.constant 2 : i32
          %dma_start3A_415 = arith.constant 0 : i32
          %dma_start3A_416 = tpu.memref_slice %arg11[%add3A_403, %dma_start3A_415] : memref<80x128xi32, #tpu.memory_space<vmem>> -> memref<1x128xi32, #tpu.memory_space<vmem>>
          %dma_start3A_417 = tpu.memref_squeeze %dma_start3A_416 : memref<1x128xi32, #tpu.memory_space<vmem>> -> memref<128xi32, #tpu.memory_space<vmem>>
          %dma_start3A_418 = arith.constant 0 : i32
          %dma_start3A_419 = arith.constant 0 : i32
          %dma_start3A_420 = tpu.memref_slice %arg4[%dma_start3A_418, %dma_start3A_419] : memref<10240x128xbf16, #tpu.memory_space<hbm>> -> memref<10240x128xbf16, #tpu.memory_space<hbm>>
          %dma_start3A_421 = tpu.memref_slice %arg20[%dma_start3A_414] : memref<5x!tpu.dma_semaphore, #tpu.memory_space<semaphore_mem>> -> memref<1x!tpu.dma_semaphore, #tpu.memory_space<semaphore_mem>>
          %dma_start3A_422 = tpu.memref_squeeze %dma_start3A_421 : memref<1x!tpu.dma_semaphore, #tpu.memory_space<semaphore_mem>> -> memref<!tpu.dma_semaphore, #tpu.memory_space<semaphore_mem>>
          tpu.enqueue_indirect_dma source(%dma_start3A_420 : memref<10240x128xbf16, #tpu.memory_space<hbm>>) target(%arg15 : memref<128x128xbf16, #tpu.memory_space<vmem>>) offsets(%dma_start3A_417 : memref<128xi32, #tpu.memory_space<vmem>>) semaphore(%dma_start3A_422 : memref<!tpu.dma_semaphore, #tpu.memory_space<semaphore_mem>>)
        } else {
        }
        %eq3A_409 = arith.constant 1 : i32
        %eq3A_410 = arith.cmpi eq, %arg0, %eq3A_409 : i32
        %convert_element_type3A_411 = arith.extui %eq3A_410 : i1 to i32
        %cond3A_412 = arith.constant 0 : i32
        %cond3A_413 = arith.cmpi ne, %convert_element_type3A_411, %cond3A_412 : i32
        scf.if %cond3A_413 {
          %dma_start3A_414 = arith.constant 2 : i32
          %dma_start3A_415 = arith.constant 0 : i32
          %dma_start3A_416 = tpu.memref_slice %arg11[%add3A_403, %dma_start3A_415] : memref<80x128xi32, #tpu.memory_space<vmem>> -> memref<1x128xi32, #tpu.memory_space<vmem>>
          %dma_start3A_417 = tpu.memref_squeeze %dma_start3A_416 : memref<1x128xi32, #tpu.memory_space<vmem>> -> memref<128xi32, #tpu.memory_space<vmem>>
          %dma_start3A_418 = arith.constant 0 : i32
          %dma_start3A_419 = arith.constant 0 : i32
          %dma_start3A_420 = tpu.memref_slice %arg5[%dma_start3A_418, %dma_start3A_419] : memref<10240x128xbf16, #tpu.memory_space<hbm>> -> memref<10240x128xbf16, #tpu.memory_space<hbm>>
          %dma_start3A_421 = tpu.memref_slice %arg20[%dma_start3A_414] : memref<5x!tpu.dma_semaphore, #tpu.memory_space<semaphore_mem>> -> memref<1x!tpu.dma_semaphore, #tpu.memory_space<semaphore_mem>>
          %dma_start3A_422 = tpu.memref_squeeze %dma_start3A_421 : memref<1x!tpu.dma_semaphore, #tpu.memory_space<semaphore_mem>> -> memref<!tpu.dma_semaphore, #tpu.memory_space<semaphore_mem>>
          tpu.enqueue_indirect_dma source(%dma_start3A_420 : memref<10240x128xbf16, #tpu.memory_space<hbm>>) target(%arg15 : memref<128x128xbf16, #tpu.memory_space<vmem>>) offsets(%dma_start3A_417 : memref<128xi32, #tpu.memory_space<vmem>>) semaphore(%dma_start3A_422 : memref<!tpu.dma_semaphore, #tpu.memory_space<semaphore_mem>>)
        } else {
        }
      } else {
      }
      %dma_wait3A_375 = arith.constant 4 : i32
      %dma_wait3A_376 = arith.constant 0 : i32
      %dma_wait3A_377 = arith.constant 0 : i32
      %dma_wait3A_378 = tpu.memref_slice %arg4[%dma_wait3A_376, %dma_wait3A_377] : memref<10240x128xbf16, #tpu.memory_space<hbm>> -> memref<128x128xbf16, #tpu.memory_space<hbm>>
      %dma_wait3A_379 = tpu.memref_slice %arg20[%dma_wait3A_375] : memref<5x!tpu.dma_semaphore, #tpu.memory_space<semaphore_mem>> -> memref<1x!tpu.dma_semaphore, #tpu.memory_space<semaphore_mem>>
      %dma_wait3A_380 = tpu.memref_squeeze %dma_wait3A_379 : memref<1x!tpu.dma_semaphore, #tpu.memory_space<semaphore_mem>> -> memref<!tpu.dma_semaphore, #tpu.memory_space<semaphore_mem>>
      %dma_wait3A_381 = arith.constant 0 : i32
      %dma_wait3A_382 = arith.constant 0 : i32
      %dma_wait3A_383 = tpu.memref_slice %arg4[%dma_wait3A_381, %dma_wait3A_382] : memref<10240x128xbf16, #tpu.memory_space<hbm>> -> memref<128x128xbf16, #tpu.memory_space<hbm>>
      tpu.wait_dma2 semaphore(%dma_wait3A_380 : memref<!tpu.dma_semaphore, #tpu.memory_space<semaphore_mem>>) src(%dma_wait3A_383 : memref<128x128xbf16, #tpu.memory_space<hbm>>) dst(%arg17 : memref<128x128xbf16, #tpu.memory_space<vmem>>)
      %dma_start3A_384 = arith.constant 4 : i32
      %dma_start3A_385 = arith.constant 0 : i32
      %dma_start3A_386 = tpu.memref_slice %arg12[%add3A_362, %dma_start3A_385] : memref<80x128xi32, #tpu.memory_space<vmem>> -> memref<1x128xi32, #tpu.memory_space<vmem>>
      %dma_start3A_387 = tpu.memref_squeeze %dma_start3A_386 : memref<1x128xi32, #tpu.memory_space<vmem>> -> memref<128xi32, #tpu.memory_space<vmem>>
      %dma_start3A_388 = arith.constant 0 : i32
      %dma_start3A_389 = arith.constant 0 : i32
      %dma_start3A_390 = tpu.memref_slice %arg9[%dma_start3A_388, %dma_start3A_389] : memref<10240x128xbf16, #tpu.memory_space<vmem_shared>> -> memref<10240x128xbf16, #tpu.memory_space<vmem_shared>>
      %dma_start3A_391 = tpu.memref_slice %arg21[%dma_start3A_384] : memref<5x!tpu.dma_semaphore, #tpu.memory_space<semaphore_mem>> -> memref<1x!tpu.dma_semaphore, #tpu.memory_space<semaphore_mem>>
      %dma_start3A_392 = tpu.memref_squeeze %dma_start3A_391 : memref<1x!tpu.dma_semaphore, #tpu.memory_space<semaphore_mem>> -> memref<!tpu.dma_semaphore, #tpu.memory_space<semaphore_mem>>
      tpu.enqueue_indirect_dma source(%arg17 : memref<128x128xbf16, #tpu.memory_space<vmem>>) target(%dma_start3A_390 : memref<10240x128xbf16, #tpu.memory_space<vmem_shared>>) offsets(%dma_start3A_387 : memref<128xi32, #tpu.memory_space<vmem>>) semaphore(%dma_start3A_392 : memref<!tpu.dma_semaphore, #tpu.memory_space<semaphore_mem>>) {add = true}
      %ge3A_393 = arith.constant 1 : i32
      %ge3A_394 = arith.cmpi sge, %add3A_362, %ge3A_393 : i32
      %and3A_395 = arith.andi %eq3A_97, %ge3A_394 : i1
      %convert_element_type3A_396 = arith.extui %and3A_395 : i1 to i32
      %cond3A_397 = arith.constant 0 : i32
      %cond3A_398 = arith.cmpi ne, %convert_element_type3A_396, %cond3A_397 : i32
      scf.if %cond3A_398 {
        %dma_wait3A_402 = arith.constant 0 : i32
        %dma_wait3A_403 = arith.constant 0 : i32
        %dma_wait3A_404 = tpu.memref_slice %arg10[%dma_wait3A_402, %dma_wait3A_403] : memref<10240x16xf32, #tpu.memory_space<vmem_shared>> -> memref<128x16xf32, #tpu.memory_space<vmem_shared>>
        %dma_wait3A_405 = arith.constant 0 : i32
        %dma_wait3A_406 = arith.constant 0 : i32
        %dma_wait3A_407 = tpu.memref_slice %arg10[%dma_wait3A_405, %dma_wait3A_406] : memref<10240x16xf32, #tpu.memory_space<vmem_shared>> -> memref<128x16xf32, #tpu.memory_space<vmem_shared>>
        tpu.wait_dma2 semaphore(%arg22 : memref<!tpu.dma_semaphore, #tpu.memory_space<semaphore_mem>>) src(%arg18 : memref<128x16xf32, #tpu.memory_space<vmem>>) dst(%dma_wait3A_407 : memref<128x16xf32, #tpu.memory_space<vmem_shared>>)
      } else {
      }
      %convert_element_type3A_399 = arith.extui %eq3A_97 : i1 to i32
      %cond3A_400 = arith.constant 0 : i32
      %cond3A_401 = arith.cmpi ne, %convert_element_type3A_399, %cond3A_400 : i32
      scf.if %cond3A_401 {
        %dma_start3A_402 = arith.constant 0 : i32
        %dma_start3A_403 = tpu.memref_slice %arg12[%add3A_362, %dma_start3A_402] : memref<80x128xi32, #tpu.memory_space<vmem>> -> memref<1x128xi32, #tpu.memory_space<vmem>>
        %dma_start3A_404 = tpu.memref_squeeze %dma_start3A_403 : memref<1x128xi32, #tpu.memory_space<vmem>> -> memref<128xi32, #tpu.memory_space<vmem>>
        %dma_start3A_405 = arith.constant 0 : i32
        %dma_start3A_406 = arith.constant 0 : i32
        %dma_start3A_407 = tpu.memref_slice %arg10[%dma_start3A_405, %dma_start3A_406] : memref<10240x16xf32, #tpu.memory_space<vmem_shared>> -> memref<10240x16xf32, #tpu.memory_space<vmem_shared>>
        tpu.enqueue_indirect_dma source(%arg18 : memref<128x16xf32, #tpu.memory_space<vmem>>) target(%dma_start3A_407 : memref<10240x16xf32, #tpu.memory_space<vmem_shared>>) offsets(%dma_start3A_404 : memref<128xi32, #tpu.memory_space<vmem>>) semaphore(%arg22 : memref<!tpu.dma_semaphore, #tpu.memory_space<semaphore_mem>>) {add = true}
      } else {
      }
    }
    %scan3A_153 = arith.constant 16 : i32
    %dma_wait3A_154 = arith.constant 3 : i32
    %dma_wait3A_155 = arith.constant 0 : i32
    %dma_wait3A_156 = arith.constant 0 : i32
    %dma_wait3A_157 = tpu.memref_slice %arg9[%dma_wait3A_155, %dma_wait3A_156] : memref<10240x128xbf16, #tpu.memory_space<vmem_shared>> -> memref<128x128xbf16, #tpu.memory_space<vmem_shared>>
    %dma_wait3A_158 = tpu.memref_slice %arg21[%dma_wait3A_154] : memref<5x!tpu.dma_semaphore, #tpu.memory_space<semaphore_mem>> -> memref<1x!tpu.dma_semaphore, #tpu.memory_space<semaphore_mem>>
    %dma_wait3A_159 = tpu.memref_squeeze %dma_wait3A_158 : memref<1x!tpu.dma_semaphore, #tpu.memory_space<semaphore_mem>> -> memref<!tpu.dma_semaphore, #tpu.memory_space<semaphore_mem>>
    %dma_wait3A_160 = arith.constant 0 : i32
    %dma_wait3A_161 = arith.constant 0 : i32
    %dma_wait3A_162 = tpu.memref_slice %arg9[%dma_wait3A_160, %dma_wait3A_161] : memref<10240x128xbf16, #tpu.memory_space<vmem_shared>> -> memref<128x128xbf16, #tpu.memory_space<vmem_shared>>
    tpu.wait_dma2 semaphore(%dma_wait3A_159 : memref<!tpu.dma_semaphore, #tpu.memory_space<semaphore_mem>>) src(%arg16 : memref<128x128xbf16, #tpu.memory_space<vmem>>) dst(%dma_wait3A_162 : memref<128x128xbf16, #tpu.memory_space<vmem_shared>>)
    %dma_wait3A_163 = arith.constant 4 : i32
    %dma_wait3A_164 = arith.constant 0 : i32
    %dma_wait3A_165 = arith.constant 0 : i32
    %dma_wait3A_166 = tpu.memref_slice %arg9[%dma_wait3A_164, %dma_wait3A_165] : memref<10240x128xbf16, #tpu.memory_space<vmem_shared>> -> memref<128x128xbf16, #tpu.memory_space<vmem_shared>>
    %dma_wait3A_167 = tpu.memref_slice %arg21[%dma_wait3A_163] : memref<5x!tpu.dma_semaphore, #tpu.memory_space<semaphore_mem>> -> memref<1x!tpu.dma_semaphore, #tpu.memory_space<semaphore_mem>>
    %dma_wait3A_168 = tpu.memref_squeeze %dma_wait3A_167 : memref<1x!tpu.dma_semaphore, #tpu.memory_space<semaphore_mem>> -> memref<!tpu.dma_semaphore, #tpu.memory_space<semaphore_mem>>
    %dma_wait3A_169 = arith.constant 0 : i32
    %dma_wait3A_170 = arith.constant 0 : i32
    %dma_wait3A_171 = tpu.memref_slice %arg9[%dma_wait3A_169, %dma_wait3A_170] : memref<10240x128xbf16, #tpu.memory_space<vmem_shared>> -> memref<128x128xbf16, #tpu.memory_space<vmem_shared>>
    tpu.wait_dma2 semaphore(%dma_wait3A_168 : memref<!tpu.dma_semaphore, #tpu.memory_space<semaphore_mem>>) src(%arg17 : memref<128x128xbf16, #tpu.memory_space<vmem>>) dst(%dma_wait3A_171 : memref<128x128xbf16, #tpu.memory_space<vmem_shared>>)
    %convert_element_type3A_172 = arith.extui %eq3A_97 : i1 to i32
    %cond3A_173 = arith.constant 0 : i32
    %cond3A_174 = arith.cmpi ne, %convert_element_type3A_172, %cond3A_173 : i32
    scf.if %cond3A_174 {
      %dma_wait3A_190 = arith.constant 0 : i32
      %dma_wait3A_191 = arith.constant 0 : i32
      %dma_wait3A_192 = tpu.memref_slice %arg10[%dma_wait3A_190, %dma_wait3A_191] : memref<10240x16xf32, #tpu.memory_space<vmem_shared>> -> memref<128x16xf32, #tpu.memory_space<vmem_shared>>
      %dma_wait3A_193 = arith.constant 0 : i32
      %dma_wait3A_194 = arith.constant 0 : i32
      %dma_wait3A_195 = tpu.memref_slice %arg10[%dma_wait3A_193, %dma_wait3A_194] : memref<10240x16xf32, #tpu.memory_space<vmem_shared>> -> memref<128x16xf32, #tpu.memory_space<vmem_shared>>
      tpu.wait_dma2 semaphore(%arg22 : memref<!tpu.dma_semaphore, #tpu.memory_space<semaphore_mem>>) src(%arg18 : memref<128x16xf32, #tpu.memory_space<vmem>>) dst(%dma_wait3A_195 : memref<128x16xf32, #tpu.memory_space<vmem_shared>>)
    } else {
    }
    %barrier3A_175 = arith.constant 0 : index
    tpu.barrier barrier_id(%barrier3A_175)
    %eq3A_176 = arith.constant 0 : i32
    %eq3A_177 = arith.cmpi eq, %arg0, %eq3A_176 : i32
    %convert_element_type3A_178 = arith.extui %eq3A_177 : i1 to i32
    %cond3A_179 = arith.constant 0 : i32
    %cond3A_180 = arith.cmpi ne, %convert_element_type3A_178, %cond3A_179 : i32
    scf.if %cond3A_180 {
      %run_scoped3A = arith.constant 0 : i32
      "tpu.region"() ({
        %run_scoped3A_190 = tpu.sem_alloc : memref<!tpu.dma_semaphore, #tpu.memory_space<semaphore_mem>>
        %dma_start3A = arith.constant 0 : i32
        %dma_start3A_191 = tpu.memref_slice %arg7[%run_scoped3A, %mul3A_2, %dma_start3A] : memref<2x10240x128xbf16, #tpu.memory_space<hbm>> -> memref<1x640x128xbf16, #tpu.memory_space<hbm>>
        %dma_start3A_192 = tpu.memref_squeeze %dma_start3A_191 : memref<1x640x128xbf16, #tpu.memory_space<hbm>> -> memref<640x128xbf16, #tpu.memory_space<hbm>>
        %dma_start3A_193 = arith.constant 0 : i32
        %dma_start3A_194 = tpu.memref_slice %arg9[%mul3A_2, %dma_start3A_193] : memref<10240x128xbf16, #tpu.memory_space<vmem_shared>> -> memref<640x128xbf16, #tpu.memory_space<vmem_shared>>
        tpu.enqueue_dma source(%dma_start3A_194 : memref<640x128xbf16, #tpu.memory_space<vmem_shared>>) target(%dma_start3A_192 : memref<640x128xbf16, #tpu.memory_space<hbm>>) target_semaphore(%run_scoped3A_190 : memref<!tpu.dma_semaphore, #tpu.memory_space<semaphore_mem>>)
        %dma_wait3A_195 = arith.constant 0 : i32
        %dma_wait3A_196 = tpu.memref_slice %arg7[%run_scoped3A, %mul3A_2, %dma_wait3A_195] : memref<2x10240x128xbf16, #tpu.memory_space<hbm>> -> memref<1x640x128xbf16, #tpu.memory_space<hbm>>
        %dma_wait3A_197 = tpu.memref_squeeze %dma_wait3A_196 : memref<1x640x128xbf16, #tpu.memory_space<hbm>> -> memref<640x128xbf16, #tpu.memory_space<hbm>>
        %dma_wait3A_198 = arith.constant 0 : i32
        %dma_wait3A_199 = tpu.memref_slice %arg9[%mul3A_2, %dma_wait3A_198] : memref<10240x128xbf16, #tpu.memory_space<vmem_shared>> -> memref<640x128xbf16, #tpu.memory_space<vmem_shared>>
        tpu.wait_dma2 semaphore(%run_scoped3A_190 : memref<!tpu.dma_semaphore, #tpu.memory_space<semaphore_mem>>) src(%dma_wait3A_199 : memref<640x128xbf16, #tpu.memory_space<vmem_shared>>) dst(%dma_wait3A_197 : memref<640x128xbf16, #tpu.memory_space<hbm>>)
        tpu.yield
      }) : () -> ()
    } else {
    }
    %eq3A_181 = arith.constant 1 : i32
    %eq3A_182 = arith.cmpi eq, %arg0, %eq3A_181 : i32
    %convert_element_type3A_183 = arith.extui %eq3A_182 : i1 to i32
    %cond3A_184 = arith.constant 0 : i32
    %cond3A_185 = arith.cmpi ne, %convert_element_type3A_183, %cond3A_184 : i32
    scf.if %cond3A_185 {
      %run_scoped3A = arith.constant 1 : i32
      "tpu.region"() ({
        %run_scoped3A_190 = tpu.sem_alloc : memref<!tpu.dma_semaphore, #tpu.memory_space<semaphore_mem>>
        %dma_start3A = arith.constant 0 : i32
        %dma_start3A_191 = tpu.memref_slice %arg7[%run_scoped3A, %mul3A_2, %dma_start3A] : memref<2x10240x128xbf16, #tpu.memory_space<hbm>> -> memref<1x640x128xbf16, #tpu.memory_space<hbm>>
        %dma_start3A_192 = tpu.memref_squeeze %dma_start3A_191 : memref<1x640x128xbf16, #tpu.memory_space<hbm>> -> memref<640x128xbf16, #tpu.memory_space<hbm>>
        %dma_start3A_193 = arith.constant 0 : i32
        %dma_start3A_194 = tpu.memref_slice %arg9[%mul3A_2, %dma_start3A_193] : memref<10240x128xbf16, #tpu.memory_space<vmem_shared>> -> memref<640x128xbf16, #tpu.memory_space<vmem_shared>>
        tpu.enqueue_dma source(%dma_start3A_194 : memref<640x128xbf16, #tpu.memory_space<vmem_shared>>) target(%dma_start3A_192 : memref<640x128xbf16, #tpu.memory_space<hbm>>) target_semaphore(%run_scoped3A_190 : memref<!tpu.dma_semaphore, #tpu.memory_space<semaphore_mem>>)
        %dma_wait3A_195 = arith.constant 0 : i32
        %dma_wait3A_196 = tpu.memref_slice %arg7[%run_scoped3A, %mul3A_2, %dma_wait3A_195] : memref<2x10240x128xbf16, #tpu.memory_space<hbm>> -> memref<1x640x128xbf16, #tpu.memory_space<hbm>>
        %dma_wait3A_197 = tpu.memref_squeeze %dma_wait3A_196 : memref<1x640x128xbf16, #tpu.memory_space<hbm>> -> memref<640x128xbf16, #tpu.memory_space<hbm>>
        %dma_wait3A_198 = arith.constant 0 : i32
        %dma_wait3A_199 = tpu.memref_slice %arg9[%mul3A_2, %dma_wait3A_198] : memref<10240x128xbf16, #tpu.memory_space<vmem_shared>> -> memref<640x128xbf16, #tpu.memory_space<vmem_shared>>
        tpu.wait_dma2 semaphore(%run_scoped3A_190 : memref<!tpu.dma_semaphore, #tpu.memory_space<semaphore_mem>>) src(%dma_wait3A_199 : memref<640x128xbf16, #tpu.memory_space<vmem_shared>>) dst(%dma_wait3A_197 : memref<640x128xbf16, #tpu.memory_space<hbm>>)
        tpu.yield
      }) : () -> ()
    } else {
    }
    %convert_element_type3A_186 = arith.extui %eq3A_97 : i1 to i32
    %cond3A_187 = arith.constant 0 : i32
    %cond3A_188 = arith.cmpi ne, %convert_element_type3A_186, %cond3A_187 : i32
    scf.if %cond3A_188 {
      %run_scoped3A = arith.constant 1 : i32
      "tpu.region"() ({
        %run_scoped3A_190 = tpu.sem_alloc : memref<!tpu.dma_semaphore, #tpu.memory_space<semaphore_mem>>
        %dma_start3A = arith.constant 0 : i32
        %dma_start3A_191 = tpu.memref_slice %arg8[%run_scoped3A, %mul3A_2, %dma_start3A] : memref<2x10240x16xf32, #tpu.memory_space<hbm>> -> memref<1x640x16xf32, #tpu.memory_space<hbm>>
        %dma_start3A_192 = tpu.memref_squeeze %dma_start3A_191 : memref<1x640x16xf32, #tpu.memory_space<hbm>> -> memref<640x16xf32, #tpu.memory_space<hbm>>
        %dma_start3A_193 = arith.constant 0 : i32
        %dma_start3A_194 = tpu.memref_slice %arg10[%mul3A_2, %dma_start3A_193] : memref<10240x16xf32, #tpu.memory_space<vmem_shared>> -> memref<640x16xf32, #tpu.memory_space<vmem_shared>>
        tpu.enqueue_dma source(%dma_start3A_194 : memref<640x16xf32, #tpu.memory_space<vmem_shared>>) target(%dma_start3A_192 : memref<640x16xf32, #tpu.memory_space<hbm>>) target_semaphore(%run_scoped3A_190 : memref<!tpu.dma_semaphore, #tpu.memory_space<semaphore_mem>>)
        %dma_wait3A_195 = arith.constant 0 : i32
        %dma_wait3A_196 = tpu.memref_slice %arg8[%run_scoped3A, %mul3A_2, %dma_wait3A_195] : memref<2x10240x16xf32, #tpu.memory_space<hbm>> -> memref<1x640x16xf32, #tpu.memory_space<hbm>>
        %dma_wait3A_197 = tpu.memref_squeeze %dma_wait3A_196 : memref<1x640x16xf32, #tpu.memory_space<hbm>> -> memref<640x16xf32, #tpu.memory_space<hbm>>
        %dma_wait3A_198 = arith.constant 0 : i32
        %dma_wait3A_199 = tpu.memref_slice %arg10[%mul3A_2, %dma_wait3A_198] : memref<10240x16xf32, #tpu.memory_space<vmem_shared>> -> memref<640x16xf32, #tpu.memory_space<vmem_shared>>
        tpu.wait_dma2 semaphore(%run_scoped3A_190 : memref<!tpu.dma_semaphore, #tpu.memory_space<semaphore_mem>>) src(%dma_wait3A_199 : memref<640x16xf32, #tpu.memory_space<vmem_shared>>) dst(%dma_wait3A_197 : memref<640x16xf32, #tpu.memory_space<hbm>>)
        tpu.yield
      }) : () -> ()
    } else {
    }
    %barrier3A_189 = arith.constant 0 : index
    tpu.barrier barrier_id(%barrier3A_189)
    return
  }
}

module attributes {stable_mosaic.version = 14 : i64} {
  func.func @_self_body(%arg0: i32, %arg1: memref<1000x128xbf16, #tpu.memory_space<vmem>>, %arg2: memref<1000x128xbf16, #tpu.memory_space<vmem>>, %arg3: memref<256x256xbf16, #tpu.memory_space<vmem>>, %arg4: memref<1x256xf32, #tpu.memory_space<vmem>>, %arg5: memref<1000x256xf32, #tpu.memory_space<vmem>>) attributes {dimension_semantics = [#tpu.dimension_semantics<arbitrary>], iteration_bounds = array<i64: 10>, scalar_prefetch = 0 : i64, scratch_operands = 0 : i64, tpu.core_type = #tpu.core_type<tc>, window_params = [{transform_indices = @transform_0, window_bounds = array<i64: 1000, 128>}, {transform_indices = @transform_1, window_bounds = array<i64: 1000, 128>}, {pipeline_mode = #tpu.pipeline_mode<synchronous>, transform_indices = @transform_2, window_bounds = array<i64: 256, 256>}, {pipeline_mode = #tpu.pipeline_mode<synchronous>, transform_indices = @transform_3, window_bounds = array<i64: 1, 256>}, {transform_indices = @transform_4, window_bounds = array<i64: 1000, 256>}]} {
    %get3A = arith.constant 0 : index
    %get3A_0 = arith.constant 0 : index
    %get3A_1 = vector.load %arg4[%get3A, %get3A_0] : memref<1x256xf32, #tpu.memory_space<vmem>>, vector<1x256xf32>
    %get3A_2 = arith.constant 0 : index
    %get3A_3 = arith.constant 0 : index
    %get3A_4 = vector.load %arg1[%get3A_2, %get3A_3] : memref<1000x128xbf16, #tpu.memory_space<vmem>>, vector<1000x128xbf16>
    %get3A_5 = arith.constant 0 : index
    %get3A_6 = arith.constant 0 : index
    %get3A_7 = vector.load %arg3[%get3A_5, %get3A_6] : memref<256x256xbf16, #tpu.memory_space<vmem>>, vector<128x256xbf16>
    %dot_general3A = arith.constant dense<0.000000e+00> : vector<1000x256xf32>
    %dot_general3A_8 = tpu.matmul %get3A_4, %get3A_7, %dot_general3A {dimension_numbers = #tpu.dot_dimension_numbers<[1], [0], [0], [1], [0, 0, 1, 1], [], []>, transpose_lhs_hint = false} : vector<1000x128xbf16>, vector<128x256xbf16>, vector<1000x256xf32> -> vector<1000x256xf32>
    %add3A = vector.broadcast %get3A_1 : vector<1x256xf32> to vector<1000x256xf32>
    %add3A_9 = arith.addf %add3A, %dot_general3A_8 : vector<1000x256xf32>
    %get3A_10 = arith.constant 0 : index
    %get3A_11 = arith.constant 0 : index
    %get3A_12 = vector.load %arg2[%get3A_10, %get3A_11] : memref<1000x128xbf16, #tpu.memory_space<vmem>>, vector<1000x128xbf16>
    %get3A_13 = arith.constant 128 : index
    %get3A_14 = arith.constant 0 : index
    %get3A_15 = vector.load %arg3[%get3A_13, %get3A_14] : memref<256x256xbf16, #tpu.memory_space<vmem>>, vector<128x256xbf16>
    %dot_general3A_16 = arith.constant dense<0.000000e+00> : vector<1000x256xf32>
    %dot_general3A_17 = tpu.matmul %get3A_12, %get3A_15, %dot_general3A_16 {dimension_numbers = #tpu.dot_dimension_numbers<[1], [0], [0], [1], [0, 0, 1, 1], [], []>, transpose_lhs_hint = false} : vector<1000x128xbf16>, vector<128x256xbf16>, vector<1000x256xf32> -> vector<1000x256xf32>
    %add3A_18 = arith.addf %add3A_9, %dot_general3A_17 : vector<1000x256xf32>
    %swap3A = arith.constant 0 : index
    %swap3A_19 = arith.constant 0 : index
    %swap3A_20 = vector.load %arg5[%swap3A, %swap3A_19] : memref<1000x256xf32, #tpu.memory_space<vmem>>, vector<1000x256xf32>
    tpu.vector_store %arg5[%swap3A, %swap3A_19], %add3A_18 {strides = array<i32>} : memref<1000x256xf32, #tpu.memory_space<vmem>>, vector<1000x256xf32>,
    return
  }
  func.func @transform_0(%arg0: i32) -> (i32, i32) {
    %c0_i32 = arith.constant 0 : i32
    %c0_i32_0 = arith.constant 0 : i32
    return %arg0, %c0_i32 : i32, i32
  }
  func.func @transform_1(%arg0: i32) -> (i32, i32) {
    %c0_i32 = arith.constant 0 : i32
    %c0_i32_0 = arith.constant 0 : i32
    return %arg0, %c0_i32 : i32, i32
  }
  func.func @transform_2(%arg0: i32) -> (i32, i32) {
    %c0_i32 = arith.constant 0 : i32
    %c0_i32_0 = arith.constant 0 : i32
    %c0_i32_1 = arith.constant 0 : i32
    return %c0_i32, %c0_i32_0 : i32, i32
  }
  func.func @transform_3(%arg0: i32) -> (i32, i32) {
    %c0_i32 = arith.constant 0 : i32
    %c0_i32_0 = arith.constant 0 : i32
    %c0_i32_1 = arith.constant 0 : i32
    return %c0_i32, %c0_i32_0 : i32, i32
  }
  func.func @transform_4(%arg0: i32) -> (i32, i32) {
    %c0_i32 = arith.constant 0 : i32
    %c0_i32_0 = arith.constant 0 : i32
    return %arg0, %c0_i32 : i32, i32
  }
}

module attributes {stable_mosaic.version = 14 : i64} {
  func.func @_combine_body(%arg0: i32, %arg1: memref<1000x256xf32, #tpu.memory_space<vmem>>, %arg2: memref<2x1000x128xbf16, #tpu.memory_space<vmem>>, %arg3: memref<2x1000x128xbf16, #tpu.memory_space<vmem>>, %arg4: memref<2x1000x16xf32, #tpu.memory_space<vmem>>, %arg5: memref<256x256xbf16, #tpu.memory_space<vmem>>, %arg6: memref<256x256xbf16, #tpu.memory_space<vmem>>, %arg7: memref<1000x256xf32, #tpu.memory_space<vmem>>) attributes {dimension_semantics = [#tpu.dimension_semantics<arbitrary>], iteration_bounds = array<i64: 10>, scalar_prefetch = 0 : i64, scratch_operands = 0 : i64, tpu.core_type = #tpu.core_type<tc>, window_params = [{transform_indices = @transform_0, window_bounds = array<i64: 1000, 256>}, {transform_indices = @transform_1, window_bounds = array<i64: 2, 1000, 128>}, {transform_indices = @transform_2, window_bounds = array<i64: 2, 1000, 128>}, {transform_indices = @transform_3, window_bounds = array<i64: 2, 1000, 16>}, {pipeline_mode = #tpu.pipeline_mode<synchronous>, transform_indices = @transform_4, window_bounds = array<i64: 256, 256>}, {pipeline_mode = #tpu.pipeline_mode<synchronous>, transform_indices = @transform_5, window_bounds = array<i64: 256, 256>}, {transform_indices = @transform_6, window_bounds = array<i64: 1000, 256>}]} {
    %get3A = arith.constant 0 : index
    %get3A_0 = arith.constant 0 : index
    %get3A_1 = arith.constant 0 : index
    %get3A_2 = vector.load %arg4[%get3A, %get3A_0, %get3A_1] : memref<2x1000x16xf32, #tpu.memory_space<vmem>>, vector<1x1000x1xf32>
    %get3A_3 = vector.shape_cast %get3A_2 : vector<1x1000x1xf32> to vector<1000x1xf32>
    %max3A = arith.constant 1.000000e+00 : f32
    %max3A_4 = vector.broadcast %max3A : f32 to vector<1000x1xf32>
    %max3A_5 = arith.maximumf %get3A_3, %max3A_4 : vector<1000x1xf32>
    %div3A = arith.constant 1.000000e+00 : f32
    %div3A_6 = vector.broadcast %div3A : f32 to vector<1000x1xf32>
    %div3A_7 = arith.divf %div3A_6, %max3A_5 : vector<1000x1xf32>
    %get3A_8 = arith.constant 1 : index
    %get3A_9 = arith.constant 0 : index
    %get3A_10 = arith.constant 0 : index
    %get3A_11 = vector.load %arg4[%get3A_8, %get3A_9, %get3A_10] : memref<2x1000x16xf32, #tpu.memory_space<vmem>>, vector<1x1000x1xf32>
    %get3A_12 = vector.shape_cast %get3A_11 : vector<1x1000x1xf32> to vector<1000x1xf32>
    %max3A_13 = arith.constant 1.000000e+00 : f32
    %max3A_14 = vector.broadcast %max3A_13 : f32 to vector<1000x1xf32>
    %max3A_15 = arith.maximumf %get3A_12, %max3A_14 : vector<1000x1xf32>
    %div3A_16 = arith.constant 1.000000e+00 : f32
    %div3A_17 = vector.broadcast %div3A_16 : f32 to vector<1000x1xf32>
    %div3A_18 = arith.divf %div3A_17, %max3A_15 : vector<1000x1xf32>
    %broadcast_in_dim3A = arith.constant 0.000000e+00 : f32
    %broadcast_in_dim3A_19 = vector.broadcast %broadcast_in_dim3A : f32 to vector<1000x256xf32>
    %broadcast_in_dim3A_20 = arith.constant 0.000000e+00 : f32
    %broadcast_in_dim3A_21 = vector.broadcast %broadcast_in_dim3A_20 : f32 to vector<1000x256xf32>
    %get3A_22 = arith.constant 0 : index
    %get3A_23 = arith.constant 0 : index
    %get3A_24 = arith.constant 0 : index
    %get3A_25 = vector.load %arg2[%get3A_22, %get3A_23, %get3A_24] : memref<2x1000x128xbf16, #tpu.memory_space<vmem>>, vector<1x1000x128xbf16>
    %get3A_26 = vector.shape_cast %get3A_25 : vector<1x1000x128xbf16> to vector<1000x128xbf16>
    %get3A_27 = arith.constant 0 : index
    %get3A_28 = arith.constant 0 : index
    %get3A_29 = vector.load %arg5[%get3A_27, %get3A_28] : memref<256x256xbf16, #tpu.memory_space<vmem>>, vector<128x256xbf16>
    %dot_general3A = arith.constant dense<0.000000e+00> : vector<1000x256xf32>
    %dot_general3A_30 = tpu.matmul %get3A_26, %get3A_29, %dot_general3A {dimension_numbers = #tpu.dot_dimension_numbers<[1], [0], [0], [1], [0, 0, 1, 1], [], []>, transpose_lhs_hint = false} : vector<1000x128xbf16>, vector<128x256xbf16>, vector<1000x256xf32> -> vector<1000x256xf32>
    %add3A = arith.addf %broadcast_in_dim3A_19, %dot_general3A_30 : vector<1000x256xf32>
    %get3A_31 = arith.constant 0 : index
    %get3A_32 = arith.constant 0 : index
    %get3A_33 = arith.constant 0 : index
    %get3A_34 = vector.load %arg3[%get3A_31, %get3A_32, %get3A_33] : memref<2x1000x128xbf16, #tpu.memory_space<vmem>>, vector<1x1000x128xbf16>
    %get3A_35 = vector.shape_cast %get3A_34 : vector<1x1000x128xbf16> to vector<1000x128xbf16>
    %get3A_36 = arith.constant 0 : index
    %get3A_37 = arith.constant 0 : index
    %get3A_38 = vector.load %arg6[%get3A_36, %get3A_37] : memref<256x256xbf16, #tpu.memory_space<vmem>>, vector<128x256xbf16>
    %dot_general3A_39 = arith.constant dense<0.000000e+00> : vector<1000x256xf32>
    %dot_general3A_40 = tpu.matmul %get3A_35, %get3A_38, %dot_general3A_39 {dimension_numbers = #tpu.dot_dimension_numbers<[1], [0], [0], [1], [0, 0, 1, 1], [], []>, transpose_lhs_hint = false} : vector<1000x128xbf16>, vector<128x256xbf16>, vector<1000x256xf32> -> vector<1000x256xf32>
    %add3A_41 = arith.addf %broadcast_in_dim3A_21, %dot_general3A_40 : vector<1000x256xf32>
    %get3A_42 = arith.constant 1 : index
    %get3A_43 = arith.constant 0 : index
    %get3A_44 = arith.constant 0 : index
    %get3A_45 = vector.load %arg2[%get3A_42, %get3A_43, %get3A_44] : memref<2x1000x128xbf16, #tpu.memory_space<vmem>>, vector<1x1000x128xbf16>
    %get3A_46 = vector.shape_cast %get3A_45 : vector<1x1000x128xbf16> to vector<1000x128xbf16>
    %get3A_47 = arith.constant 128 : index
    %get3A_48 = arith.constant 0 : index
    %get3A_49 = vector.load %arg5[%get3A_47, %get3A_48] : memref<256x256xbf16, #tpu.memory_space<vmem>>, vector<128x256xbf16>
    %dot_general3A_50 = arith.constant dense<0.000000e+00> : vector<1000x256xf32>
    %dot_general3A_51 = tpu.matmul %get3A_46, %get3A_49, %dot_general3A_50 {dimension_numbers = #tpu.dot_dimension_numbers<[1], [0], [0], [1], [0, 0, 1, 1], [], []>, transpose_lhs_hint = false} : vector<1000x128xbf16>, vector<128x256xbf16>, vector<1000x256xf32> -> vector<1000x256xf32>
    %add3A_52 = arith.addf %add3A, %dot_general3A_51 : vector<1000x256xf32>
    %get3A_53 = arith.constant 1 : index
    %get3A_54 = arith.constant 0 : index
    %get3A_55 = arith.constant 0 : index
    %get3A_56 = vector.load %arg3[%get3A_53, %get3A_54, %get3A_55] : memref<2x1000x128xbf16, #tpu.memory_space<vmem>>, vector<1x1000x128xbf16>
    %get3A_57 = vector.shape_cast %get3A_56 : vector<1x1000x128xbf16> to vector<1000x128xbf16>
    %get3A_58 = arith.constant 128 : index
    %get3A_59 = arith.constant 0 : index
    %get3A_60 = vector.load %arg6[%get3A_58, %get3A_59] : memref<256x256xbf16, #tpu.memory_space<vmem>>, vector<128x256xbf16>
    %dot_general3A_61 = arith.constant dense<0.000000e+00> : vector<1000x256xf32>
    %dot_general3A_62 = tpu.matmul %get3A_57, %get3A_60, %dot_general3A_61 {dimension_numbers = #tpu.dot_dimension_numbers<[1], [0], [0], [1], [0, 0, 1, 1], [], []>, transpose_lhs_hint = false} : vector<1000x128xbf16>, vector<128x256xbf16>, vector<1000x256xf32> -> vector<1000x256xf32>
    %add3A_63 = arith.addf %add3A_41, %dot_general3A_62 : vector<1000x256xf32>
    %get3A_64 = arith.constant 0 : index
    %get3A_65 = arith.constant 0 : index
    %get3A_66 = vector.load %arg1[%get3A_64, %get3A_65] : memref<1000x256xf32, #tpu.memory_space<vmem>>, vector<1000x256xf32>
    %mul3A = arith.constant 5.000000e-01 : f32
    %mul3A_67 = vector.broadcast %mul3A : f32 to vector<1000x1xf32>
    %mul3A_68 = arith.mulf %mul3A_67, %div3A_7 : vector<1000x1xf32>
    %mul3A_69 = vector.broadcast %mul3A_68 : vector<1000x1xf32> to vector<1000x256xf32>
    %mul3A_70 = arith.mulf %mul3A_69, %add3A_52 : vector<1000x256xf32>
    %add3A_71 = arith.addf %get3A_66, %mul3A_70 : vector<1000x256xf32>
    %mul3A_72 = arith.constant 5.000000e-01 : f32
    %mul3A_73 = vector.broadcast %mul3A_72 : f32 to vector<1000x1xf32>
    %mul3A_74 = arith.mulf %mul3A_73, %div3A_18 : vector<1000x1xf32>
    %mul3A_75 = vector.broadcast %mul3A_74 : vector<1000x1xf32> to vector<1000x256xf32>
    %mul3A_76 = arith.mulf %mul3A_75, %add3A_63 : vector<1000x256xf32>
    %add3A_77 = arith.addf %add3A_71, %mul3A_76 : vector<1000x256xf32>
    %swap3A = arith.constant 0 : index
    %swap3A_78 = arith.constant 0 : index
    %swap3A_79 = vector.load %arg7[%swap3A, %swap3A_78] : memref<1000x256xf32, #tpu.memory_space<vmem>>, vector<1000x256xf32>
    tpu.vector_store %arg7[%swap3A, %swap3A_78], %add3A_77 {strides = array<i32>} : memref<1000x256xf32, #tpu.memory_space<vmem>>, vector<1000x256xf32>,
    return
  }
  func.func @transform_0(%arg0: i32) -> (i32, i32) {
    %c0_i32 = arith.constant 0 : i32
    %c0_i32_0 = arith.constant 0 : i32
    return %arg0, %c0_i32 : i32, i32
  }
  func.func @transform_1(%arg0: i32) -> (i32, i32, i32) {
    %c0_i32 = arith.constant 0 : i32
    %c0_i32_0 = arith.constant 0 : i32
    %c0_i32_1 = arith.constant 0 : i32
    return %c0_i32, %arg0, %c0_i32_0 : i32, i32, i32
  }
  func.func @transform_2(%arg0: i32) -> (i32, i32, i32) {
    %c0_i32 = arith.constant 0 : i32
    %c0_i32_0 = arith.constant 0 : i32
    %c0_i32_1 = arith.constant 0 : i32
    return %c0_i32, %arg0, %c0_i32_0 : i32, i32, i32
  }
  func.func @transform_3(%arg0: i32) -> (i32, i32, i32) {
    %c0_i32 = arith.constant 0 : i32
    %c0_i32_0 = arith.constant 0 : i32
    %c0_i32_1 = arith.constant 0 : i32
    return %c0_i32, %arg0, %c0_i32_0 : i32, i32, i32
  }
  func.func @transform_4(%arg0: i32) -> (i32, i32) {
    %c0_i32 = arith.constant 0 : i32
    %c0_i32_0 = arith.constant 0 : i32
    %c0_i32_1 = arith.constant 0 : i32
    return %c0_i32, %c0_i32_0 : i32, i32
  }
  func.func @transform_5(%arg0: i32) -> (i32, i32) {
    %c0_i32 = arith.constant 0 : i32
    %c0_i32_0 = arith.constant 0 : i32
    %c0_i32_1 = arith.constant 0 : i32
    return %c0_i32, %c0_i32_0 : i32, i32
  }
  func.func @transform_6(%arg0: i32) -> (i32, i32) {
    %c0_i32 = arith.constant 0 : i32
    %c0_i32_0 = arith.constant 0 : i32
    return %arg0, %c0_i32 : i32, i32
  }
}

</mosaic_0001>

<sc_bundles>
// kernel: kernel.5.cloned.1.call-start
scs
__scs_entry_jumppad:
0x0: {  	(pc) =	sbr.rel $0x88, $3  }
0x1: {  	(tag) =	ssettag $0x0;
	lr =	simm.s32 $0x1  }
0x2: {  	[smem:$0x3F99] =	sst lr;
	_ =	strace $0xD0000000  }
0x3: {  	_ = 	snop  }
0x4: {  	_ = 	snop  }
0x5: {  	_ = 	snop  }
0x6: {  	_ = 	snop  }
0x7: {  	_ = 	snop  }
__scs_overlays_trampoline_lowered:
0x8: {  	[smem:$0x3FA8] =	sst s0  }
0x9: {  	[smem:$0x3FA9] =	sst s1  }
0xa: {  	[smem:$0x3FAA] =	sst s2  }
0xb: {  	[smem:$0x3FAB] =	sst s3  }
0xc: {  	[smem:$0x3FAC] =	sst s4  }
0xd: {  	[smem:$0x3FAD] =	sst s5  }
0xe: {  	[smem:$0x3FAE] =	sst s6  }
0xf: {  	[smem:$0x3FAF] =	sst s7  }
0x10: {  	[smem:$0x3FB0] =	sst s8  }
0x11: {  	[smem:$0x3FB1] =	sst s9;
	s0 =	simm.s32 @!p0 $0x0  }
0x12: {  	s1 =	sld [smem:$0x3F97];
	s0 =	simm.s32 @p0 $0x1  }
0x13: {  	[smem:$0x3FB2] =	sst s0;
	s0 =	simm.s32 @!p1 $0x0  }
0x14: {  	s2 =	sld [smem:$0x3F96];
	s0 =	simm.s32 @p1 $0x1  }
0x15: {  	[smem:$0x3FB3] =	sst s0;
	s0 =	simm.s32 @!p2 $0x0  }
0x16: {  	s3 =	sld [smem:$0x3FDB];
	s0 =	simm.s32 @p2 $0x1  }
0x17: {  	s4 =	simm.s32 $0x1BF5;
	[smem:$0x3FB5] =	sst s0  }
0x18: {  	s0 =	sld [smem:$0x3F98];
	_ =	swait.ge [sflag:s4], $0x0  }
0x19: {  	s7 =	sld [smem:$0x3F99]  }
0x1a: {  	s8 =	sadd.s32 $0xFFFFE003, lr  }
0x1b: {  	s9 =	sadd.s32 $0xFFFFFEF7, lr;
	s5 =	simm.s32 $0xFFFFFFFF;
	p2 =	slt.u32 s8, $0xFFFFF086  }
0x1c: {  	p1 =	slt.u32 s9, $0xF7A;
	s5 =	simm.s32 @!p2 $0x0  }
0x1d: {  	s5 =	simm.s32 @p1 $0x1;
	p0 =	seq.s32 s7, s2  }
0x1e: {  	s7 =	smul.u32 @!p0 $0xF7A, s2;
	p2 =	seq.s32 @!p0 s5, $0x0  }
0x1f: {  	s9 =	smul.u32 $0xF7A, s1;
	s8 =	simm.s32 @!p0 $0x1BF5;
	p2 =	por !p2, p0  }
0x20: {  	[sflag:s8] =	ssyncset.s32 @!p0 $0xFFFFF086;
	s6 =	sadd.s32 @!p0 s3, s7;
	s7 =	simm.s32 @!p0 $0x108  }
0x21: {  	s3 =	sadd.s32 s3, s9;
	s6 =	sadd.s32 @!p0 $0x88, s6;
	s7 =	simm.s32 @p2 $0x1082  }
0x22: {  	[simem:s7], [sflag:s8] =	dma.local @!p0 [hbm:s6], $0xF7A  }
0x23: {  	s9 =	sor.u32 $0xD0000000, s2;
	s6 =	simm.s32 $0x108;
	_ =	swait.ge @!p0 [sflag:s8], $0x0  }
0x24: {  	s3 =	sadd.s32 $0x88, s3;
	s6 =	simm.s32 @!p1 $0x1082;
	[sflag:s4] =	ssyncset.s32 $0xFFFFF086  }
0x25: {  	[simem:s6], [sflag:s4] =	dma.local [hbm:s3], $0xF7A  }
0x26: {  	[smem:$0x3F99] =	sst s1;
	(tag) =	ssettag s2;
	_ =	strace s9  }
0x27: {  	s1 =	sld [smem:$0x3FA9]  }
0x28: {  	s2 =	sld [smem:$0x3FAA]  }
0x29: {  	s4 =	sld [smem:$0x3FAC]  }
0x2a: {  	p0 =	seq.s32 s5, $0x0;
	s5 =	sld [smem:$0x3FAD]  }
0x2b: {  	s6 =	sld [smem:$0x3FAE]  }
0x2c: {  	s7 =	sld [smem:$0x3FAF]  }
0x2d: {  	s3 =	simm.s32 $0x108;
	s8 =	sld [smem:$0x3FB0]  }
0x2e: {  	s3 =	simm.s32 @!p0 $0x1082;
	s9 =	sld [smem:$0x3FB1]  }
0x2f: {  	lr =	sadd.s32 s0, s3;
	s0 =	sld [smem:$0x3FA8]  }
0x30: {  	s3 =	sld [smem:$0x3FAB]  }
0x31: {  	[smem:$0x3FB4] =	sst s10  }
0x32: {  	s10 =	sld [smem:$0x3FB2];
	_ =	sdelay $0x3  }
0x33: {  	p0 =	seq.s32 s10, $0x1;
	s10 =	sld [smem:$0x3FB4];
	_ =	sdelay $0x3  }
0x34: {  	[smem:$0x3FB4] =	sst s10  }
0x35: {  	s10 =	sld [smem:$0x3FB3];
	_ =	sdelay $0x3  }
0x36: {  	p1 =	seq.s32 s10, $0x1;
	s10 =	sld [smem:$0x3FB4];
	_ =	sdelay $0x3  }
0x37: {  	[smem:$0x3FB4] =	sst s10  }
0x38: {  	s10 =	sld [smem:$0x3FB5]  }
0x39: {  	_ = 	snop;
	(pc) =	sbr.ind lr, $3  }
0x3a: {  	_ = 	snop  }
0x3b: {  	_ = 	snop  }
0x3c: {  	p2 =	seq.s32 s10, $0x1;
	s10 =	sld [smem:$0x3FB4]  }
0x3d: {  	_ =	shalt  }
0x3e: {  	_ =	shalt  }
0x3f: {  	_ =	shalt  }
0x40: {  	_ =	shalt  }
0x41: {  	_ =	shalt  }
0x42: {  	_ =	shalt  }
0x43: {  	_ =	shalt  }
0x44: {  	_ =	shalt  }
0x45: {  	_ =	shalt  }
0x46: {  	_ =	shalt  }
0x47: {  	_ =	shalt  }
0x48: {  	_ =	shalt  }
0x49: {  	_ =	shalt  }
0x4a: {  	_ =	shalt  }
0x4b: {  	_ =	shalt  }
0x4c: {  	_ =	shalt  }
0x4d: {  	_ =	shalt  }
0x4e: {  	_ =	shalt  }
0x4f: {  	_ =	shalt  }
0x50: {  	_ =	shalt  }
0x51: {  	_ =	shalt  }
0x52: {  	_ =	shalt  }
0x53: {  	_ =	shalt  }
0x54: {  	_ =	shalt  }
0x55: {  	_ =	shalt  }
0x56: {  	_ =	shalt  }
0x57: {  	_ =	shalt  }
0x58: {  	_ =	shalt  }
0x59: {  	_ =	shalt  }
0x5a: {  	_ =	shalt  }
0x5b: {  	_ =	shalt  }
0x5c: {  	_ =	shalt  }
0x5d: {  	_ =	shalt  }
0x5e: {  	_ =	shalt  }
0x5f: {  	_ =	shalt  }
0x60: {  	_ =	shalt  }
0x61: {  	_ =	shalt  }
0x62: {  	_ =	shalt  }
0x63: {  	_ =	shalt  }
0x64: {  	_ =	shalt  }
0x65: {  	_ =	shalt  }
0x66: {  	_ =	shalt  }
0x67: {  	_ =	shalt  }
0x68: {  	_ =	shalt  }
0x69: {  	_ =	shalt  }
0x6a: {  	_ =	shalt  }
0x6b: {  	_ =	shalt  }
0x6c: {  	_ =	shalt  }
0x6d: {  	_ =	shalt  }
0x6e: {  	_ =	shalt  }
0x6f: {  	_ =	shalt  }
0x70: {  	_ =	shalt  }
0x71: {  	_ =	shalt  }
0x72: {  	_ =	shalt  }
0x73: {  	_ =	shalt  }
0x74: {  	_ =	shalt  }
0x75: {  	_ =	shalt  }
0x76: {  	_ =	shalt  }
0x77: {  	_ =	shalt  }
0x78: {  	_ =	shalt  }
0x79: {  	_ =	shalt  }
0x7a: {  	_ =	shalt  }
0x7b: {  	_ =	shalt  }
0x7c: {  	_ =	shalt  }
0x7d: {  	_ =	shalt  }
0x7e: {  	_ =	shalt  }
0x7f: {  	_ =	shalt  }
0x80: {  	_ =	shalt  }
0x81: {  	_ =	shalt  }
0x82: {  	_ =	shalt  }
0x83: {  	_ =	shalt  }
0x84: {  	_ =	shalt  }
0x85: {  	_ =	shalt  }
0x86: {  	_ =	shalt  }
0x87: {  	_ =	shalt  }
.Lfunc_end0:
.L_simem_size_0:
called_computation_lowered:
.L_overlay_start_0:
0x88: {  	s2 =	sld [smem:$0x3FD9]  }
0x89: {  	s3 =	sld [smem:$0x3FFE];
	_ =	sdelay $0x1  }
0x8a: {  	s1 =	srdreg.scid  }
0x8b: {  	s0 =	sand.u32 $0x1, s1  }
0x8c: {  	s17 =	sshll.u32 s0, $0xA;
	s2 =	sadd.s32 s3, s2  }
0x8d: {  	s2 =	sadd.s32 s2, s17  }
0x8e: {  	[smem:$0x3FC0] =	sst s2  }
0x8f: {  	_ = 	snop  }
0x90: {  	s2 =	sld [smem:$0x3FD0];
	(tm) =	ssettm $0x1  }
0x91: {  	s18 =	sld [smem:$0x3FFB];
	_ =	sdelay $0x3  }
0x92: {  	_ =	strace s18  }
0x93: {  	s3 =	sld [smem:$0x3FFC];
	_ =	sdelay $0x3  }
0x94: {  	_ =	strace s3  }
0x95: {  	s3 =	sld [smem:$0x3FFD];
	_ =	sdelay $0x3  }
0x96: {  	_ =	strace s3  }
0x97: {  	_ =	strace $0x8FFFFFFF  }
0x98: {  	s19 =	sld [smem:$0x3FDB];
	_ =	sdelay $0x1  }
0x99: {  	s4 =	simm.s32 $_scs_section_size  }
0x9a: {  	s5 =	simm.s32 $_size__tile_overlayer_lowered;
	s6 =	simm.s32 $_tile_overlayer_lowered  }
0x9b: {  	s22 =	simm.s32 $0x1BFF;
	s21 =	sshll.u32 s6, $0x1;
	s3 =	sadd.s32 s4, s19  }
0x9c: {  	s7 =	simm.s32 $0x0;
	s20 =	sshll.u32 s5, $0x1;
	s5 =	sadd.s32 s21, s3  }
0x9d: {  	[timem:s7], [sflag:s22] =	dma.local [hbm:s5], s20  }
0x9e: {  	_ =	swait.ge [sflag:s22], s20  }
0x9f: {  	s4 =	ssub.s32 $0x0, s20;
	[sflag:s22] =	ssyncset.done $0x0  }
0xa0: {  	[sflag:s22] =	ssyncadd.s32 s4;
	_ =	sdelay $0x1  }
0xa1: {  	s23 =	simm.s32 $0x1B8B  }
0xa2: {  	_ =	swait.ge [sflag:s23], $0x1  }
0xa3: {  	[sflag:s23] =	ssyncset.done $0x0  }
0xa4: {  	s25 =	simm.s32 $0x1B8E;
	s24 =	sld [smem:$0x3FFE];
	[sflag:s23] =	ssyncadd.s32 $0xFFFFFFFF  }
0xa5: {  	s26 =	simm.s32 $execute0_lowered;
	[smem:$0x3FD2] =	sst s25  }
0xa6: {  	s5 =	sshll.u32 s26, $0x1;
	_ =	strace $0x80000046;
	[dreg:$0x1] =	wrdreg $0xFFFFFFFF  }
0xa7: {  	s28 =	simm.s32 $_size_execute0_lowered;
	s3 =	sadd.s32 s3, s5;
	[dreg:$0x0] =	wrdreg $0x0  }
0xa8: {  	s5 =	sshll.u32 s28, $0x1;
	[dreg:$0x2] =	wrdreg s3  }
0xa9: {  	[dreg:$0x3] =	wrdreg s5  }
0xaa: {  	[dreg:$0x4] =	wrdreg $0xC0  }
0xab: {  	_ =	task [dreg:s7], $0x5FFFF  }
0xac: {  	[dreg:$0x1] =	wrdreg $0xFFFFFFFF  }
0xad: {  	[dreg:$0x0] =	wrdreg $0x60  }
0xae: {  	[dreg:$0x2] =	wrdreg s24  }
0xaf: {  	[dreg:$0x3] =	wrdreg s2  }
0xb0: {  	[dreg:$0x4] =	wrdreg $0x0  }
0xb1: {  	[dreg:$0x5] =	wrdreg $0xA0000  }
0xb2: {  	[dreg:$0x6] =	wrdreg $0x9  }
0xb3: {  	_ =	task.clear_ibuf [dreg:s7], $0x7FFFF;
	_ =	strace $0x90000046  }
0xb4: {  	s29 =	simm.s32 $0x9;
	_ =	strace $0x80000048  }
0xb5: {  	_ =	swait.ge [sflag:s29], $0x1  }
0xb6: {  	[sflag:s29] =	ssyncadd.s32 $0xFFFFFFFF  }
0xb7: {  	_ =	strace $0x90000048  }
0xb8: {  	_ =	sfence  }
0xb9: {  	s30 =	sld [smem:$0x0];
	_ =	sdelay $0x2  }
0xba: {  	s31 =	sshll.u32 s1, $0xD;
	s1 =	sshrl.u32 s1, $0x2  }
0xbb: {  	s3 =	sand.u32 $0x4000, s31;
	s1 =	sadd.s32 s1, s30  }
0xbc: {  	s0 =	sor.u32 s3, s0;
	s1 =	sshll.u32 s1, $0x11  }
0xbd: {  	s0 =	sor.u32 s1, s0  }
0xbe: {  	s0 =	sadd.s32 $0x8F2B, s0  }
0xbf: {  	[sflag:s0] =	ssyncadd.remote.s32 $0x1  }
0xc0: {  	_ =	sfence.sel $0xFFFF  }
0xc1: {  	[dreg:$0x0] =	wrdreg $0xFFFFFFFF;
	(pc) =	sbr.abs _section_cstart, $3  }
0xc2: {  	[dreg:$0x1] =	wrdreg $0xFFFFFFFF  }
0xc3: {  	_ =	task.clear_ibuf [dreg:s7], $0x2FFFF;
	_ =	strace $0x9FFFFFFF  }
0xc4: {  	(tm) =	ssettm $0x7FFFFFFF  }
0xc5: {  	_ =	shalt  }
tec
execute0_lowered:
.L_overlay_start_1:
0x0: {  	(tag) =	ssettag $0x1  }
0x1: {  	s0 =	rddreg [dreg:$0x0]  }
0x2: {  	s1 =	rddreg [dreg:$0x1]  }
0x3: {  	s2 =	rddreg [dreg:$0x2];
	s17 =	stileid.u32  }
0x4: {  	s3 =	rddreg [dreg:$0x3];
	s5 =	simm.s32 $0x0;
	s4 =	smul.u32 $0x500, s17  }
0x5: {  	s7 =	srdreg.scid;
	s29 =	simm.s32 $0x11800;
	s8 =	smul.u32 $0x2800, s17  }
0x6: {  	s28 =	simm.s32 $0x7;
	[smem:$0x7FF] =	sst s5;
	s9 =	smul.u32 $0x280, s17  }
0x7: {  	s5 =	sadd.s32 $0x1F200, s0;
	s6 =	sadd.s32 $0xB200, s0;
	s12 =	smul.u32 $0x14000, s17  }
0x8: {  	s7 =	sand.u32 $0x1, s7;
	s13 =	sadd.s32 $0x33200, s0;
	s17 =	smul.u32 $0xA000, s17  }
0x9: {  	_ =	strace $0x80000047;
	s11 =	ssub.s32 $0x2, s7;
	p0 =	seq.s32 s7, $0x1  }
0xa: {  	[dreg:$0x5] =	wrdreg s7;
	p1 =	sne.s32 s7, $0x0;
	s4 =	sadd.s32 s4, s0  }
0xb: {  	s10 =	sshrl.u32 s8, $0x3;
	s22 =	sshrl.u32 s11, $0x1;
	s23 =	sshrl.u32 s12, $0x1  }
0xc: {  	s14 =	sadd.s32 $0x80, s9;
	s15 =	sadd.s32 $0x100, s9;
	s16 =	sadd.s32 $0x180, s9  }
0xd: {  	s12 =	sshrl.u32 s12, $0x4;
	s9 =	sadd.s32 $0x200, s9;
	p2 =	por !p0, !p0  }
0xe: {  	s0 =	sadd.s32 s10, s0;
	s10 =	ssub.s32 s11, s22;
	s11 =	sadd.s32 s23, s2  }
0xf: {  	s24 =	sshll.u32 s14, $0x6;
	s25 =	sshll.u32 s15, $0x6;
	s26 =	sshll.u32 s16, $0x6  }
0x10: {  	s30 =	sadd.s32 $0x14000, s12;
	s18 =	sadd.s32 s1, s12;
	[dreg:$0x6] =	wrdreg s11  }
0x11: {  	s31 =	sadd.s32 s13, s12;
	s19 =	sshll.u32 s14, $0x4;
	[dreg:$0xa] =	wrdreg s18  }
0x12: {  	s21 =	sshll.u32 s15, $0x4;
	s11 =	sadd.s32 s24, s2;
	[dreg:$0xc] =	wrdreg s31  }
0x13: {  	s22 =	sshll.u32 s16, $0x4;
	s1 =	sadd.s32 s1, s30;
	[dreg:$0x7] =	wrdreg s11  }
0x14: {  	s14 =	simm.s32 $0xB;
	s12 =	sadd.s32 s13, s30;
	[dreg:$0xb] =	wrdreg s1  }
0x15: {  	s16 =	simm.s32 $0x19800;
	s20 =	sadd.s32 s19, s3;
	[dreg:$0xd] =	wrdreg s12  }
0x16: {  	s13 =	sshll.u32 s9, $0x6;
	s24 =	sadd.s32 $0x6200, s4;
	[dreg:$0x10] =	wrdreg s20  }
0x17: {  	s18 =	sshrl.u32 s17, $0x2;
	s30 =	sadd.s32 $0x5B200, s0;
	[dreg:$0x14] =	wrdreg s24  }
0x18: {  	s9 =	sshll.u32 s9, $0x4;
	s0 =	sadd.s32 $0x60200, s0;
	[dreg:$0x17] =	wrdreg s30  }
0x19: {  	s31 =	smax.u32 s10, $0x1;
	s10 =	simm.s32 $0x8;
	[dreg:$0x18] =	wrdreg s0  }
0x1a: {  	s11 =	sadd.s32 s25, s2;
	s1 =	sadd.s32 s13, s2;
	[dreg:$0x19] =	wrdreg s31  }
0x1b: {  	s23 =	sadd.s32 s9, s3;
	s25 =	sadd.s32 $0x1200, s4;
	[dreg:$0x8] =	wrdreg s11  }
0x1c: {  	s12 =	simm.s32 $0x1;
	s13 =	simm.s32 $0x80;
	[dreg:$0xe] =	wrdreg s1  }
0x1d: {  	s0 =	simm.s32 $0x6;
	s4 =	simm.s32 $0x4;
	[dreg:$0x13] =	wrdreg s23  }
0x1e: {  	s9 =	simm.s32 $0x17800;
	s11 =	sadd.s32 s26, s2;
	[dreg:$0x15] =	wrdreg s25  }
.Ltmp0:
0x1f: {  	s1 =	sadd.s32 s18, s3;
	[dreg:$0x9] =	wrdreg s11;
	(pc) =	sbr.rel .LBB2_1-.Ltmp0, $4  }
0x20: {  	s26 =	sadd.s32 s8, s3;
	s25 =	simm.s32 $0x3;
	[dreg:$0xf] =	wrdreg s1  }
0x21: {  	s8 =	simm.s32 $0x0;
	s1 =	sadd.s32 s21, s3;
	[dreg:$0x16] =	wrdreg s26  }
0x22: {  	s26 =	simm.s32 $0x15800;
	[dreg:$0x11] =	wrdreg s1;
	s1 =	sadd.s32 s22, s3  }
0x23: {  	v0 =	vimm.f32 $1.000000000e+00;
	v1 =	vimm.f32 $0.0e+00;
	v2 =	vimm.bf16 $0.0e+00;
	s11 =	simm.s32 $0x5;
	[dreg:$0x12] =	wrdreg s1;
	s1 =	simm.s32 $0x2  }
.LBB2_30:
0x24: {  	s7 =	simm.s32 $0x9  }
0x25: {  	_ =	swait.ge [sflag:s7], $0x2000  }
0x26: {  	[sflag:s7] =	ssyncset.done $0x0  }
0x27: {  	s24 =	simm.s32 $0xA;
	[sflag:s7] =	ssyncadd.s32 $0xFFFFE000  }
0x28: {  	_ =	swait.ge [sflag:s24], $0x2000  }
0x29: {  	[sflag:s24] =	ssyncset.done $0x0  }
0x2a: {  	s7 =	simm.s32 @p0 $0xB;
	[sflag:s24] =	ssyncadd.s32 $0xFFFFE000  }
0x2b: {  	_ =	swait.ge @p0 [sflag:s7], $0x800  }
0x2c: {  	[sflag:s7] =	ssyncset.done @p0 $0x0  }
0x2d: {  	[sflag:s7] =	ssyncadd.s32 @p0 $0xFFFFF800  }
0x2e: {  	[bflag:$0x0] =	sbarrier.arrive $0xFFFF  }
0x2f: {  	s7 =	rddreg [dreg:$0xc]  }
0x30: {  	s8 =	rddreg [dreg:$0x1b]  }
0x31: {  	[hbm:s7], [sflag:s21] =	dma.local @!p1 [spmem:s8], $0x1400  }
0x32: {  	s7 =	simm.s32 @!p1 $0xC  }
0x33: {  	_ =	swait.ge @!p1 [sflag:s7], $0x1400  }
0x34: {  	[sflag:s7] =	ssyncset.done @!p1 $0x0;
	s8 =	rddreg [dreg:$0x1c]  }
0x35: {  	[sflag:s7] =	ssyncadd.s32 @!p1 $0xFFFFEC00;
	s7 =	rddreg [dreg:$0xd]  }
0x36: {  	[hbm:s7], [sflag:s31] =	dma.local @p0 [spmem:s8], $0x1400  }
0x37: {  	s7 =	simm.s32 @p0 $0xC  }
0x38: {  	_ =	swait.ge @p0 [sflag:s7], $0x1400  }
0x39: {  	[sflag:s7] =	ssyncset.done @p0 $0x0;
	s8 =	rddreg [dreg:$0x16]  }
0x3a: {  	s15 =	rddreg [dreg:$0x18];
	[sflag:s7] =	ssyncadd.s32 @p0 $0xFFFFEC00;
	s8 =	sshrl.u32 @p0 s8, $0x3  }
0x3b: {  	[hbm:s15], [sflag:s31] =	dma.local @p0 [spmem:s8], $0x500  }
0x3c: {  	_ =	swait.ge @p0 [sflag:s7], $0x500  }
0x3d: {  	s30 =	rddreg [dreg:$0x1a]  }
0x3e: {  	s31 =	rddreg [dreg:$0x19];
	s8 =	sadd.s32 $0x1, s30  }
0x3f: {  	p3 =	sne.s32 s8, s31  }
.Ltmp1:
0x40: {  	_ = 	snop;
	(pc) =	sbr.rel @!p3 .LBB2_31-.Ltmp1, $3  }
0x41: {  	[sflag:s7] =	ssyncset.done @p0 $0x0  }
0x42: {  	[sflag:s7] =	ssyncadd.s32 @p0 $0xFFFFFB00  }
0x43: {  	[bflag:$0x0] =	sbarrier.arrive $0xFFFF;
	_ =	sdelay $0x1  }
.LBB2_1:
0x44: {  	[dreg:$0x1a] =	wrdreg s8;
	s8 =	simm.s32 $0x0  }
.LBB2_2:
0x45: {  	p3 =	sne.s32 s8, $0x1FC0  }
.Ltmp2:
0x46: {  	_ = 	snop;
	(pc) =	sbr.rel @p3 .LBB2_2-.Ltmp2, $4  }
0x47: {  	_ = 	snop  }
0x48: {  	s17 =	sshra.s32 s8, $0x2  }
0x49: {  	[tilespmem:s17+$0x1B800] =	vst v0  }
0x4a: {  	s8 =	sadd.s32 $0x40, s8;
	[tilespmem:s17+$0x1C000] =	vst v1  }
0x4b: {  	s17 =	simm.s32 $0x100;
	s8 =	simm.s32 $0x0  }
.LBB2_4:
0x4c: {  	p3 =	sne.s32 s17, $0x7F00;
	[tilespmem:s8+$0x11830] =	vst v2;
	s18 =	smov.u32 s17;
	s17 =	sadd.s32 $0x100, s17  }
.Ltmp3:
0x4d: {  	[tilespmem:s8+$0x11820] =	vst v2;
	(pc) =	sbr.rel @p3 .LBB2_4-.Ltmp3, $3  }
0x4e: {  	[tilespmem:s8+$0x11800] =	vst v2  }
0x4f: {  	[tilespmem:s8+$0x11810] =	vst v2;
	_ =	sdelay $0x1  }
0x50: {  	s8 =	sshra.s32 s18, $0x2  }
0x51: {  	[tilespmem:s8+$0x11830] =	vst v2  }
0x52: {  	[tilespmem:s8+$0x11820] =	vst v2  }
0x53: {  	[tilespmem:s8+$0x11800] =	vst v2  }
0x54: {  	[tilespmem:s8+$0x11810] =	vst v2;
	s7 =	rddreg [dreg:$0x6];
	s15 =	simm.s32 $0xC  }
0x55: {  	[spmem:s7] =	stream.linear.scatter [tilespmem:s29], [sflag:$0xC], $0x2000, $0x38;
	[tilespmem:$0x1C800] =	vst v63  }
0x56: {  	_ =	swait.ge [sflag:s15], $0x2000  }
0x57: {  	[sflag:s15] =	ssyncset.done $0x0  }
0x58: {  	s18 =	rddreg [dreg:$0x7];
	[sflag:s15] =	ssyncadd.s32 $0xFFFFE000  }
0x59: {  	[spmem:s18] =	stream.linear.scatter [tilespmem:s29], [sflag:$0xC], $0x2000, $0x38;
	[tilespmem:$0x1C800] =	vst v63  }
0x5a: {  	_ =	swait.ge [sflag:s15], $0x2000  }
0x5b: {  	[sflag:s15] =	ssyncset.done $0x0  }
0x5c: {  	s19 =	rddreg [dreg:$0x8];
	[sflag:s15] =	ssyncadd.s32 $0xFFFFE000  }
0x5d: {  	[spmem:s19] =	stream.linear.scatter [tilespmem:s29], [sflag:$0xC], $0x2000, $0x38;
	[tilespmem:$0x1C800] =	vst v63  }
0x5e: {  	_ =	swait.ge [sflag:s15], $0x2000  }
0x5f: {  	[sflag:s15] =	ssyncset.done $0x0  }
0x60: {  	s20 =	rddreg [dreg:$0x9];
	[sflag:s15] =	ssyncadd.s32 $0xFFFFE000  }
0x61: {  	[spmem:s20] =	stream.linear.scatter [tilespmem:s29], [sflag:$0xC], $0x2000, $0x38;
	[tilespmem:$0x1C800] =	vst v63  }
0x62: {  	_ =	swait.ge [sflag:s15], $0x2000  }
0x63: {  	[sflag:s15] =	ssyncset.done $0x0  }
0x64: {  	s21 =	rddreg [dreg:$0xe];
	[sflag:s15] =	ssyncadd.s32 $0xFFFFE000  }
0x65: {  	[spmem:s21] =	stream.linear.scatter [tilespmem:s29], [sflag:$0xC], $0x2000, $0x38;
	[tilespmem:$0x1C800] =	vst v63  }
0x66: {  	_ =	swait.ge [sflag:s15], $0x2000  }
0x67: {  	s8 =	simm.s32 @!p1 $0x1C000;
	[sflag:s15] =	ssyncset.done $0x0  }
0x68: {  	s17 =	simm.s32 @!p1 $0xC;
	s7 =	rddreg [dreg:$0xf];
	[sflag:s15] =	ssyncadd.s32 $0xFFFFE000  }
0x69: {  	[spmem:s7] =	stream.linear.scatter @!p1 [tilespmem:s8], [sflag:$0xC], $0x800, $0x38;
	[tilespmem:$0x1C800] =	vst v63  }
0x6a: {  	_ =	swait.ge @!p1 [sflag:s17], $0x800  }
0x6b: {  	[sflag:s17] =	ssyncset.done @!p1 $0x0  }
0x6c: {  	s7 =	rddreg [dreg:$0x10];
	[sflag:s17] =	ssyncadd.s32 @!p1 $0xFFFFF800  }
0x6d: {  	[spmem:s7] =	stream.linear.scatter @!p1 [tilespmem:s8], [sflag:$0xC], $0x800, $0x38;
	[tilespmem:$0x1C800] =	vst v63  }
0x6e: {  	_ =	swait.ge @!p1 [sflag:s17], $0x800  }
0x6f: {  	[sflag:s17] =	ssyncset.done @!p1 $0x0  }
0x70: {  	s7 =	rddreg [dreg:$0x11];
	[sflag:s17] =	ssyncadd.s32 @!p1 $0xFFFFF800  }
0x71: {  	[spmem:s7] =	stream.linear.scatter @!p1 [tilespmem:s8], [sflag:$0xC], $0x800, $0x38;
	[tilespmem:$0x1C800] =	vst v63  }
0x72: {  	_ =	swait.ge @!p1 [sflag:s17], $0x800  }
0x73: {  	[sflag:s17] =	ssyncset.done @!p1 $0x0  }
0x74: {  	s7 =	rddreg [dreg:$0x12];
	[sflag:s17] =	ssyncadd.s32 @!p1 $0xFFFFF800  }
0x75: {  	[spmem:s7] =	stream.linear.scatter @!p1 [tilespmem:s8], [sflag:$0xC], $0x800, $0x38;
	[tilespmem:$0x1C800] =	vst v63  }
0x76: {  	_ =	swait.ge @!p1 [sflag:s17], $0x800  }
0x77: {  	[sflag:s17] =	ssyncset.done @!p1 $0x0  }
0x78: {  	s7 =	rddreg [dreg:$0x13];
	[sflag:s17] =	ssyncadd.s32 @!p1 $0xFFFFF800  }
0x79: {  	[spmem:s7] =	stream.linear.scatter @!p1 [tilespmem:s8], [sflag:$0xC], $0x800, $0x38;
	[tilespmem:$0x1C800] =	vst v63  }
0x7a: {  	_ =	swait.ge @!p1 [sflag:s17], $0x800  }
0x7b: {  	s22 =	simm.s32 $0x0;
	[sflag:s17] =	ssyncset.done @!p1 $0x0  }
0x7c: {  	s24 =	simm.s32 $0xC800;
	s23 =	rddreg [dreg:$0x14];
	[sflag:s17] =	ssyncadd.s32 @!p1 $0xFFFFF800  }
0x7d: {  	[tilespmem:s24], [sflag:$0xC] =	stream.linear.gather [hbm4b:s23+s22], $0x2800, $0x38;
	[tilespmem:$0x1C800] =	vst v63  }
0x7e: {  	_ =	swait.ge [sflag:s15], $0x2800  }
0x7f: {  	[sflag:s15] =	ssyncset.done $0x0  }
0x80: {  	s31 =	simm.s32 $0xF000;
	s30 =	rddreg [dreg:$0x15];
	[sflag:s15] =	ssyncadd.s32 $0xFFFFD800  }
0x81: {  	[tilespmem:s31], [sflag:$0xC] =	stream.linear.gather [hbm4b:s30+s22], $0x2800, $0x38;
	[tilespmem:$0x1C800] =	vst v63  }
0x82: {  	_ =	swait.ge [sflag:s15], $0x2800  }
0x83: {  	[sflag:s15] =	ssyncset.done $0x0  }
0x84: {  	s18 =	simm.s32 @!p1 $0x11800;
	[sflag:s15] =	ssyncadd.s32 $0xFFFFD800  }
0x85: {  	s8 =	simm.s32 @!p1 $0x80;
	s17 =	simm.s32 @!p1 $0xC800;
	[bflag:$0x0] =	sbarrier.arrive $0xFFFF  }
0x86: {  	[tilespmem:s18], [sflag:$0x1] =	stream.indirect.gather @!p1 [hbm4b:s5+s8], $0x40, s17, s8, $0xb8;
	[tilespmem:$0x1C800] =	vst v63  }
0x87: {  	s19 =	simm.s32 @p0 $0x11800;
	s17 =	simm.s32 @p0 $0x80;
	s18 =	simm.s32 @p0 $0xC800  }
0x88: {  	[tilespmem:s19], [sflag:$0x1] =	stream.indirect.gather @p0 [hbm4b:s6+s17], $0x40, s18, s17, $0xb8;
	[tilespmem:$0x1C800] =	vst v63  }
0x89: {  	s18 =	simm.s32 @!p1 $0xC880;
	s19 =	simm.s32 @!p1 $0x13800  }
0x8a: {  	[tilespmem:s19], [sflag:$0x2] =	stream.indirect.gather @!p1 [hbm4b:s5+s8], $0x40, s18, s8, $0xb8;
	[tilespmem:$0x1C800] =	vst v63  }
0x8b: {  	s18 =	simm.s32 @p0 $0xC880;
	s19 =	simm.s32 @p0 $0x13800  }
0x8c: {  	[tilespmem:s19], [sflag:$0x2] =	stream.indirect.gather @p0 [hbm4b:s6+s17], $0x40, s18, s17, $0xb8;
	[tilespmem:$0x1C800] =	vst v63  }
.Ltmp4:
0x8d: {  	s18 =	simm.s32 @!p1 $0xC900;
	s19 =	simm.s32 @!p1 $0x15800;
	(pc) =	sbr.rel .LBB2_6-.Ltmp4, $4  }
0x8e: {  	[tilespmem:s19], [sflag:$0x3] =	stream.indirect.gather @!p1 [hbm4b:s5+s8], $0x40, s18, s8, $0xb8;
	[tilespmem:$0x1C800] =	vst v63  }
0x8f: {  	s18 =	simm.s32 @p0 $0xC900;
	s19 =	simm.s32 @p0 $0x15800  }
0x90: {  	[tilespmem:s19], [sflag:$0x3] =	stream.indirect.gather @p0 [hbm4b:s6+s17], $0x40, s18, s17, $0xb8;
	[tilespmem:$0x1C800] =	vst v63  }
0x91: {  	s18 =	simm.s32 $0x0  }
.LBB2_7:
0x92: {  	_ =	swait.ge [sflag:s14], $0x800  }
0x93: {  	[sflag:s14] =	ssyncset.done $0x0  }
0x94: {  	[sflag:s14] =	ssyncadd.s32 $0xFFFFF800  }
.LBB2_9:
0x95: {  	s7 =	simm.s32 $0x1B800  }
0x96: {  	[spmem:s3] =	stream.indirect.scatter.add.f32 [tilespmem:s7], [sflag:$0xB], $0x10, s22, s13, $0xb8;
	[tilespmem:$0x1C800] =	vst v63  }
.LBB2_10:
0x97: {  	s22 =	simm.s32 @!p3 $0xA  }
0x98: {  	_ =	swait.ge @!p3 [sflag:s22], $0x2000  }
0x99: {  	s19 =	sadd.s32 @!p1 $0xCA00, s19;
	[sflag:s22] =	ssyncset.done @!p3 $0x0  }
0x9a: {  	s23 =	simm.s32 @!p1 $0x19800;
	[sflag:s22] =	ssyncadd.s32 @!p3 $0xFFFFE000;
	s22 =	simm.s32 @!p1 $0x80  }
0x9b: {  	[tilespmem:s23], [sflag:$0x5] =	stream.indirect.gather @!p1 [hbm4b:s5+s22], $0x40, s19, s22, $0xb8;
	[tilespmem:$0x1C800] =	vst v63  }
0x9c: {  	s19 =	sadd.s32 @p0 $0xCA00, s21;
	s21 =	simm.s32 @p0 $0x80;
	s23 =	simm.s32 @p0 $0x19800  }
0x9d: {  	[tilespmem:s23], [sflag:$0x5] =	stream.indirect.gather @p0 [hbm4b:s6+s21], $0x40, s19, s21, $0xb8;
	[tilespmem:$0x1C800] =	vst v63  }
0x9e: {  	_ =	swait.ge [sflag:s1], $0x2000  }
0x9f: {  	s7 =	simm.s32 $0x13800;
	[sflag:s1] =	ssyncset.done $0x0  }
0xa0: {  	s19 =	sadd.s32 $0xF080, s20;
	s21 =	simm.s32 @!p1 $0xB;
	[sflag:s1] =	ssyncadd.s32 $0xFFFFE000  }
0xa1: {  	[spmem:s2] =	stream.indirect.scatter.add.bf16 [tilespmem:s7], [sflag:$0x7], $0x40, s19, s13, $0xb8;
	[tilespmem:$0x1C800] =	vst v63  }
0xa2: {  	_ =	swait.ge @!p1 [sflag:s21], $0x800  }
0xa3: {  	[sflag:s21] =	ssyncset.done @!p1 $0x0  }
0xa4: {  	s23 =	simm.s32 @!p1 $0x1B800;
	[sflag:s21] =	ssyncadd.s32 @!p1 $0xFFFFF800  }
0xa5: {  	[spmem:s3] =	stream.indirect.scatter.add.f32 @!p1 [tilespmem:s23], [sflag:$0xB], $0x10, s19, s22, $0xb8;
	[tilespmem:$0x1C800] =	vst v63  }
0xa6: {  	_ =	swait.ge [sflag:s0], $0x2000  }
0xa7: {  	p4 =	seq.s32 s18, $0x9600;
	s7 =	rddreg [dreg:$0x5]  }
0xa8: {  	p3 =	sne.s32 @!p4 s7, $0x0  }
0xa9: {  	[sflag:s0] =	ssyncset.done $0x0;
	p3 =	por p3, p4  }
0xaa: {  	[sflag:s0] =	ssyncadd.s32 $0xFFFFE000;
	p4 =	por !p0, p4;
	s19 =	sshra.s32 @!p3 s18, $0x2  }
0xab: {  	s15 =	simm.s32 @!p3 $0x80;
	s31 =	simm.s32 @!p3 $0x11800;
	s24 =	sadd.s32 @!p3 $0xCA80, s19  }
0xac: {  	[tilespmem:s31], [sflag:$0x1] =	stream.indirect.gather @!p3 [hbm4b:s5+s15], $0x40, s24, s15, $0xb8;
	[tilespmem:$0x1C800] =	vst v63  }
0xad: {  	s24 =	sshra.s32 @!p4 s18, $0x2  }
0xae: {  	s30 =	simm.s32 @!p4 $0x80;
	s7 =	simm.s32 @!p4 $0x11800;
	s31 =	sadd.s32 @!p4 $0xCA80, s24  }
0xaf: {  	[tilespmem:s7], [sflag:$0x1] =	stream.indirect.gather @!p4 [hbm4b:s6+s30], $0x40, s31, s30, $0xb8;
	[tilespmem:$0x1C800] =	vst v63  }
0xb0: {  	_ =	swait.ge [sflag:s25], $0x2000  }
0xb1: {  	[sflag:s25] =	ssyncset.done $0x0  }
0xb2: {  	s7 =	sadd.s32 $0xF100, s20;
	[sflag:s25] =	ssyncadd.s32 $0xFFFFE000  }
0xb3: {  	[spmem:s2] =	stream.indirect.scatter.add.bf16 [tilespmem:s26], [sflag:$0x8], $0x40, s7, s13, $0xb8;
	[tilespmem:$0x1C800] =	vst v63  }
0xb4: {  	_ =	swait.ge @!p1 [sflag:s21], $0x800  }
0xb5: {  	[sflag:s21] =	ssyncset.done @!p1 $0x0  }
0xb6: {  	[sflag:s21] =	ssyncadd.s32 @!p1 $0xFFFFF800  }
0xb7: {  	[spmem:s3] =	stream.indirect.scatter.add.f32 @!p1 [tilespmem:s23], [sflag:$0xB], $0x10, s7, s22, $0xb8;
	[tilespmem:$0x1C800] =	vst v63  }
0xb8: {  	_ =	swait.ge [sflag:s28], $0x2000  }
0xb9: {  	[sflag:s28] =	ssyncset.done $0x0  }
0xba: {  	s31 =	simm.s32 @!p3 $0x13800;
	s7 =	sadd.s32 @!p3 $0xCB00, s19;
	[sflag:s28] =	ssyncadd.s32 $0xFFFFE000  }
0xbb: {  	[tilespmem:s31], [sflag:$0x2] =	stream.indirect.gather @!p3 [hbm4b:s5+s15], $0x40, s7, s15, $0xb8;
	[tilespmem:$0x1C800] =	vst v63  }
0xbc: {  	s7 =	sadd.s32 @!p4 $0xCB00, s24;
	s31 =	simm.s32 @!p4 $0x13800  }
0xbd: {  	[tilespmem:s31], [sflag:$0x2] =	stream.indirect.gather @!p4 [hbm4b:s6+s30], $0x40, s7, s30, $0xb8;
	[tilespmem:$0x1C800] =	vst v63  }
0xbe: {  	_ =	swait.ge [sflag:s4], $0x2000  }
0xbf: {  	[sflag:s4] =	ssyncset.done $0x0  }
0xc0: {  	s7 =	sadd.s32 $0xF180, s20;
	[sflag:s4] =	ssyncadd.s32 $0xFFFFE000  }
0xc1: {  	[spmem:s2] =	stream.indirect.scatter.add.bf16 [tilespmem:s9], [sflag:$0x9], $0x40, s7, s13, $0xb8;
	[tilespmem:$0x1C800] =	vst v63  }
0xc2: {  	_ =	swait.ge @!p1 [sflag:s21], $0x800  }
0xc3: {  	[sflag:s21] =	ssyncset.done @!p1 $0x0  }
0xc4: {  	[sflag:s21] =	ssyncadd.s32 @!p1 $0xFFFFF800  }
0xc5: {  	[spmem:s3] =	stream.indirect.scatter.add.f32 @!p1 [tilespmem:s23], [sflag:$0xB], $0x10, s7, s22, $0xb8;
	[tilespmem:$0x1C800] =	vst v63  }
0xc6: {  	_ =	swait.ge [sflag:s10], $0x2000  }
0xc7: {  	[sflag:s10] =	ssyncset.done $0x0  }
0xc8: {  	s7 =	sadd.s32 @!p3 $0xCB80, s19;
	s19 =	simm.s32 @!p3 $0x15800;
	[sflag:s10] =	ssyncadd.s32 $0xFFFFE000  }
0xc9: {  	[tilespmem:s19], [sflag:$0x3] =	stream.indirect.gather @!p3 [hbm4b:s5+s15], $0x40, s7, s15, $0xb8;
	[tilespmem:$0x1C800] =	vst v63  }
0xca: {  	s7 =	sadd.s32 @!p4 $0xCB80, s24;
	s15 =	simm.s32 @!p4 $0x15800  }
0xcb: {  	[tilespmem:s15], [sflag:$0x3] =	stream.indirect.gather @!p4 [hbm4b:s6+s30], $0x40, s7, s30, $0xb8;
	[tilespmem:$0x1C800] =	vst v63  }
0xcc: {  	_ =	swait.ge [sflag:s11], $0x2000  }
0xcd: {  	s18 =	sadd.s32 $0xA00, s18;
	[sflag:s11] =	ssyncset.done $0x0  }
0xce: {  	p3 =	sne.s32 s18, $0xA000;
	s7 =	sadd.s32 $0xF200, s20;
	[sflag:s11] =	ssyncadd.s32 $0xFFFFE000  }
0xcf: {  	[spmem:s2] =	stream.indirect.scatter.add.bf16 [tilespmem:s16], [sflag:$0xA], $0x40, s7, s13, $0xb8;
	[tilespmem:$0x1C800] =	vst v63  }
.Ltmp5:
0xd0: {  	_ = 	snop;
	(pc) =	sbr.rel @!p3 .LBB2_11-.Ltmp5, $4  }
0xd1: {  	_ =	swait.ge @!p1 [sflag:s21], $0x800  }
0xd2: {  	[sflag:s21] =	ssyncset.done @!p1 $0x0  }
0xd3: {  	[sflag:s21] =	ssyncadd.s32 @!p1 $0xFFFFF800  }
0xd4: {  	[spmem:s3] =	stream.indirect.scatter.add.f32 @!p1 [tilespmem:s23], [sflag:$0xB], $0x10, s7, s22, $0xb8;
	[tilespmem:$0x1C800] =	vst v63  }
.LBB2_6:
0xd5: {  	p3 =	seq.s32 s18, $0x0  }
0xd6: {  	s20 =	simm.s32 @!p3 $0x9  }
0xd7: {  	_ =	swait.ge @!p3 [sflag:s20], $0x2000  }
0xd8: {  	s19 =	sshra.s32 @!p1 s18, $0x2;
	[sflag:s20] =	ssyncset.done @!p3 $0x0  }
0xd9: {  	s21 =	simm.s32 @!p1 $0x17800;
	[sflag:s20] =	ssyncadd.s32 @!p3 $0xFFFFE000;
	s20 =	sadd.s32 @!p1 $0xC980, s19  }
0xda: {  	[tilespmem:s21], [sflag:$0x4] =	stream.indirect.gather @!p1 [hbm4b:s5+s8], $0x40, s20, s8, $0xb8;
	[tilespmem:$0x1C800] =	vst v63  }
0xdb: {  	p4 =	seq.s32 @!p1 s18, $0x0;
	s21 =	sshra.s32 @p0 s18, $0x2  }
0xdc: {  	s22 =	simm.s32 @p0 $0x17800;
	p4 =	por p1, p4;
	s20 =	sadd.s32 @p0 $0xC980, s21  }
0xdd: {  	[tilespmem:s22], [sflag:$0x4] =	stream.indirect.gather @p0 [hbm4b:s6+s17], $0x40, s20, s17, $0xb8;
	[tilespmem:$0x1C800] =	vst v63  }
.Ltmp6:
0xde: {  	_ = 	snop;
	(pc) =	sbr.rel @!p4 .LBB2_7-.Ltmp6, $4  }
0xdf: {  	_ =	swait.ge [sflag:s12], $0x2000  }
0xe0: {  	s20 =	sshra.s32 s18, $0x2;
	[sflag:s12] =	ssyncset.done $0x0  }
0xe1: {  	s22 =	sadd.s32 $0xF000, s20;
	[sflag:s12] =	ssyncadd.s32 $0xFFFFE000  }
0xe2: {  	[spmem:s2] =	stream.indirect.scatter.add.bf16 [tilespmem:s29], [sflag:$0x6], $0x40, s22, s13, $0xb8;
	[tilespmem:$0x1C800] =	vst v63  }
.Ltmp7:
0xe3: {  	(pc) =	sbr.rel @p1 .LBB2_10-.Ltmp7, $4  }
.Ltmp8:
0xe4: {  	(pc) =	sbr.rel @!p1 .LBB2_9-.Ltmp8, $4  }
0xe5: {  	_ = 	snop  }
0xe6: {  	_ = 	snop  }
0xe7: {  	_ = 	snop  }
0xe8: {  	_ = 	snop  }
.LBB2_11:
0xe9: {  	s7 =	simm.s32 $0x9  }
0xea: {  	_ =	swait.ge [sflag:s7], $0x2000  }
0xeb: {  	[sflag:s7] =	ssyncset.done $0x0  }
0xec: {  	s30 =	simm.s32 $0xA;
	[sflag:s7] =	ssyncadd.s32 $0xFFFFE000  }
0xed: {  	_ =	swait.ge [sflag:s30], $0x2000  }
0xee: {  	[sflag:s30] =	ssyncset.done $0x0  }
0xef: {  	[sflag:s30] =	ssyncadd.s32 $0xFFFFE000  }
0xf0: {  	[bflag:$0x0] =	sbarrier.arrive @p1 $0xFFFF  }
0xf1: {  	_ =	swait.ge @!p1 [sflag:s21], $0x800  }
0xf2: {  	[sflag:s21] =	ssyncset.done @!p1 $0x0  }
0xf3: {  	[sflag:s21] =	ssyncadd.s32 @!p1 $0xFFFFF800  }
0xf4: {  	s8 =	stileid.u32;
	[bflag:$0x0] =	sbarrier.arrive @!p1 $0xFFFF  }
0xf5: {  	s7 =	sshll.u32 @!p1 s8, $0x6;
	s15 =	rddreg [dreg:$0x6]  }
0xf6: {  	s21 =	sor.u32 @!p1 $0x1C0C, s7;
	s7 =	rddreg [dreg:$0xa];
	s17 =	sshrl.u32 @!p1 s15, $0x3  }
0xf7: {  	[dreg:$0x1b] =	wrdreg s17  }
0xf8: {  	[hbm:s7], [sflag:s21] =	dma.local @!p1 [spmem:s17], $0x1400  }
0xf9: {  	s7 =	simm.s32 @!p1 $0xC  }
0xfa: {  	s15 =	sshrl.u32 @p0 s15, $0x3;
	_ =	swait.ge @!p1 [sflag:s7], $0x1400  }
0xfb: {  	s8 =	sshll.u32 @p0 s8, $0x6;
	[dreg:$0x1c] =	wrdreg s15;
	[sflag:s7] =	ssyncset.done @!p1 $0x0  }
0xfc: {  	s17 =	sor.u32 @p0 $0x1C0C, s8;
	s8 =	rddreg [dreg:$0xb];
	[sflag:s7] =	ssyncadd.s32 @!p1 $0xFFFFEC00  }
0xfd: {  	[hbm:s8], [sflag:s17] =	dma.local @p0 [spmem:s15], $0x1400  }
0xfe: {  	s8 =	simm.s32 @p0 $0xC  }
0xff: {  	_ =	swait.ge @p0 [sflag:s8], $0x1400  }
0x100: {  	[sflag:s8] =	ssyncset.done @p0 $0x0  }
0x101: {  	[sflag:s8] =	ssyncadd.s32 @p0 $0xFFFFEC00;
	s8 =	rddreg [dreg:$0x16]  }
0x102: {  	s15 =	rddreg [dreg:$0x17];
	s8 =	sshrl.u32 @!p1 s8, $0x3  }
0x103: {  	[hbm:s15], [sflag:s21] =	dma.local @!p1 [spmem:s8], $0x500  }
0x104: {  	_ =	swait.ge @!p1 [sflag:s7], $0x500  }
0x105: {  	[sflag:s7] =	ssyncset.done @!p1 $0x0  }
0x106: {  	s31 =	smov.u32 s17;
	[sflag:s7] =	ssyncadd.s32 @!p1 $0xFFFFFB00  }
0x107: {  	s17 =	simm.s32 $0x100;
	s8 =	simm.s32 $0x0;
	[bflag:$0x0] =	sbarrier.arrive $0xFFFF  }
.LBB2_12:
0x108: {  	p3 =	sne.s32 s17, $0x7F00;
	[tilespmem:s8+$0x11830] =	vst v2;
	s7 =	smov.u32 s17;
	s17 =	sadd.s32 $0x100, s17  }
.Ltmp9:
0x109: {  	[tilespmem:s8+$0x11820] =	vst v2;
	(pc) =	sbr.rel @p3 .LBB2_12-.Ltmp9, $3  }
0x10a: {  	[tilespmem:s8+$0x11800] =	vst v2  }
0x10b: {  	[tilespmem:s8+$0x11810] =	vst v2;
	_ =	sdelay $0x1  }
0x10c: {  	s8 =	sshra.s32 s7, $0x2  }
0x10d: {  	[tilespmem:s8+$0x11830] =	vst v2  }
0x10e: {  	[tilespmem:s8+$0x11820] =	vst v2  }
0x10f: {  	[tilespmem:s8+$0x11800] =	vst v2  }
0x110: {  	[tilespmem:s8+$0x11810] =	vst v2;
	s7 =	rddreg [dreg:$0x6];
	s17 =	simm.s32 $0xC  }
0x111: {  	[spmem:s7] =	stream.linear.scatter [tilespmem:s29], [sflag:$0xC], $0x2000, $0x38;
	[tilespmem:$0x1C800] =	vst v63  }
0x112: {  	_ =	swait.ge [sflag:s17], $0x2000  }
0x113: {  	[sflag:s17] =	ssyncset.done $0x0  }
0x114: {  	s8 =	rddreg [dreg:$0x7];
	[sflag:s17] =	ssyncadd.s32 $0xFFFFE000  }
0x115: {  	[spmem:s8] =	stream.linear.scatter [tilespmem:s29], [sflag:$0xC], $0x2000, $0x38;
	[tilespmem:$0x1C800] =	vst v63  }
0x116: {  	_ =	swait.ge [sflag:s17], $0x2000  }
0x117: {  	[sflag:s17] =	ssyncset.done $0x0  }
0x118: {  	s15 =	rddreg [dreg:$0x8];
	[sflag:s17] =	ssyncadd.s32 $0xFFFFE000  }
0x119: {  	[spmem:s15] =	stream.linear.scatter [tilespmem:s29], [sflag:$0xC], $0x2000, $0x38;
	[tilespmem:$0x1C800] =	vst v63  }
0x11a: {  	_ =	swait.ge [sflag:s17], $0x2000  }
0x11b: {  	[sflag:s17] =	ssyncset.done $0x0  }
0x11c: {  	s18 =	rddreg [dreg:$0x9];
	[sflag:s17] =	ssyncadd.s32 $0xFFFFE000  }
0x11d: {  	[spmem:s18] =	stream.linear.scatter [tilespmem:s29], [sflag:$0xC], $0x2000, $0x38;
	[tilespmem:$0x1C800] =	vst v63  }
0x11e: {  	_ =	swait.ge [sflag:s17], $0x2000  }
0x11f: {  	[sflag:s17] =	ssyncset.done $0x0  }
0x120: {  	s19 =	rddreg [dreg:$0xe];
	[sflag:s17] =	ssyncadd.s32 $0xFFFFE000  }
0x121: {  	[spmem:s19] =	stream.linear.scatter [tilespmem:s29], [sflag:$0xC], $0x2000, $0x38;
	[tilespmem:$0x1C800] =	vst v63  }
0x122: {  	_ =	swait.ge [sflag:s17], $0x2000  }
0x123: {  	[sflag:s17] =	ssyncset.done $0x0  }
0x124: {  	s7 =	simm.s32 @p0 $0x1C000;
	s8 =	rddreg [dreg:$0xf];
	[sflag:s17] =	ssyncadd.s32 $0xFFFFE000  }
0x125: {  	[spmem:s8] =	stream.linear.scatter @p0 [tilespmem:s7], [sflag:$0xC], $0x800, $0x38;
	[tilespmem:$0x1C800] =	vst v63  }
0x126: {  	s8 =	simm.s32 @p0 $0xC  }
0x127: {  	_ =	swait.ge @p0 [sflag:s8], $0x800  }
0x128: {  	[sflag:s8] =	ssyncset.done @p0 $0x0  }
0x129: {  	s15 =	rddreg [dreg:$0x10];
	[sflag:s8] =	ssyncadd.s32 @p0 $0xFFFFF800  }
0x12a: {  	[spmem:s15] =	stream.linear.scatter @p0 [tilespmem:s7], [sflag:$0xC], $0x800, $0x38;
	[tilespmem:$0x1C800] =	vst v63  }
0x12b: {  	_ =	swait.ge @p0 [sflag:s8], $0x800  }
0x12c: {  	[sflag:s8] =	ssyncset.done @p0 $0x0  }
0x12d: {  	s15 =	rddreg [dreg:$0x11];
	[sflag:s8] =	ssyncadd.s32 @p0 $0xFFFFF800  }
0x12e: {  	[spmem:s15] =	stream.linear.scatter @p0 [tilespmem:s7], [sflag:$0xC], $0x800, $0x38;
	[tilespmem:$0x1C800] =	vst v63  }
0x12f: {  	_ =	swait.ge @p0 [sflag:s8], $0x800  }
0x130: {  	[sflag:s8] =	ssyncset.done @p0 $0x0  }
0x131: {  	s15 =	rddreg [dreg:$0x12];
	[sflag:s8] =	ssyncadd.s32 @p0 $0xFFFFF800  }
0x132: {  	[spmem:s15] =	stream.linear.scatter @p0 [tilespmem:s7], [sflag:$0xC], $0x800, $0x38;
	[tilespmem:$0x1C800] =	vst v63  }
0x133: {  	_ =	swait.ge @p0 [sflag:s8], $0x800  }
0x134: {  	[sflag:s8] =	ssyncset.done @p0 $0x0  }
0x135: {  	s15 =	rddreg [dreg:$0x13];
	[sflag:s8] =	ssyncadd.s32 @p0 $0xFFFFF800  }
0x136: {  	[spmem:s15] =	stream.linear.scatter @p0 [tilespmem:s7], [sflag:$0xC], $0x800, $0x38;
	[tilespmem:$0x1C800] =	vst v63  }
0x137: {  	_ =	swait.ge @p0 [sflag:s8], $0x800  }
0x138: {  	s20 =	simm.s32 $0x0;
	[sflag:s8] =	ssyncset.done @p0 $0x0  }
0x139: {  	s23 =	simm.s32 $0xC800;
	s22 =	rddreg [dreg:$0x15];
	[sflag:s8] =	ssyncadd.s32 @p0 $0xFFFFF800  }
0x13a: {  	[tilespmem:s23], [sflag:$0xC] =	stream.linear.gather [hbm4b:s22+s20], $0x2800, $0x38;
	[tilespmem:$0x1C800] =	vst v63  }
0x13b: {  	_ =	swait.ge [sflag:s17], $0x2800  }
0x13c: {  	[sflag:s17] =	ssyncset.done $0x0  }
0x13d: {  	s30 =	simm.s32 $0xF000;
	s24 =	rddreg [dreg:$0x14];
	[sflag:s17] =	ssyncadd.s32 $0xFFFFD800  }
0x13e: {  	[tilespmem:s30], [sflag:$0xC] =	stream.linear.gather [hbm4b:s24+s20], $0x2800, $0x38;
	[tilespmem:$0x1C800] =	vst v63  }
0x13f: {  	_ =	swait.ge [sflag:s17], $0x2800  }
0x140: {  	[sflag:s17] =	ssyncset.done $0x0  }
0x141: {  	s7 =	simm.s32 @!p1 $0xC800;
	[sflag:s17] =	ssyncadd.s32 $0xFFFFD800  }
0x142: {  	s8 =	simm.s32 @!p1 $0x11800;
	s24 =	simm.s32 @!p1 $0x80;
	[bflag:$0x0] =	sbarrier.arrive $0xFFFF  }
0x143: {  	[tilespmem:s8], [sflag:$0x1] =	stream.indirect.gather @!p1 [hbm4b:s5+s24], $0x40, s7, s24, $0xb8;
	[tilespmem:$0x1C800] =	vst v63  }
0x144: {  	s17 =	simm.s32 @p0 $0x80;
	s7 =	simm.s32 @p0 $0xC800;
	s8 =	simm.s32 @p0 $0x11800  }
0x145: {  	[tilespmem:s8], [sflag:$0x1] =	stream.indirect.gather @p0 [hbm4b:s6+s17], $0x40, s7, s17, $0xb8;
	[tilespmem:$0x1C800] =	vst v63  }
0x146: {  	s7 =	simm.s32 @!p1 $0xC880;
	s8 =	simm.s32 @!p1 $0x13800  }
0x147: {  	[tilespmem:s8], [sflag:$0x2] =	stream.indirect.gather @!p1 [hbm4b:s5+s24], $0x40, s7, s24, $0xb8;
	[tilespmem:$0x1C800] =	vst v63  }
0x148: {  	s18 =	simm.s32 @p0 $0x13800;
	s7 =	simm.s32 @p0 $0xC880  }
0x149: {  	[tilespmem:s18], [sflag:$0x2] =	stream.indirect.gather @p0 [hbm4b:s6+s17], $0x40, s7, s17, $0xb8;
	[tilespmem:$0x1C800] =	vst v63  }
.Ltmp10:
0x14a: {  	s8 =	simm.s32 @!p1 $0x15800;
	s7 =	simm.s32 @!p1 $0xC900;
	(pc) =	sbr.rel .LBB2_14-.Ltmp10, $4  }
0x14b: {  	[tilespmem:s8], [sflag:$0x3] =	stream.indirect.gather @!p1 [hbm4b:s5+s24], $0x40, s7, s24, $0xb8;
	[tilespmem:$0x1C800] =	vst v63  }
0x14c: {  	s7 =	simm.s32 @p0 $0xC900;
	s8 =	simm.s32 @p0 $0x15800  }
0x14d: {  	[tilespmem:s8], [sflag:$0x3] =	stream.indirect.gather @p0 [hbm4b:s6+s17], $0x40, s7, s17, $0xb8;
	[tilespmem:$0x1C800] =	vst v63  }
0x14e: {  	s8 =	simm.s32 $0x0  }
.LBB2_26:
0x14f: {  	s7 =	sadd.s32 $0xCB80, s22  }
0x150: {  	[tilespmem:s26], [sflag:$0x3] =	stream.indirect.gather [hbm4b:s6+s13], $0x40, s7, s13, $0xb8;
	[tilespmem:$0x1C800] =	vst v63  }
.LBB2_27:
0x151: {  	_ =	swait.ge [sflag:s11], $0x2000  }
0x152: {  	[sflag:s11] =	ssyncset.done $0x0  }
0x153: {  	s7 =	sadd.s32 $0xF200, s22;
	s15 =	simm.s32 @p0 $0xB;
	[sflag:s11] =	ssyncadd.s32 $0xFFFFE000  }
0x154: {  	[spmem:s2] =	stream.indirect.scatter.add.bf16 [tilespmem:s16], [sflag:$0xA], $0x40, s7, s13, $0xb8;
	[tilespmem:$0x1C800] =	vst v63  }
0x155: {  	_ =	swait.ge @p0 [sflag:s15], $0x800  }
0x156: {  	[sflag:s15] =	ssyncset.done @p0 $0x0  }
0x157: {  	s19 =	simm.s32 @p0 $0x1B800;
	[sflag:s15] =	ssyncadd.s32 @p0 $0xFFFFF800;
	s15 =	simm.s32 @p0 $0x80  }
0x158: {  	[spmem:s3] =	stream.indirect.scatter.add.f32 @p0 [tilespmem:s19], [sflag:$0xB], $0x10, s7, s15, $0xb8;
	[tilespmem:$0x1C800] =	vst v63  }
.LBB2_29:
0x159: {  	s8 =	sadd.s32 $0xA00, s8  }
0x15a: {  	p3 =	sne.s32 s8, $0xA000  }
.Ltmp11:
0x15b: {  	_ = 	snop;
	(pc) =	sbr.rel @!p3 .LBB2_30-.Ltmp11, $1  }
0x15c: {  	_ =	sdelay $0x3  }
.LBB2_14:
0x15d: {  	p3 =	seq.s32 s8, $0x0  }
0x15e: {  	s7 =	simm.s32 @!p3 $0x9  }
0x15f: {  	_ =	swait.ge @!p3 [sflag:s7], $0x2000  }
0x160: {  	s23 =	sshra.s32 @!p1 s8, $0x2;
	[sflag:s7] =	ssyncset.done @!p3 $0x0  }
0x161: {  	s15 =	simm.s32 @!p1 $0x17800;
	[sflag:s7] =	ssyncadd.s32 @!p3 $0xFFFFE000;
	s7 =	sadd.s32 @!p1 $0xC980, s23  }
0x162: {  	[tilespmem:s15], [sflag:$0x4] =	stream.indirect.gather @!p1 [hbm4b:s5+s24], $0x40, s7, s24, $0xb8;
	[tilespmem:$0x1C800] =	vst v63  }
0x163: {  	s7 =	sshra.s32 @p0 s8, $0x2  }
0x164: {  	s19 =	simm.s32 @p0 $0x17800;
	s15 =	sadd.s32 @p0 $0xC980, s7  }
0x165: {  	[tilespmem:s19], [sflag:$0x4] =	stream.indirect.gather @p0 [hbm4b:s6+s17], $0x40, s15, s17, $0xb8;
	[tilespmem:$0x1C800] =	vst v63  }
0x166: {  	_ =	swait.ge [sflag:s12], $0x2000  }
0x167: {  	s22 =	sshra.s32 s8, $0x2;
	p4 =	por p3, p2;
	[sflag:s12] =	ssyncset.done $0x0  }
0x168: {  	s15 =	sadd.s32 $0xF000, s22;
	s19 =	simm.s32 @!p4 $0xB;
	[sflag:s12] =	ssyncadd.s32 $0xFFFFE000  }
0x169: {  	[spmem:s2] =	stream.indirect.scatter.add.bf16 [tilespmem:s29], [sflag:$0x6], $0x40, s15, s13, $0xb8;
	[tilespmem:$0x1C800] =	vst v63  }
0x16a: {  	_ =	swait.ge @!p4 [sflag:s19], $0x800  }
0x16b: {  	[sflag:s19] =	ssyncset.done @!p4 $0x0  }
0x16c: {  	[sflag:s19] =	ssyncadd.s32 @!p4 $0xFFFFF800;
	s19 =	simm.s32 @p0 $0x1B800  }
0x16d: {  	[spmem:s3] =	stream.indirect.scatter.add.f32 @p0 [tilespmem:s19], [sflag:$0xB], $0x10, s15, s17, $0xb8;
	[tilespmem:$0x1C800] =	vst v63  }
0x16e: {  	s15 =	simm.s32 @!p3 $0xA  }
0x16f: {  	_ =	swait.ge @!p3 [sflag:s15], $0x2000  }
0x170: {  	[sflag:s15] =	ssyncset.done @!p3 $0x0  }
0x171: {  	s20 =	simm.s32 @!p1 $0x19800;
	[sflag:s15] =	ssyncadd.s32 @!p3 $0xFFFFE000;
	s15 =	sadd.s32 @!p1 $0xCA00, s23  }
0x172: {  	[tilespmem:s20], [sflag:$0x5] =	stream.indirect.gather @!p1 [hbm4b:s5+s24], $0x40, s15, s24, $0xb8;
	[tilespmem:$0x1C800] =	vst v63  }
0x173: {  	s15 =	simm.s32 @!p0 $0x2  }
0x174: {  	_ =	swait.ge @!p0 [sflag:s15], $0x2000  }
0x175: {  	[sflag:s15] =	ssyncset.done @!p0 $0x0  }
0x176: {  	[sflag:s15] =	ssyncadd.s32 @!p0 $0xFFFFE000;
	s15 =	sshra.s32 @!p0 s8, $0x2  }
0x177: {  	s30 =	simm.s32 @!p0 $0x13800;
	s20 =	simm.s32 @!p0 $0x80;
	s15 =	sadd.s32 @!p0 $0xF080, s15  }
0x178: {  	[spmem:s2] =	stream.indirect.scatter.add.bf16 @!p0 [tilespmem:s30], [sflag:$0x7], $0x40, s15, s20, $0xb8;
	[tilespmem:$0x1C800] =	vst v63  }
0x179: {  	s15 =	sadd.s32 @p0 $0xCA00, s7;
	s20 =	simm.s32 @p0 $0x19800  }
0x17a: {  	[tilespmem:s20], [sflag:$0x5] =	stream.indirect.gather @p0 [hbm4b:s6+s17], $0x40, s15, s17, $0xb8;
	[tilespmem:$0x1C800] =	vst v63  }
0x17b: {  	s15 =	simm.s32 @p0 $0x2  }
0x17c: {  	_ =	swait.ge @p0 [sflag:s15], $0x2000  }
0x17d: {  	[sflag:s15] =	ssyncset.done @p0 $0x0  }
0x17e: {  	s7 =	sadd.s32 @p0 $0xF080, s7;
	s20 =	simm.s32 @p0 $0xB;
	[sflag:s15] =	ssyncadd.s32 @p0 $0xFFFFE000  }
0x17f: {  	[spmem:s2] =	stream.indirect.scatter.add.bf16 @p0 [tilespmem:s18], [sflag:$0x7], $0x40, s7, s17, $0xb8;
	[tilespmem:$0x1C800] =	vst v63  }
0x180: {  	_ =	swait.ge @p0 [sflag:s20], $0x800  }
0x181: {  	p3 =	seq.s32 s8, $0x9600;
	[sflag:s20] =	ssyncset.done @p0 $0x0  }
.Ltmp12:
0x182: {  	[sflag:s20] =	ssyncadd.s32 @p0 $0xFFFFF800;
	(pc) =	sbr.rel @p3 .LBB2_17-.Ltmp12, $4  }
0x183: {  	[spmem:s3] =	stream.indirect.scatter.add.f32 @p0 [tilespmem:s19], [sflag:$0xB], $0x10, s7, s17, $0xb8;
	[tilespmem:$0x1C800] =	vst v63  }
0x184: {  	_ =	swait.ge [sflag:s0], $0x2000  }
0x185: {  	[sflag:s0] =	ssyncset.done $0x0  }
0x186: {  	[sflag:s0] =	ssyncadd.s32 $0xFFFFE000  }
.Ltmp13:
0x187: {  	(pc) =	sbr.rel @!p0 .LBB2_18-.Ltmp13, $3  }
0x188: {  	_ =	sdelay $0x1  }
0x189: {  	s7 =	sadd.s32 @!p1 $0xCA80, s23;
	s15 =	simm.s32 @!p1 $0x80;
	s30 =	simm.s32 @!p1 $0x11800  }
0x18a: {  	[tilespmem:s30], [sflag:$0x1] =	stream.indirect.gather @!p1 [hbm4b:s5+s15], $0x40, s7, s15, $0xb8;
	[tilespmem:$0x1C800] =	vst v63  }
0x18b: {  	s7 =	sadd.s32 $0xCA80, s22  }
0x18c: {  	[tilespmem:s29], [sflag:$0x1] =	stream.indirect.gather [hbm4b:s6+s13], $0x40, s7, s13, $0xb8;
	[tilespmem:$0x1C800] =	vst v63  }
.LBB2_17:
0x18d: {  	_ =	swait.ge [sflag:s25], $0x2000  }
0x18e: {  	[sflag:s25] =	ssyncset.done $0x0  }
0x18f: {  	s7 =	sadd.s32 $0xF100, s22;
	[sflag:s25] =	ssyncadd.s32 $0xFFFFE000  }
0x190: {  	[spmem:s2] =	stream.indirect.scatter.add.bf16 [tilespmem:s26], [sflag:$0x8], $0x40, s7, s13, $0xb8;
	[tilespmem:$0x1C800] =	vst v63  }
.Ltmp14:
0x191: {  	_ = 	snop;
	(pc) =	sbr.rel .LBB2_19-.Ltmp14, $4  }
0x192: {  	_ =	swait.ge @p0 [sflag:s20], $0x800  }
0x193: {  	[sflag:s20] =	ssyncset.done @p0 $0x0  }
0x194: {  	s15 =	simm.s32 @p0 $0x80;
	[sflag:s20] =	ssyncadd.s32 @p0 $0xFFFFF800  }
0x195: {  	[spmem:s3] =	stream.indirect.scatter.add.f32 @p0 [tilespmem:s19], [sflag:$0xB], $0x10, s7, s15, $0xb8;
	[tilespmem:$0x1C800] =	vst v63  }
.LBB2_18:
0x196: {  	_ =	swait.ge [sflag:s25], $0x2000  }
0x197: {  	[sflag:s25] =	ssyncset.done $0x0  }
0x198: {  	s7 =	sadd.s32 $0xF100, s22;
	[sflag:s25] =	ssyncadd.s32 $0xFFFFE000  }
0x199: {  	[spmem:s2] =	stream.indirect.scatter.add.bf16 [tilespmem:s26], [sflag:$0x8], $0x40, s7, s13, $0xb8;
	[tilespmem:$0x1C800] =	vst v63  }
.LBB2_19:
.Ltmp15:
0x19a: {  	(pc) =	sbr.rel @p3 .LBB2_22-.Ltmp15, $4  }
0x19b: {  	_ = 	snop  }
0x19c: {  	_ =	swait.ge [sflag:s28], $0x2000  }
0x19d: {  	[sflag:s28] =	ssyncset.done $0x0  }
0x19e: {  	[sflag:s28] =	ssyncadd.s32 $0xFFFFE000  }
.Ltmp16:
0x19f: {  	(pc) =	sbr.rel @!p0 .LBB2_23-.Ltmp16, $3  }
0x1a0: {  	_ =	sdelay $0x1  }
0x1a1: {  	s7 =	sadd.s32 @!p1 $0xCB00, s23;
	s15 =	simm.s32 @!p1 $0x80;
	s19 =	simm.s32 @!p1 $0x13800  }
0x1a2: {  	[tilespmem:s19], [sflag:$0x2] =	stream.indirect.gather @!p1 [hbm4b:s5+s15], $0x40, s7, s15, $0xb8;
	[tilespmem:$0x1C800] =	vst v63  }
0x1a3: {  	s7 =	sadd.s32 $0xCB00, s22;
	s15 =	simm.s32 $0x13800  }
0x1a4: {  	[tilespmem:s15], [sflag:$0x2] =	stream.indirect.gather [hbm4b:s6+s13], $0x40, s7, s13, $0xb8;
	[tilespmem:$0x1C800] =	vst v63  }
.LBB2_22:
0x1a5: {  	_ =	swait.ge [sflag:s4], $0x2000  }
0x1a6: {  	[sflag:s4] =	ssyncset.done $0x0  }
0x1a7: {  	s7 =	sadd.s32 $0xF180, s22;
	[sflag:s4] =	ssyncadd.s32 $0xFFFFE000  }
0x1a8: {  	[spmem:s2] =	stream.indirect.scatter.add.bf16 [tilespmem:s9], [sflag:$0x9], $0x40, s7, s13, $0xb8;
	[tilespmem:$0x1C800] =	vst v63  }
.Ltmp17:
0x1a9: {  	s15 =	simm.s32 @p0 $0xB;
	(pc) =	sbr.rel .LBB2_24-.Ltmp17, $4  }
0x1aa: {  	_ =	swait.ge @p0 [sflag:s15], $0x800  }
0x1ab: {  	[sflag:s15] =	ssyncset.done @p0 $0x0  }
0x1ac: {  	s19 =	simm.s32 @p0 $0x1B800;
	[sflag:s15] =	ssyncadd.s32 @p0 $0xFFFFF800;
	s15 =	simm.s32 @p0 $0x80  }
0x1ad: {  	[spmem:s3] =	stream.indirect.scatter.add.f32 @p0 [tilespmem:s19], [sflag:$0xB], $0x10, s7, s15, $0xb8;
	[tilespmem:$0x1C800] =	vst v63  }
.LBB2_23:
0x1ae: {  	_ =	swait.ge [sflag:s4], $0x2000  }
0x1af: {  	[sflag:s4] =	ssyncset.done $0x0  }
0x1b0: {  	s7 =	sadd.s32 $0xF180, s22;
	[sflag:s4] =	ssyncadd.s32 $0xFFFFE000  }
0x1b1: {  	[spmem:s2] =	stream.indirect.scatter.add.bf16 [tilespmem:s9], [sflag:$0x9], $0x40, s7, s13, $0xb8;
	[tilespmem:$0x1C800] =	vst v63  }
.LBB2_24:
.Ltmp18:
0x1b2: {  	(pc) =	sbr.rel @p3 .LBB2_27-.Ltmp18, $4  }
0x1b3: {  	_ = 	snop  }
0x1b4: {  	_ =	swait.ge [sflag:s10], $0x2000  }
0x1b5: {  	[sflag:s10] =	ssyncset.done $0x0  }
0x1b6: {  	[sflag:s10] =	ssyncadd.s32 $0xFFFFE000  }
.Ltmp19:
0x1b7: {  	(pc) =	sbr.rel @p0 .LBB2_26-.Ltmp19, $3  }
0x1b8: {  	_ =	sdelay $0x1  }
0x1b9: {  	s7 =	sadd.s32 @!p1 $0xCB80, s23;
	s15 =	simm.s32 @!p1 $0x80;
	s19 =	simm.s32 @!p1 $0x15800  }
0x1ba: {  	[tilespmem:s19], [sflag:$0x3] =	stream.indirect.gather @!p1 [hbm4b:s5+s15], $0x40, s7, s15, $0xb8;
	[tilespmem:$0x1C800] =	vst v63  }
.Ltmp20:
0x1bb: {  	(pc) =	sbr.rel .LBB2_29-.Ltmp20, $4  }
0x1bc: {  	_ =	swait.ge [sflag:s11], $0x2000  }
0x1bd: {  	[sflag:s11] =	ssyncset.done $0x0  }
0x1be: {  	s7 =	sadd.s32 $0xF200, s22;
	[sflag:s11] =	ssyncadd.s32 $0xFFFFE000  }
0x1bf: {  	[spmem:s2] =	stream.indirect.scatter.add.bf16 [tilespmem:s16], [sflag:$0xA], $0x40, s7, s13, $0xb8;
	[tilespmem:$0x1C800] =	vst v63  }
.LBB2_31:
0x1c0: {  	_ =	sfence.sel $0x180000  }
0x1c1: {  	[bflag:$0x0] =	sbarrier.arrive $0xFFFF  }
0x1c2: {  	_ =	strace $0x90000047  }
0x1c3: {  	s0 =	stileid.u32;
	[bflag:$0x2] =	sbarrier.arrive $0xFFFF  }
0x1c4: {  	p0 =	sne.s32 s0, $0x0;
	s0 =	rddreg [dreg:$0x4]  }
0x1c5: {  	s0 =	sadd.s32 @!p0 $0x100000, s0  }
0x1c6: {  	[sflag:s0] =	ssyncadd.tile.s32 @!p0 $0x1;
	_ =	shalt  }
.Lfunc_end2:
_tile_overlayer_lowered:
.L_overlay_start_2:
0x1c7: {  	(tag) =	ssettag $0x2  }
0x1c8: {  	s0 =	rddreg [dreg:$0x0];
	s2 =	stileid.u32  }
0x1c9: {  	s1 =	rddreg [dreg:$0x1];
	p0 =	sne.s32 s2, $0x0  }
0x1ca: {  	s3 =	rddreg [dreg:$0x2];
	[bflag:$0x3] =	sbarrier.arrive $0xFFFF;
	s2 =	simm.s32 @!p0 $0x1C0C  }
0x1cb: {  	[timem:s3], [sflag:s2] =	dma.local @!p0 [hbm:s0], s1  }
0x1cc: {  	s0 =	simm.s32 @!p0 $0xC  }
0x1cd: {  	_ =	swait.ge @!p0 [sflag:s0], s1  }
0x1ce: {  	s1 =	ssub.s32 @!p0 $0x0, s1;
	[sflag:s0] =	ssyncset.done @!p0 $0x0  }
0x1cf: {  	[sflag:s0] =	ssyncadd.s32 @!p0 s1  }
0x1d0: {  	[bflag:$0x3] =	sbarrier.arrive $0xFFFF  }
0x1d1: {  	_ =	shalt  }

</sc_bundles>
